<compile_context>
chip_gen: v7x
topology: tpu7x:2x2x1
jax: 0.10.2.dev20260603
libtpu: 0.0.44.dev20260713+nightly
codegen_flags: <defaults>
</compile_context>

<pallas_src>
import jax
import jax.numpy as jnp
from jax import lax
from jax.experimental import pallas as pl
from jax.experimental.pallas import tpu as pltpu
from jax.experimental.pallas import tpu_sc as plsc

N = 320000
D = 128
G = 512
NC, NS = 2, 16
NW = NC * NS
CHUNK = 80
BM = 1600
SLABS = ((0, 76800), (76800, 76800), (153600, 76800), (230400, 76800),
         (307200, 12800))


def _gate_body(x_ref, w_ref, z_ref):
    y = jnp.dot(x_ref[...].astype(jnp.bfloat16), w_ref[...].astype(jnp.bfloat16),
                preferred_element_type=jnp.float32)
    a = y[:, :D]
    b = y[:, D:]
    z_ref[...] = jnp.where(a > 0.0, a, jnp.exp(a) - 1.0) * b


def _gated_matmul(x, wc, start, nslab):
    blk0 = start // BM
    return pl.pallas_call(
        _gate_body,
        grid=(nslab // BM,),
        in_specs=[
            pl.BlockSpec((BM, D), lambda i, b=blk0: (b + i, 0)),
            pl.BlockSpec((D, 2 * D), lambda i: (0, 0)),
        ],
        out_specs=pl.BlockSpec((BM, D), lambda i: (i, 0)),
        out_shape=jax.ShapeDtypeStruct((nslab, D), jnp.float32),
    )(x, wc)


def _sc_body(rows_w, nch,
             z_hbm, idx_hbm, zero_hbm, out_hbm,
             idx_v, zb0, zb1, stage, shared, sem0, sem1):
    c = lax.axis_index("c")
    s = lax.axis_index("s")
    wid = c * NS + s
    gs = G // NS
    pltpu.sync_copy(zero_hbm.at[pl.ds(s * gs, gs)], shared.at[pl.ds(s * gs, gs)])
    pltpu.sync_copy(idx_hbm.at[wid], idx_v)
    plsc.subcore_barrier()

    row0 = wid * rows_w
    pltpu.make_async_copy(z_hbm.at[pl.ds(row0, CHUNK)], zb0, sem0).start()
    pltpu.make_async_copy(z_hbm.at[pl.ds(row0 + CHUNK, CHUNK)], zb1, sem1).start()

    def step(k, carry):
        j0 = 2 * k
        pltpu.make_async_copy(z_hbm.at[pl.ds(row0 + j0 * CHUNK, CHUNK)],
                              zb0, sem0).wait()
        pltpu.sync_copy(zb0, shared.at[idx_v.at[j0]], add=True)

        @pl.when(j0 + 2 < nch)
        def _():
            pltpu.make_async_copy(
                z_hbm.at[pl.ds(row0 + (j0 + 2) * CHUNK, CHUNK)], zb0, sem0
            ).start()

        pltpu.make_async_copy(z_hbm.at[pl.ds(row0 + (j0 + 1) * CHUNK, CHUNK)],
                              zb1, sem1).wait()
        pltpu.sync_copy(zb1, shared.at[idx_v.at[j0 + 1]], add=True)

        @pl.when(j0 + 3 < nch)
        def _():
            pltpu.make_async_copy(
                z_hbm.at[pl.ds(row0 + (j0 + 3) * CHUNK, CHUNK)], zb1, sem1
            ).start()

        return carry

    lax.fori_loop(0, nch // 2, step, 0)
    if nch % 2:
        jt = nch - 1
        pltpu.make_async_copy(z_hbm.at[pl.ds(row0 + jt * CHUNK, CHUNK)],
                              zb0, sem0).wait()
        pltpu.sync_copy(zb0, shared.at[idx_v.at[jt]], add=True)
    plsc.subcore_barrier()
    pltpu.sync_copy(shared.at[pl.ds(s * gs, gs)], stage)
    pltpu.sync_copy(stage, out_hbm.at[c, pl.ds(s * gs, gs)])


def _segment_sum_sc(z, idx3, zeros, rows_w, nch):
    import functools
    mesh = plsc.VectorSubcoreMesh(
        core_axis_name="c", subcore_axis_name="s",
        num_cores=NC, num_subcores=NS,
    )
    return pl.kernel(
        functools.partial(_sc_body, rows_w, nch),
        out_type=jax.ShapeDtypeStruct((NC, G, D), jnp.float32),
        mesh=mesh,
        scratch_types=[
            pltpu.VMEM((nch, CHUNK), jnp.int32),
            pltpu.VMEM((CHUNK, D), jnp.float32),
            pltpu.VMEM((CHUNK, D), jnp.float32),
            pltpu.VMEM((G // NS, D), jnp.float32),
            pltpu.VMEM_SHARED((G, D), jnp.float32),
            pltpu.SemaphoreType.DMA,
            pltpu.SemaphoreType.DMA,
        ],
    )(z, idx3, zeros)


def _merge_body(*refs):
    o_ref = refs[-1]
    acc = refs[0][0] + refs[0][1]
    for r in refs[1:-1]:
        acc = acc + r[0] + r[1]
    o_ref[...] = acc


def _merge(parts):
    return pl.pallas_call(
        _merge_body,
        out_shape=jax.ShapeDtypeStruct((G, D), jnp.float32),
    )(*parts)


def kernel(input, graph_indices, node_counts, W1, W2):
    del node_counts
    wc = jnp.concatenate([W1, W2], axis=0).T
    gi32 = graph_indices.astype(jnp.int32)
    zeros = jnp.zeros((G, D), jnp.float32)
    parts = []
    for start, nslab in SLABS:
        rows_w = nslab // NW
        nch = rows_w // CHUNK
        idx3 = gi32[start:start + nslab].reshape(NW, nch, CHUNK)
        z = _gated_matmul(input, wc, start, nslab)
        parts.append(_segment_sum_sc(z, idx3, zeros, rows_w, nch))
    return _merge(parts)

# --- scband reference (transcript-rebuilt; emitter-appended) ---
"""Pipeline reference for scband-gated-pooling-15272903704940 (READ-ONLY COPY).

The authoritative reference and input builder live on the scoring server;
editing this copy changes nothing except your own understanding.
"""

import jax, jax.numpy as jnp
import numpy as np


def setup_inputs(seed: int = 0) -> dict:
    key = jax.random.key(seed)
    k1, k2, k3, k4 = jax.random.split(key, 4)
    N, D_IN, D_OUT, G = 320000, 128, 128, 512
    x = jax.random.normal(k1, (N, D_IN), dtype=jnp.float32)
    graph_indices = jnp.sort(jax.random.randint(k2, (N,), 0, G, dtype=jnp.int64))
    node_counts = jnp.ones((G,), dtype=jnp.float32)
    # Linear(in, out, bias=False) weights: [out_features, in_features]
    W1 = jax.random.normal(k3, (D_OUT, D_IN), dtype=jnp.float32) * 0.05
    W2 = jax.random.normal(k4, (D_OUT, D_IN), dtype=jnp.float32) * 0.05
    return {"input": x, "graph_indices": graph_indices, "node_counts": node_counts, "W1": W1, "W2": W2}


def reference(input, graph_indices, node_counts, W1, W2):
    # z = ELU(linear1(input)) * linear2(input)
    z = jax.nn.elu(input @ W1.T) * (input @ W2.T)
    graphcount = node_counts.shape[0]
    # blank.index_add_(0, graph_indices, z) -> segment sum (in-place)
    blank = jax.ops.segment_sum(z, graph_indices, num_segments=graphcount)
    # NOTE: original code computes blank / node_counts.unsqueeze(1) but DISCARDS
    # the result (index_add_ is in-place; the division return value is unused).
    # Faithful translation returns the un-normalized segment sum.
    _ = blank / node_counts[:, None]
    return blank

if __name__ == "__main__":
    import jax
    _d = setup_inputs()
    print(jax.jit(kernel)(*tuple(_d.values())))

</pallas_src>

<mosaic_0001>
#map = affine_map<(d0, d1) -> (0, 0)>
#map1 = affine_map<(d0, d1) -> (0, 0, 0)>
module attributes {stable_mosaic.version = 14 : i64} {
  func.func @_sc_body(%arg0: i32, %arg1: i32, %arg2: memref<76800x128xf32, #tpu.memory_space<hbm>>, %arg3: memref<32x30x80xi32, #tpu.memory_space<hbm>>, %arg4: memref<512x128xf32, #tpu.memory_space<hbm>>, %arg5: memref<2x512x128xf32, #tpu.memory_space<hbm>>, %arg6: memref<30x80xi32, #tpu.memory_space<vmem>>, %arg7: memref<80x128xf32, #tpu.memory_space<vmem>>, %arg8: memref<80x128xf32, #tpu.memory_space<vmem>>, %arg9: memref<32x128xf32, #tpu.memory_space<vmem>>, %arg10: memref<512x128xf32, #tpu.memory_space<vmem_shared>>, %arg11: memref<!tpu.dma_semaphore, #tpu.memory_space<semaphore_mem>>, %arg12: memref<!tpu.dma_semaphore, #tpu.memory_space<semaphore_mem>>) attributes {dimension_semantics = [#tpu.dimension_semantics<core_parallel>, #tpu.dimension_semantics<subcore_parallel>], iteration_bounds = array<i64: 2, 16>, scalar_prefetch = 0 : i64, scratch_operands = 7 : i64, tpu.core_type = #tpu.core_type<sc_vector_subcore>, window_params = [{transform_indices = #map}, {transform_indices = #map1}, {transform_indices = #map}, {transform_indices = #map1}]} {
    %mul3A = arith.constant 16 : i32
    %mul3A_0 = arith.muli %arg0, %mul3A : i32
    %add3A = arith.addi %mul3A_0, %arg1 : i32
    %mul3A_1 = arith.constant 32 : i32
    %mul3A_2 = arith.muli %arg1, %mul3A_1 : i32
    %mul3A_3 = arith.constant 32 : i32
    %mul3A_4 = arith.muli %arg1, %mul3A_3 : i32
    "tpu.region"() ({
      %run_scoped3A = tpu.sem_alloc : memref<!tpu.dma_semaphore, #tpu.memory_space<semaphore_mem>>
      %dma_start3A_26 = arith.constant 0 : i32
      %dma_start3A_27 = tpu.memref_slice %arg10[%mul3A_4, %dma_start3A_26] : memref<512x128xf32, #tpu.memory_space<vmem_shared>> -> memref<32x128xf32, #tpu.memory_space<vmem_shared>>
      %dma_start3A_28 = arith.constant 0 : i32
      %dma_start3A_29 = tpu.memref_slice %arg4[%mul3A_2, %dma_start3A_28] : memref<512x128xf32, #tpu.memory_space<hbm>> -> memref<32x128xf32, #tpu.memory_space<hbm>>
      tpu.enqueue_dma source(%dma_start3A_29 : memref<32x128xf32, #tpu.memory_space<hbm>>) target(%dma_start3A_27 : memref<32x128xf32, #tpu.memory_space<vmem_shared>>) target_semaphore(%run_scoped3A : memref<!tpu.dma_semaphore, #tpu.memory_space<semaphore_mem>>)
      %dma_wait3A = arith.constant 0 : i32
      %dma_wait3A_30 = tpu.memref_slice %arg10[%mul3A_4, %dma_wait3A] : memref<512x128xf32, #tpu.memory_space<vmem_shared>> -> memref<32x128xf32, #tpu.memory_space<vmem_shared>>
      %dma_wait3A_31 = arith.constant 0 : i32
      %dma_wait3A_32 = tpu.memref_slice %arg4[%mul3A_2, %dma_wait3A_31] : memref<512x128xf32, #tpu.memory_space<hbm>> -> memref<32x128xf32, #tpu.memory_space<hbm>>
      tpu.wait_dma2 semaphore(%run_scoped3A : memref<!tpu.dma_semaphore, #tpu.memory_space<semaphore_mem>>) src(%dma_wait3A_32 : memref<32x128xf32, #tpu.memory_space<hbm>>) dst(%dma_wait3A_30 : memref<32x128xf32, #tpu.memory_space<vmem_shared>>)
      tpu.yield
    }) : () -> ()
    "tpu.region"() ({
      %run_scoped3A = tpu.sem_alloc : memref<!tpu.dma_semaphore, #tpu.memory_space<semaphore_mem>>
      %dma_start3A_26 = arith.constant 0 : i32
      %dma_start3A_27 = arith.constant 0 : i32
      %dma_start3A_28 = tpu.memref_slice %arg3[%add3A, %dma_start3A_26, %dma_start3A_27] : memref<32x30x80xi32, #tpu.memory_space<hbm>> -> memref<1x30x80xi32, #tpu.memory_space<hbm>>
      %dma_start3A_29 = tpu.memref_squeeze %dma_start3A_28 : memref<1x30x80xi32, #tpu.memory_space<hbm>> -> memref<30x80xi32, #tpu.memory_space<hbm>>
      %dma_start3A_30 = arith.constant 0 : i32
      %dma_start3A_31 = arith.constant 0 : i32
      %dma_start3A_32 = tpu.memref_slice %arg3[%add3A, %dma_start3A_30, %dma_start3A_31] : memref<32x30x80xi32, #tpu.memory_space<hbm>> -> memref<1x30x80xi32, #tpu.memory_space<hbm>>
      %dma_start3A_33 = tpu.memref_squeeze %dma_start3A_32 : memref<1x30x80xi32, #tpu.memory_space<hbm>> -> memref<30x80xi32, #tpu.memory_space<hbm>>
      tpu.enqueue_dma source(%dma_start3A_33 : memref<30x80xi32, #tpu.memory_space<hbm>>) target(%arg6 : memref<30x80xi32, #tpu.memory_space<vmem>>) target_semaphore(%run_scoped3A : memref<!tpu.dma_semaphore, #tpu.memory_space<semaphore_mem>>)
      %dma_wait3A = arith.constant 0 : i32
      %dma_wait3A_34 = arith.constant 0 : i32
      %dma_wait3A_35 = tpu.memref_slice %arg3[%add3A, %dma_wait3A, %dma_wait3A_34] : memref<32x30x80xi32, #tpu.memory_space<hbm>> -> memref<1x30x80xi32, #tpu.memory_space<hbm>>
      %dma_wait3A_36 = tpu.memref_squeeze %dma_wait3A_35 : memref<1x30x80xi32, #tpu.memory_space<hbm>> -> memref<30x80xi32, #tpu.memory_space<hbm>>
      %dma_wait3A_37 = arith.constant 0 : i32
      %dma_wait3A_38 = arith.constant 0 : i32
      %dma_wait3A_39 = tpu.memref_slice %arg3[%add3A, %dma_wait3A_37, %dma_wait3A_38] : memref<32x30x80xi32, #tpu.memory_space<hbm>> -> memref<1x30x80xi32, #tpu.memory_space<hbm>>
      %dma_wait3A_40 = tpu.memref_squeeze %dma_wait3A_39 : memref<1x30x80xi32, #tpu.memory_space<hbm>> -> memref<30x80xi32, #tpu.memory_space<hbm>>
      tpu.wait_dma2 semaphore(%run_scoped3A : memref<!tpu.dma_semaphore, #tpu.memory_space<semaphore_mem>>) src(%dma_wait3A_40 : memref<30x80xi32, #tpu.memory_space<hbm>>) dst(%arg6 : memref<30x80xi32, #tpu.memory_space<vmem>>)
      tpu.yield
    }) : () -> ()
    %barrier3A = arith.constant 0 : index
    tpu.barrier barrier_id(%barrier3A)
    %mul3A_5 = arith.constant 2400 : i32
    %mul3A_6 = arith.muli %add3A, %mul3A_5 : i32
    %dma_start3A = arith.constant 0 : i32
    %dma_start3A_7 = tpu.memref_slice %arg2[%mul3A_6, %dma_start3A] : memref<76800x128xf32, #tpu.memory_space<hbm>> -> memref<80x128xf32, #tpu.memory_space<hbm>>
    %dma_start3A_8 = arith.constant 0 : i32
    %dma_start3A_9 = tpu.memref_slice %arg2[%mul3A_6, %dma_start3A_8] : memref<76800x128xf32, #tpu.memory_space<hbm>> -> memref<80x128xf32, #tpu.memory_space<hbm>>
    tpu.enqueue_dma source(%dma_start3A_9 : memref<80x128xf32, #tpu.memory_space<hbm>>) target(%arg7 : memref<80x128xf32, #tpu.memory_space<vmem>>) target_semaphore(%arg11 : memref<!tpu.dma_semaphore, #tpu.memory_space<semaphore_mem>>)
    %add3A_10 = arith.constant 80 : i32
    %add3A_11 = arith.addi %mul3A_6, %add3A_10 : i32
    %dma_start3A_12 = arith.constant 0 : i32
    %dma_start3A_13 = tpu.memref_slice %arg2[%add3A_11, %dma_start3A_12] : memref<76800x128xf32, #tpu.memory_space<hbm>> -> memref<80x128xf32, #tpu.memory_space<hbm>>
    %dma_start3A_14 = arith.constant 0 : i32
    %dma_start3A_15 = tpu.memref_slice %arg2[%add3A_11, %dma_start3A_14] : memref<76800x128xf32, #tpu.memory_space<hbm>> -> memref<80x128xf32, #tpu.memory_space<hbm>>
    tpu.enqueue_dma source(%dma_start3A_15 : memref<80x128xf32, #tpu.memory_space<hbm>>) target(%arg8 : memref<80x128xf32, #tpu.memory_space<vmem>>) target_semaphore(%arg12 : memref<!tpu.dma_semaphore, #tpu.memory_space<semaphore_mem>>)
    %scan3A = arith.constant 0 : i32
    %scan3A_16 = arith.constant 0 : i32
    %scan3A_17 = arith.constant 15 : i32
    %scan3A_18 = arith.addi %scan3A_16, %scan3A_17 : i32
    %scan3A_19 = arith.constant 1 : i32
    scf.for %scan3A_26 = %scan3A_16 to %scan3A_18 step %scan3A_19  : i32 {
      %mul3A_27 = arith.constant 2 : i32
      %mul3A_28 = arith.muli %mul3A_27, %scan3A_26 : i32
      %mul3A_29 = arith.constant 80 : i32
      %mul3A_30 = arith.muli %mul3A_28, %mul3A_29 : i32
      %add3A_31 = arith.addi %mul3A_6, %mul3A_30 : i32
      %dma_wait3A = arith.constant 0 : i32
      %dma_wait3A_32 = tpu.memref_slice %arg2[%add3A_31, %dma_wait3A] : memref<76800x128xf32, #tpu.memory_space<hbm>> -> memref<80x128xf32, #tpu.memory_space<hbm>>
      %dma_wait3A_33 = arith.constant 0 : i32
      %dma_wait3A_34 = tpu.memref_slice %arg2[%add3A_31, %dma_wait3A_33] : memref<76800x128xf32, #tpu.memory_space<hbm>> -> memref<80x128xf32, #tpu.memory_space<hbm>>
      tpu.wait_dma2 semaphore(%arg11 : memref<!tpu.dma_semaphore, #tpu.memory_space<semaphore_mem>>) src(%dma_wait3A_34 : memref<80x128xf32, #tpu.memory_space<hbm>>) dst(%arg7 : memref<80x128xf32, #tpu.memory_space<vmem>>)
      "tpu.region"() ({
        %run_scoped3A = tpu.sem_alloc : memref<!tpu.dma_semaphore, #tpu.memory_space<semaphore_mem>>
        %dma_start3A_57 = arith.constant 0 : i32
        %dma_start3A_58 = tpu.memref_slice %arg6[%mul3A_28, %dma_start3A_57] : memref<30x80xi32, #tpu.memory_space<vmem>> -> memref<1x80xi32, #tpu.memory_space<vmem>>
        %dma_start3A_59 = tpu.memref_squeeze %dma_start3A_58 : memref<1x80xi32, #tpu.memory_space<vmem>> -> memref<80xi32, #tpu.memory_space<vmem>>
        %dma_start3A_60 = arith.constant 0 : i32
        %dma_start3A_61 = arith.constant 0 : i32
        %dma_start3A_62 = tpu.memref_slice %arg10[%dma_start3A_60, %dma_start3A_61] : memref<512x128xf32, #tpu.memory_space<vmem_shared>> -> memref<512x128xf32, #tpu.memory_space<vmem_shared>>
        tpu.enqueue_indirect_dma source(%arg7 : memref<80x128xf32, #tpu.memory_space<vmem>>) target(%dma_start3A_62 : memref<512x128xf32, #tpu.memory_space<vmem_shared>>) offsets(%dma_start3A_59 : memref<80xi32, #tpu.memory_space<vmem>>) semaphore(%run_scoped3A : memref<!tpu.dma_semaphore, #tpu.memory_space<semaphore_mem>>) {add = true}
        %dma_wait3A_63 = arith.constant 0 : i32
        %dma_wait3A_64 = tpu.memref_slice %arg6[%mul3A_28, %dma_wait3A_63] : memref<30x80xi32, #tpu.memory_space<vmem>> -> memref<1x80xi32, #tpu.memory_space<vmem>>
        %dma_wait3A_65 = tpu.memref_squeeze %dma_wait3A_64 : memref<1x80xi32, #tpu.memory_space<vmem>> -> memref<80xi32, #tpu.memory_space<vmem>>
        %dma_wait3A_66 = arith.constant 0 : i32
        %dma_wait3A_67 = arith.constant 0 : i32
        %dma_wait3A_68 = tpu.memref_slice %arg10[%dma_wait3A_66, %dma_wait3A_67] : memref<512x128xf32, #tpu.memory_space<vmem_shared>> -> memref<512x128xf32, #tpu.memory_space<vmem_shared>>
        tpu.wait_indirect_dma semaphore(%run_scoped3A : memref<!tpu.dma_semaphore, #tpu.memory_space<semaphore_mem>>) src(%arg7 : memref<80x128xf32, #tpu.memory_space<vmem>>) dst(%dma_wait3A_68 : memref<512x128xf32, #tpu.memory_space<vmem_shared>>)
        tpu.yield
      }) : () -> ()
      %add3A_35 = arith.constant 2 : i32
      %add3A_36 = arith.addi %mul3A_28, %add3A_35 : i32
      %lt3A = arith.constant 30 : i32
      %lt3A_37 = arith.cmpi slt, %add3A_36, %lt3A : i32
      %convert_element_type3A = arith.extui %lt3A_37 : i1 to i32
      %cond3A = arith.constant 0 : i32
      %cond3A_38 = arith.cmpi ne, %convert_element_type3A, %cond3A : i32
      scf.if %cond3A_38 {
        %add3A_57 = arith.constant 2 : i32
        %add3A_58 = arith.addi %mul3A_28, %add3A_57 : i32
        %mul3A_59 = arith.constant 80 : i32
        %mul3A_60 = arith.muli %add3A_58, %mul3A_59 : i32
        %add3A_61 = arith.addi %mul3A_6, %mul3A_60 : i32
        %dma_start3A_62 = arith.constant 0 : i32
        %dma_start3A_63 = tpu.memref_slice %arg2[%add3A_61, %dma_start3A_62] : memref<76800x128xf32, #tpu.memory_space<hbm>> -> memref<80x128xf32, #tpu.memory_space<hbm>>
        %dma_start3A_64 = arith.constant 0 : i32
        %dma_start3A_65 = tpu.memref_slice %arg2[%add3A_61, %dma_start3A_64] : memref<76800x128xf32, #tpu.memory_space<hbm>> -> memref<80x128xf32, #tpu.memory_space<hbm>>
        tpu.enqueue_dma source(%dma_start3A_65 : memref<80x128xf32, #tpu.memory_space<hbm>>) target(%arg7 : memref<80x128xf32, #tpu.memory_space<vmem>>) target_semaphore(%arg11 : memref<!tpu.dma_semaphore, #tpu.memory_space<semaphore_mem>>)
      } else {
      }
      %add3A_39 = arith.constant 1 : i32
      %add3A_40 = arith.addi %mul3A_28, %add3A_39 : i32
      %mul3A_41 = arith.constant 80 : i32
      %mul3A_42 = arith.muli %add3A_40, %mul3A_41 : i32
      %add3A_43 = arith.addi %mul3A_6, %mul3A_42 : i32
      %dma_wait3A_44 = arith.constant 0 : i32
      %dma_wait3A_45 = tpu.memref_slice %arg2[%add3A_43, %dma_wait3A_44] : memref<76800x128xf32, #tpu.memory_space<hbm>> -> memref<80x128xf32, #tpu.memory_space<hbm>>
      %dma_wait3A_46 = arith.constant 0 : i32
      %dma_wait3A_47 = tpu.memref_slice %arg2[%add3A_43, %dma_wait3A_46] : memref<76800x128xf32, #tpu.memory_space<hbm>> -> memref<80x128xf32, #tpu.memory_space<hbm>>
      tpu.wait_dma2 semaphore(%arg12 : memref<!tpu.dma_semaphore, #tpu.memory_space<semaphore_mem>>) src(%dma_wait3A_47 : memref<80x128xf32, #tpu.memory_space<hbm>>) dst(%arg8 : memref<80x128xf32, #tpu.memory_space<vmem>>)
      %add3A_48 = arith.constant 1 : i32
      %add3A_49 = arith.addi %mul3A_28, %add3A_48 : i32
      "tpu.region"() ({
        %run_scoped3A = tpu.sem_alloc : memref<!tpu.dma_semaphore, #tpu.memory_space<semaphore_mem>>
        %dma_start3A_57 = arith.constant 0 : i32
        %dma_start3A_58 = tpu.memref_slice %arg6[%add3A_49, %dma_start3A_57] : memref<30x80xi32, #tpu.memory_space<vmem>> -> memref<1x80xi32, #tpu.memory_space<vmem>>
        %dma_start3A_59 = tpu.memref_squeeze %dma_start3A_58 : memref<1x80xi32, #tpu.memory_space<vmem>> -> memref<80xi32, #tpu.memory_space<vmem>>
        %dma_start3A_60 = arith.constant 0 : i32
        %dma_start3A_61 = arith.constant 0 : i32
        %dma_start3A_62 = tpu.memref_slice %arg10[%dma_start3A_60, %dma_start3A_61] : memref<512x128xf32, #tpu.memory_space<vmem_shared>> -> memref<512x128xf32, #tpu.memory_space<vmem_shared>>
        tpu.enqueue_indirect_dma source(%arg8 : memref<80x128xf32, #tpu.memory_space<vmem>>) target(%dma_start3A_62 : memref<512x128xf32, #tpu.memory_space<vmem_shared>>) offsets(%dma_start3A_59 : memref<80xi32, #tpu.memory_space<vmem>>) semaphore(%run_scoped3A : memref<!tpu.dma_semaphore, #tpu.memory_space<semaphore_mem>>) {add = true}
        %dma_wait3A_63 = arith.constant 0 : i32
        %dma_wait3A_64 = tpu.memref_slice %arg6[%add3A_49, %dma_wait3A_63] : memref<30x80xi32, #tpu.memory_space<vmem>> -> memref<1x80xi32, #tpu.memory_space<vmem>>
        %dma_wait3A_65 = tpu.memref_squeeze %dma_wait3A_64 : memref<1x80xi32, #tpu.memory_space<vmem>> -> memref<80xi32, #tpu.memory_space<vmem>>
        %dma_wait3A_66 = arith.constant 0 : i32
        %dma_wait3A_67 = arith.constant 0 : i32
        %dma_wait3A_68 = tpu.memref_slice %arg10[%dma_wait3A_66, %dma_wait3A_67] : memref<512x128xf32, #tpu.memory_space<vmem_shared>> -> memref<512x128xf32, #tpu.memory_space<vmem_shared>>
        tpu.wait_indirect_dma semaphore(%run_scoped3A : memref<!tpu.dma_semaphore, #tpu.memory_space<semaphore_mem>>) src(%arg8 : memref<80x128xf32, #tpu.memory_space<vmem>>) dst(%dma_wait3A_68 : memref<512x128xf32, #tpu.memory_space<vmem_shared>>)
        tpu.yield
      }) : () -> ()
      %add3A_50 = arith.constant 3 : i32
      %add3A_51 = arith.addi %mul3A_28, %add3A_50 : i32
      %lt3A_52 = arith.constant 30 : i32
      %lt3A_53 = arith.cmpi slt, %add3A_51, %lt3A_52 : i32
      %convert_element_type3A_54 = arith.extui %lt3A_53 : i1 to i32
      %cond3A_55 = arith.constant 0 : i32
      %cond3A_56 = arith.cmpi ne, %convert_element_type3A_54, %cond3A_55 : i32
      scf.if %cond3A_56 {
        %add3A_57 = arith.constant 3 : i32
        %add3A_58 = arith.addi %mul3A_28, %add3A_57 : i32
        %mul3A_59 = arith.constant 80 : i32
        %mul3A_60 = arith.muli %add3A_58, %mul3A_59 : i32
        %add3A_61 = arith.addi %mul3A_6, %mul3A_60 : i32
        %dma_start3A_62 = arith.constant 0 : i32
        %dma_start3A_63 = tpu.memref_slice %arg2[%add3A_61, %dma_start3A_62] : memref<76800x128xf32, #tpu.memory_space<hbm>> -> memref<80x128xf32, #tpu.memory_space<hbm>>
        %dma_start3A_64 = arith.constant 0 : i32
        %dma_start3A_65 = tpu.memref_slice %arg2[%add3A_61, %dma_start3A_64] : memref<76800x128xf32, #tpu.memory_space<hbm>> -> memref<80x128xf32, #tpu.memory_space<hbm>>
        tpu.enqueue_dma source(%dma_start3A_65 : memref<80x128xf32, #tpu.memory_space<hbm>>) target(%arg8 : memref<80x128xf32, #tpu.memory_space<vmem>>) target_semaphore(%arg12 : memref<!tpu.dma_semaphore, #tpu.memory_space<semaphore_mem>>)
      } else {
      }
    }
    %scan3A_20 = arith.constant 15 : i32
    %barrier3A_21 = arith.constant 0 : index
    tpu.barrier barrier_id(%barrier3A_21)
    %mul3A_22 = arith.constant 32 : i32
    %mul3A_23 = arith.muli %arg1, %mul3A_22 : i32
    "tpu.region"() ({
      %run_scoped3A = tpu.sem_alloc : memref<!tpu.dma_semaphore, #tpu.memory_space<semaphore_mem>>
      %dma_start3A_26 = arith.constant 0 : i32
      %dma_start3A_27 = tpu.memref_slice %arg10[%mul3A_23, %dma_start3A_26] : memref<512x128xf32, #tpu.memory_space<vmem_shared>> -> memref<32x128xf32, #tpu.memory_space<vmem_shared>>
      %dma_start3A_28 = arith.constant 0 : i32
      %dma_start3A_29 = tpu.memref_slice %arg10[%mul3A_23, %dma_start3A_28] : memref<512x128xf32, #tpu.memory_space<vmem_shared>> -> memref<32x128xf32, #tpu.memory_space<vmem_shared>>
      tpu.enqueue_dma source(%dma_start3A_29 : memref<32x128xf32, #tpu.memory_space<vmem_shared>>) target(%arg9 : memref<32x128xf32, #tpu.memory_space<vmem>>) target_semaphore(%run_scoped3A : memref<!tpu.dma_semaphore, #tpu.memory_space<semaphore_mem>>)
      %dma_wait3A = arith.constant 0 : i32
      %dma_wait3A_30 = tpu.memref_slice %arg10[%mul3A_23, %dma_wait3A] : memref<512x128xf32, #tpu.memory_space<vmem_shared>> -> memref<32x128xf32, #tpu.memory_space<vmem_shared>>
      %dma_wait3A_31 = arith.constant 0 : i32
      %dma_wait3A_32 = tpu.memref_slice %arg10[%mul3A_23, %dma_wait3A_31] : memref<512x128xf32, #tpu.memory_space<vmem_shared>> -> memref<32x128xf32, #tpu.memory_space<vmem_shared>>
      tpu.wait_dma2 semaphore(%run_scoped3A : memref<!tpu.dma_semaphore, #tpu.memory_space<semaphore_mem>>) src(%dma_wait3A_32 : memref<32x128xf32, #tpu.memory_space<vmem_shared>>) dst(%arg9 : memref<32x128xf32, #tpu.memory_space<vmem>>)
      tpu.yield
    }) : () -> ()
    %mul3A_24 = arith.constant 32 : i32
    %mul3A_25 = arith.muli %arg1, %mul3A_24 : i32
    "tpu.region"() ({
      %run_scoped3A = tpu.sem_alloc : memref<!tpu.dma_semaphore, #tpu.memory_space<semaphore_mem>>
      %dma_start3A_26 = arith.constant 0 : i32
      %dma_start3A_27 = tpu.memref_slice %arg5[%arg0, %mul3A_25, %dma_start3A_26] : memref<2x512x128xf32, #tpu.memory_space<hbm>> -> memref<1x32x128xf32, #tpu.memory_space<hbm>>
      %dma_start3A_28 = tpu.memref_squeeze %dma_start3A_27 : memref<1x32x128xf32, #tpu.memory_space<hbm>> -> memref<32x128xf32, #tpu.memory_space<hbm>>
      %dma_start3A_29 = arith.constant 0 : i32
      %dma_start3A_30 = tpu.memref_slice %arg5[%arg0, %mul3A_25, %dma_start3A_29] : memref<2x512x128xf32, #tpu.memory_space<hbm>> -> memref<1x32x128xf32, #tpu.memory_space<hbm>>
      %dma_start3A_31 = tpu.memref_squeeze %dma_start3A_30 : memref<1x32x128xf32, #tpu.memory_space<hbm>> -> memref<32x128xf32, #tpu.memory_space<hbm>>
      tpu.enqueue_dma source(%arg9 : memref<32x128xf32, #tpu.memory_space<vmem>>) target(%dma_start3A_31 : memref<32x128xf32, #tpu.memory_space<hbm>>) target_semaphore(%run_scoped3A : memref<!tpu.dma_semaphore, #tpu.memory_space<semaphore_mem>>)
      %dma_wait3A = arith.constant 0 : i32
      %dma_wait3A_32 = tpu.memref_slice %arg5[%arg0, %mul3A_25, %dma_wait3A] : memref<2x512x128xf32, #tpu.memory_space<hbm>> -> memref<1x32x128xf32, #tpu.memory_space<hbm>>
      %dma_wait3A_33 = tpu.memref_squeeze %dma_wait3A_32 : memref<1x32x128xf32, #tpu.memory_space<hbm>> -> memref<32x128xf32, #tpu.memory_space<hbm>>
      %dma_wait3A_34 = arith.constant 0 : i32
      %dma_wait3A_35 = tpu.memref_slice %arg5[%arg0, %mul3A_25, %dma_wait3A_34] : memref<2x512x128xf32, #tpu.memory_space<hbm>> -> memref<1x32x128xf32, #tpu.memory_space<hbm>>
      %dma_wait3A_36 = tpu.memref_squeeze %dma_wait3A_35 : memref<1x32x128xf32, #tpu.memory_space<hbm>> -> memref<32x128xf32, #tpu.memory_space<hbm>>
      tpu.wait_dma2 semaphore(%run_scoped3A : memref<!tpu.dma_semaphore, #tpu.memory_space<semaphore_mem>>) src(%arg9 : memref<32x128xf32, #tpu.memory_space<vmem>>) dst(%dma_wait3A_36 : memref<32x128xf32, #tpu.memory_space<hbm>>)
      tpu.yield
    }) : () -> ()
    return
  }
}

#map = affine_map<(d0, d1) -> (0, 0)>
#map1 = affine_map<(d0, d1) -> (0, 0, 0)>
module attributes {stable_mosaic.version = 14 : i64} {
  func.func @_sc_body(%arg0: i32, %arg1: i32, %arg2: memref<76800x128xf32, #tpu.memory_space<hbm>>, %arg3: memref<32x30x80xi32, #tpu.memory_space<hbm>>, %arg4: memref<512x128xf32, #tpu.memory_space<hbm>>, %arg5: memref<2x512x128xf32, #tpu.memory_space<hbm>>, %arg6: memref<30x80xi32, #tpu.memory_space<vmem>>, %arg7: memref<80x128xf32, #tpu.memory_space<vmem>>, %arg8: memref<80x128xf32, #tpu.memory_space<vmem>>, %arg9: memref<32x128xf32, #tpu.memory_space<vmem>>, %arg10: memref<512x128xf32, #tpu.memory_space<vmem_shared>>, %arg11: memref<!tpu.dma_semaphore, #tpu.memory_space<semaphore_mem>>, %arg12: memref<!tpu.dma_semaphore, #tpu.memory_space<semaphore_mem>>) attributes {dimension_semantics = [#tpu.dimension_semantics<core_parallel>, #tpu.dimension_semantics<subcore_parallel>], iteration_bounds = array<i64: 2, 16>, scalar_prefetch = 0 : i64, scratch_operands = 7 : i64, tpu.core_type = #tpu.core_type<sc_vector_subcore>, window_params = [{transform_indices = #map}, {transform_indices = #map1}, {transform_indices = #map}, {transform_indices = #map1}]} {
    %mul3A = arith.constant 16 : i32
    %mul3A_0 = arith.muli %arg0, %mul3A : i32
    %add3A = arith.addi %mul3A_0, %arg1 : i32
    %mul3A_1 = arith.constant 32 : i32
    %mul3A_2 = arith.muli %arg1, %mul3A_1 : i32
    %mul3A_3 = arith.constant 32 : i32
    %mul3A_4 = arith.muli %arg1, %mul3A_3 : i32
    "tpu.region"() ({
      %run_scoped3A = tpu.sem_alloc : memref<!tpu.dma_semaphore, #tpu.memory_space<semaphore_mem>>
      %dma_start3A_26 = arith.constant 0 : i32
      %dma_start3A_27 = tpu.memref_slice %arg10[%mul3A_4, %dma_start3A_26] : memref<512x128xf32, #tpu.memory_space<vmem_shared>> -> memref<32x128xf32, #tpu.memory_space<vmem_shared>>
      %dma_start3A_28 = arith.constant 0 : i32
      %dma_start3A_29 = tpu.memref_slice %arg4[%mul3A_2, %dma_start3A_28] : memref<512x128xf32, #tpu.memory_space<hbm>> -> memref<32x128xf32, #tpu.memory_space<hbm>>
      tpu.enqueue_dma source(%dma_start3A_29 : memref<32x128xf32, #tpu.memory_space<hbm>>) target(%dma_start3A_27 : memref<32x128xf32, #tpu.memory_space<vmem_shared>>) target_semaphore(%run_scoped3A : memref<!tpu.dma_semaphore, #tpu.memory_space<semaphore_mem>>)
      %dma_wait3A = arith.constant 0 : i32
      %dma_wait3A_30 = tpu.memref_slice %arg10[%mul3A_4, %dma_wait3A] : memref<512x128xf32, #tpu.memory_space<vmem_shared>> -> memref<32x128xf32, #tpu.memory_space<vmem_shared>>
      %dma_wait3A_31 = arith.constant 0 : i32
      %dma_wait3A_32 = tpu.memref_slice %arg4[%mul3A_2, %dma_wait3A_31] : memref<512x128xf32, #tpu.memory_space<hbm>> -> memref<32x128xf32, #tpu.memory_space<hbm>>
      tpu.wait_dma2 semaphore(%run_scoped3A : memref<!tpu.dma_semaphore, #tpu.memory_space<semaphore_mem>>) src(%dma_wait3A_32 : memref<32x128xf32, #tpu.memory_space<hbm>>) dst(%dma_wait3A_30 : memref<32x128xf32, #tpu.memory_space<vmem_shared>>)
      tpu.yield
    }) : () -> ()
    "tpu.region"() ({
      %run_scoped3A = tpu.sem_alloc : memref<!tpu.dma_semaphore, #tpu.memory_space<semaphore_mem>>
      %dma_start3A_26 = arith.constant 0 : i32
      %dma_start3A_27 = arith.constant 0 : i32
      %dma_start3A_28 = tpu.memref_slice %arg3[%add3A, %dma_start3A_26, %dma_start3A_27] : memref<32x30x80xi32, #tpu.memory_space<hbm>> -> memref<1x30x80xi32, #tpu.memory_space<hbm>>
      %dma_start3A_29 = tpu.memref_squeeze %dma_start3A_28 : memref<1x30x80xi32, #tpu.memory_space<hbm>> -> memref<30x80xi32, #tpu.memory_space<hbm>>
      %dma_start3A_30 = arith.constant 0 : i32
      %dma_start3A_31 = arith.constant 0 : i32
      %dma_start3A_32 = tpu.memref_slice %arg3[%add3A, %dma_start3A_30, %dma_start3A_31] : memref<32x30x80xi32, #tpu.memory_space<hbm>> -> memref<1x30x80xi32, #tpu.memory_space<hbm>>
      %dma_start3A_33 = tpu.memref_squeeze %dma_start3A_32 : memref<1x30x80xi32, #tpu.memory_space<hbm>> -> memref<30x80xi32, #tpu.memory_space<hbm>>
      tpu.enqueue_dma source(%dma_start3A_33 : memref<30x80xi32, #tpu.memory_space<hbm>>) target(%arg6 : memref<30x80xi32, #tpu.memory_space<vmem>>) target_semaphore(%run_scoped3A : memref<!tpu.dma_semaphore, #tpu.memory_space<semaphore_mem>>)
      %dma_wait3A = arith.constant 0 : i32
      %dma_wait3A_34 = arith.constant 0 : i32
      %dma_wait3A_35 = tpu.memref_slice %arg3[%add3A, %dma_wait3A, %dma_wait3A_34] : memref<32x30x80xi32, #tpu.memory_space<hbm>> -> memref<1x30x80xi32, #tpu.memory_space<hbm>>
      %dma_wait3A_36 = tpu.memref_squeeze %dma_wait3A_35 : memref<1x30x80xi32, #tpu.memory_space<hbm>> -> memref<30x80xi32, #tpu.memory_space<hbm>>
      %dma_wait3A_37 = arith.constant 0 : i32
      %dma_wait3A_38 = arith.constant 0 : i32
      %dma_wait3A_39 = tpu.memref_slice %arg3[%add3A, %dma_wait3A_37, %dma_wait3A_38] : memref<32x30x80xi32, #tpu.memory_space<hbm>> -> memref<1x30x80xi32, #tpu.memory_space<hbm>>
      %dma_wait3A_40 = tpu.memref_squeeze %dma_wait3A_39 : memref<1x30x80xi32, #tpu.memory_space<hbm>> -> memref<30x80xi32, #tpu.memory_space<hbm>>
      tpu.wait_dma2 semaphore(%run_scoped3A : memref<!tpu.dma_semaphore, #tpu.memory_space<semaphore_mem>>) src(%dma_wait3A_40 : memref<30x80xi32, #tpu.memory_space<hbm>>) dst(%arg6 : memref<30x80xi32, #tpu.memory_space<vmem>>)
      tpu.yield
    }) : () -> ()
    %barrier3A = arith.constant 0 : index
    tpu.barrier barrier_id(%barrier3A)
    %mul3A_5 = arith.constant 2400 : i32
    %mul3A_6 = arith.muli %add3A, %mul3A_5 : i32
    %dma_start3A = arith.constant 0 : i32
    %dma_start3A_7 = tpu.memref_slice %arg2[%mul3A_6, %dma_start3A] : memref<76800x128xf32, #tpu.memory_space<hbm>> -> memref<80x128xf32, #tpu.memory_space<hbm>>
    %dma_start3A_8 = arith.constant 0 : i32
    %dma_start3A_9 = tpu.memref_slice %arg2[%mul3A_6, %dma_start3A_8] : memref<76800x128xf32, #tpu.memory_space<hbm>> -> memref<80x128xf32, #tpu.memory_space<hbm>>
    tpu.enqueue_dma source(%dma_start3A_9 : memref<80x128xf32, #tpu.memory_space<hbm>>) target(%arg7 : memref<80x128xf32, #tpu.memory_space<vmem>>) target_semaphore(%arg11 : memref<!tpu.dma_semaphore, #tpu.memory_space<semaphore_mem>>)
    %add3A_10 = arith.constant 80 : i32
    %add3A_11 = arith.addi %mul3A_6, %add3A_10 : i32
    %dma_start3A_12 = arith.constant 0 : i32
    %dma_start3A_13 = tpu.memref_slice %arg2[%add3A_11, %dma_start3A_12] : memref<76800x128xf32, #tpu.memory_space<hbm>> -> memref<80x128xf32, #tpu.memory_space<hbm>>
    %dma_start3A_14 = arith.constant 0 : i32
    %dma_start3A_15 = tpu.memref_slice %arg2[%add3A_11, %dma_start3A_14] : memref<76800x128xf32, #tpu.memory_space<hbm>> -> memref<80x128xf32, #tpu.memory_space<hbm>>
    tpu.enqueue_dma source(%dma_start3A_15 : memref<80x128xf32, #tpu.memory_space<hbm>>) target(%arg8 : memref<80x128xf32, #tpu.memory_space<vmem>>) target_semaphore(%arg12 : memref<!tpu.dma_semaphore, #tpu.memory_space<semaphore_mem>>)
    %scan3A = arith.constant 0 : i32
    %scan3A_16 = arith.constant 0 : i32
    %scan3A_17 = arith.constant 15 : i32
    %scan3A_18 = arith.addi %scan3A_16, %scan3A_17 : i32
    %scan3A_19 = arith.constant 1 : i32
    scf.for %scan3A_26 = %scan3A_16 to %scan3A_18 step %scan3A_19  : i32 {
      %mul3A_27 = arith.constant 2 : i32
      %mul3A_28 = arith.muli %mul3A_27, %scan3A_26 : i32
      %mul3A_29 = arith.constant 80 : i32
      %mul3A_30 = arith.muli %mul3A_28, %mul3A_29 : i32
      %add3A_31 = arith.addi %mul3A_6, %mul3A_30 : i32
      %dma_wait3A = arith.constant 0 : i32
      %dma_wait3A_32 = tpu.memref_slice %arg2[%add3A_31, %dma_wait3A] : memref<76800x128xf32, #tpu.memory_space<hbm>> -> memref<80x128xf32, #tpu.memory_space<hbm>>
      %dma_wait3A_33 = arith.constant 0 : i32
      %dma_wait3A_34 = tpu.memref_slice %arg2[%add3A_31, %dma_wait3A_33] : memref<76800x128xf32, #tpu.memory_space<hbm>> -> memref<80x128xf32, #tpu.memory_space<hbm>>
      tpu.wait_dma2 semaphore(%arg11 : memref<!tpu.dma_semaphore, #tpu.memory_space<semaphore_mem>>) src(%dma_wait3A_34 : memref<80x128xf32, #tpu.memory_space<hbm>>) dst(%arg7 : memref<80x128xf32, #tpu.memory_space<vmem>>)
      "tpu.region"() ({
        %run_scoped3A = tpu.sem_alloc : memref<!tpu.dma_semaphore, #tpu.memory_space<semaphore_mem>>
        %dma_start3A_57 = arith.constant 0 : i32
        %dma_start3A_58 = tpu.memref_slice %arg6[%mul3A_28, %dma_start3A_57] : memref<30x80xi32, #tpu.memory_space<vmem>> -> memref<1x80xi32, #tpu.memory_space<vmem>>
        %dma_start3A_59 = tpu.memref_squeeze %dma_start3A_58 : memref<1x80xi32, #tpu.memory_space<vmem>> -> memref<80xi32, #tpu.memory_space<vmem>>
        %dma_start3A_60 = arith.constant 0 : i32
        %dma_start3A_61 = arith.constant 0 : i32
        %dma_start3A_62 = tpu.memref_slice %arg10[%dma_start3A_60, %dma_start3A_61] : memref<512x128xf32, #tpu.memory_space<vmem_shared>> -> memref<512x128xf32, #tpu.memory_space<vmem_shared>>
        tpu.enqueue_indirect_dma source(%arg7 : memref<80x128xf32, #tpu.memory_space<vmem>>) target(%dma_start3A_62 : memref<512x128xf32, #tpu.memory_space<vmem_shared>>) offsets(%dma_start3A_59 : memref<80xi32, #tpu.memory_space<vmem>>) semaphore(%run_scoped3A : memref<!tpu.dma_semaphore, #tpu.memory_space<semaphore_mem>>) {add = true}
        %dma_wait3A_63 = arith.constant 0 : i32
        %dma_wait3A_64 = tpu.memref_slice %arg6[%mul3A_28, %dma_wait3A_63] : memref<30x80xi32, #tpu.memory_space<vmem>> -> memref<1x80xi32, #tpu.memory_space<vmem>>
        %dma_wait3A_65 = tpu.memref_squeeze %dma_wait3A_64 : memref<1x80xi32, #tpu.memory_space<vmem>> -> memref<80xi32, #tpu.memory_space<vmem>>
        %dma_wait3A_66 = arith.constant 0 : i32
        %dma_wait3A_67 = arith.constant 0 : i32
        %dma_wait3A_68 = tpu.memref_slice %arg10[%dma_wait3A_66, %dma_wait3A_67] : memref<512x128xf32, #tpu.memory_space<vmem_shared>> -> memref<512x128xf32, #tpu.memory_space<vmem_shared>>
        tpu.wait_indirect_dma semaphore(%run_scoped3A : memref<!tpu.dma_semaphore, #tpu.memory_space<semaphore_mem>>) src(%arg7 : memref<80x128xf32, #tpu.memory_space<vmem>>) dst(%dma_wait3A_68 : memref<512x128xf32, #tpu.memory_space<vmem_shared>>)
        tpu.yield
      }) : () -> ()
      %add3A_35 = arith.constant 2 : i32
      %add3A_36 = arith.addi %mul3A_28, %add3A_35 : i32
      %lt3A = arith.constant 30 : i32
      %lt3A_37 = arith.cmpi slt, %add3A_36, %lt3A : i32
      %convert_element_type3A = arith.extui %lt3A_37 : i1 to i32
      %cond3A = arith.constant 0 : i32
      %cond3A_38 = arith.cmpi ne, %convert_element_type3A, %cond3A : i32
      scf.if %cond3A_38 {
        %add3A_57 = arith.constant 2 : i32
        %add3A_58 = arith.addi %mul3A_28, %add3A_57 : i32
        %mul3A_59 = arith.constant 80 : i32
        %mul3A_60 = arith.muli %add3A_58, %mul3A_59 : i32
        %add3A_61 = arith.addi %mul3A_6, %mul3A_60 : i32
        %dma_start3A_62 = arith.constant 0 : i32
        %dma_start3A_63 = tpu.memref_slice %arg2[%add3A_61, %dma_start3A_62] : memref<76800x128xf32, #tpu.memory_space<hbm>> -> memref<80x128xf32, #tpu.memory_space<hbm>>
        %dma_start3A_64 = arith.constant 0 : i32
        %dma_start3A_65 = tpu.memref_slice %arg2[%add3A_61, %dma_start3A_64] : memref<76800x128xf32, #tpu.memory_space<hbm>> -> memref<80x128xf32, #tpu.memory_space<hbm>>
        tpu.enqueue_dma source(%dma_start3A_65 : memref<80x128xf32, #tpu.memory_space<hbm>>) target(%arg7 : memref<80x128xf32, #tpu.memory_space<vmem>>) target_semaphore(%arg11 : memref<!tpu.dma_semaphore, #tpu.memory_space<semaphore_mem>>)
      } else {
      }
      %add3A_39 = arith.constant 1 : i32
      %add3A_40 = arith.addi %mul3A_28, %add3A_39 : i32
      %mul3A_41 = arith.constant 80 : i32
      %mul3A_42 = arith.muli %add3A_40, %mul3A_41 : i32
      %add3A_43 = arith.addi %mul3A_6, %mul3A_42 : i32
      %dma_wait3A_44 = arith.constant 0 : i32
      %dma_wait3A_45 = tpu.memref_slice %arg2[%add3A_43, %dma_wait3A_44] : memref<76800x128xf32, #tpu.memory_space<hbm>> -> memref<80x128xf32, #tpu.memory_space<hbm>>
      %dma_wait3A_46 = arith.constant 0 : i32
      %dma_wait3A_47 = tpu.memref_slice %arg2[%add3A_43, %dma_wait3A_46] : memref<76800x128xf32, #tpu.memory_space<hbm>> -> memref<80x128xf32, #tpu.memory_space<hbm>>
      tpu.wait_dma2 semaphore(%arg12 : memref<!tpu.dma_semaphore, #tpu.memory_space<semaphore_mem>>) src(%dma_wait3A_47 : memref<80x128xf32, #tpu.memory_space<hbm>>) dst(%arg8 : memref<80x128xf32, #tpu.memory_space<vmem>>)
      %add3A_48 = arith.constant 1 : i32
      %add3A_49 = arith.addi %mul3A_28, %add3A_48 : i32
      "tpu.region"() ({
        %run_scoped3A = tpu.sem_alloc : memref<!tpu.dma_semaphore, #tpu.memory_space<semaphore_mem>>
        %dma_start3A_57 = arith.constant 0 : i32
        %dma_start3A_58 = tpu.memref_slice %arg6[%add3A_49, %dma_start3A_57] : memref<30x80xi32, #tpu.memory_space<vmem>> -> memref<1x80xi32, #tpu.memory_space<vmem>>
        %dma_start3A_59 = tpu.memref_squeeze %dma_start3A_58 : memref<1x80xi32, #tpu.memory_space<vmem>> -> memref<80xi32, #tpu.memory_space<vmem>>
        %dma_start3A_60 = arith.constant 0 : i32
        %dma_start3A_61 = arith.constant 0 : i32
        %dma_start3A_62 = tpu.memref_slice %arg10[%dma_start3A_60, %dma_start3A_61] : memref<512x128xf32, #tpu.memory_space<vmem_shared>> -> memref<512x128xf32, #tpu.memory_space<vmem_shared>>
        tpu.enqueue_indirect_dma source(%arg8 : memref<80x128xf32, #tpu.memory_space<vmem>>) target(%dma_start3A_62 : memref<512x128xf32, #tpu.memory_space<vmem_shared>>) offsets(%dma_start3A_59 : memref<80xi32, #tpu.memory_space<vmem>>) semaphore(%run_scoped3A : memref<!tpu.dma_semaphore, #tpu.memory_space<semaphore_mem>>) {add = true}
        %dma_wait3A_63 = arith.constant 0 : i32
        %dma_wait3A_64 = tpu.memref_slice %arg6[%add3A_49, %dma_wait3A_63] : memref<30x80xi32, #tpu.memory_space<vmem>> -> memref<1x80xi32, #tpu.memory_space<vmem>>
        %dma_wait3A_65 = tpu.memref_squeeze %dma_wait3A_64 : memref<1x80xi32, #tpu.memory_space<vmem>> -> memref<80xi32, #tpu.memory_space<vmem>>
        %dma_wait3A_66 = arith.constant 0 : i32
        %dma_wait3A_67 = arith.constant 0 : i32
        %dma_wait3A_68 = tpu.memref_slice %arg10[%dma_wait3A_66, %dma_wait3A_67] : memref<512x128xf32, #tpu.memory_space<vmem_shared>> -> memref<512x128xf32, #tpu.memory_space<vmem_shared>>
        tpu.wait_indirect_dma semaphore(%run_scoped3A : memref<!tpu.dma_semaphore, #tpu.memory_space<semaphore_mem>>) src(%arg8 : memref<80x128xf32, #tpu.memory_space<vmem>>) dst(%dma_wait3A_68 : memref<512x128xf32, #tpu.memory_space<vmem_shared>>)
        tpu.yield
      }) : () -> ()
      %add3A_50 = arith.constant 3 : i32
      %add3A_51 = arith.addi %mul3A_28, %add3A_50 : i32
      %lt3A_52 = arith.constant 30 : i32
      %lt3A_53 = arith.cmpi slt, %add3A_51, %lt3A_52 : i32
      %convert_element_type3A_54 = arith.extui %lt3A_53 : i1 to i32
      %cond3A_55 = arith.constant 0 : i32
      %cond3A_56 = arith.cmpi ne, %convert_element_type3A_54, %cond3A_55 : i32
      scf.if %cond3A_56 {
        %add3A_57 = arith.constant 3 : i32
        %add3A_58 = arith.addi %mul3A_28, %add3A_57 : i32
        %mul3A_59 = arith.constant 80 : i32
        %mul3A_60 = arith.muli %add3A_58, %mul3A_59 : i32
        %add3A_61 = arith.addi %mul3A_6, %mul3A_60 : i32
        %dma_start3A_62 = arith.constant 0 : i32
        %dma_start3A_63 = tpu.memref_slice %arg2[%add3A_61, %dma_start3A_62] : memref<76800x128xf32, #tpu.memory_space<hbm>> -> memref<80x128xf32, #tpu.memory_space<hbm>>
        %dma_start3A_64 = arith.constant 0 : i32
        %dma_start3A_65 = tpu.memref_slice %arg2[%add3A_61, %dma_start3A_64] : memref<76800x128xf32, #tpu.memory_space<hbm>> -> memref<80x128xf32, #tpu.memory_space<hbm>>
        tpu.enqueue_dma source(%dma_start3A_65 : memref<80x128xf32, #tpu.memory_space<hbm>>) target(%arg8 : memref<80x128xf32, #tpu.memory_space<vmem>>) target_semaphore(%arg12 : memref<!tpu.dma_semaphore, #tpu.memory_space<semaphore_mem>>)
      } else {
      }
    }
    %scan3A_20 = arith.constant 15 : i32
    %barrier3A_21 = arith.constant 0 : index
    tpu.barrier barrier_id(%barrier3A_21)
    %mul3A_22 = arith.constant 32 : i32
    %mul3A_23 = arith.muli %arg1, %mul3A_22 : i32
    "tpu.region"() ({
      %run_scoped3A = tpu.sem_alloc : memref<!tpu.dma_semaphore, #tpu.memory_space<semaphore_mem>>
      %dma_start3A_26 = arith.constant 0 : i32
      %dma_start3A_27 = tpu.memref_slice %arg10[%mul3A_23, %dma_start3A_26] : memref<512x128xf32, #tpu.memory_space<vmem_shared>> -> memref<32x128xf32, #tpu.memory_space<vmem_shared>>
      %dma_start3A_28 = arith.constant 0 : i32
      %dma_start3A_29 = tpu.memref_slice %arg10[%mul3A_23, %dma_start3A_28] : memref<512x128xf32, #tpu.memory_space<vmem_shared>> -> memref<32x128xf32, #tpu.memory_space<vmem_shared>>
      tpu.enqueue_dma source(%dma_start3A_29 : memref<32x128xf32, #tpu.memory_space<vmem_shared>>) target(%arg9 : memref<32x128xf32, #tpu.memory_space<vmem>>) target_semaphore(%run_scoped3A : memref<!tpu.dma_semaphore, #tpu.memory_space<semaphore_mem>>)
      %dma_wait3A = arith.constant 0 : i32
      %dma_wait3A_30 = tpu.memref_slice %arg10[%mul3A_23, %dma_wait3A] : memref<512x128xf32, #tpu.memory_space<vmem_shared>> -> memref<32x128xf32, #tpu.memory_space<vmem_shared>>
      %dma_wait3A_31 = arith.constant 0 : i32
      %dma_wait3A_32 = tpu.memref_slice %arg10[%mul3A_23, %dma_wait3A_31] : memref<512x128xf32, #tpu.memory_space<vmem_shared>> -> memref<32x128xf32, #tpu.memory_space<vmem_shared>>
      tpu.wait_dma2 semaphore(%run_scoped3A : memref<!tpu.dma_semaphore, #tpu.memory_space<semaphore_mem>>) src(%dma_wait3A_32 : memref<32x128xf32, #tpu.memory_space<vmem_shared>>) dst(%arg9 : memref<32x128xf32, #tpu.memory_space<vmem>>)
      tpu.yield
    }) : () -> ()
    %mul3A_24 = arith.constant 32 : i32
    %mul3A_25 = arith.muli %arg1, %mul3A_24 : i32
    "tpu.region"() ({
      %run_scoped3A = tpu.sem_alloc : memref<!tpu.dma_semaphore, #tpu.memory_space<semaphore_mem>>
      %dma_start3A_26 = arith.constant 0 : i32
      %dma_start3A_27 = tpu.memref_slice %arg5[%arg0, %mul3A_25, %dma_start3A_26] : memref<2x512x128xf32, #tpu.memory_space<hbm>> -> memref<1x32x128xf32, #tpu.memory_space<hbm>>
      %dma_start3A_28 = tpu.memref_squeeze %dma_start3A_27 : memref<1x32x128xf32, #tpu.memory_space<hbm>> -> memref<32x128xf32, #tpu.memory_space<hbm>>
      %dma_start3A_29 = arith.constant 0 : i32
      %dma_start3A_30 = tpu.memref_slice %arg5[%arg0, %mul3A_25, %dma_start3A_29] : memref<2x512x128xf32, #tpu.memory_space<hbm>> -> memref<1x32x128xf32, #tpu.memory_space<hbm>>
      %dma_start3A_31 = tpu.memref_squeeze %dma_start3A_30 : memref<1x32x128xf32, #tpu.memory_space<hbm>> -> memref<32x128xf32, #tpu.memory_space<hbm>>
      tpu.enqueue_dma source(%arg9 : memref<32x128xf32, #tpu.memory_space<vmem>>) target(%dma_start3A_31 : memref<32x128xf32, #tpu.memory_space<hbm>>) target_semaphore(%run_scoped3A : memref<!tpu.dma_semaphore, #tpu.memory_space<semaphore_mem>>)
      %dma_wait3A = arith.constant 0 : i32
      %dma_wait3A_32 = tpu.memref_slice %arg5[%arg0, %mul3A_25, %dma_wait3A] : memref<2x512x128xf32, #tpu.memory_space<hbm>> -> memref<1x32x128xf32, #tpu.memory_space<hbm>>
      %dma_wait3A_33 = tpu.memref_squeeze %dma_wait3A_32 : memref<1x32x128xf32, #tpu.memory_space<hbm>> -> memref<32x128xf32, #tpu.memory_space<hbm>>
      %dma_wait3A_34 = arith.constant 0 : i32
      %dma_wait3A_35 = tpu.memref_slice %arg5[%arg0, %mul3A_25, %dma_wait3A_34] : memref<2x512x128xf32, #tpu.memory_space<hbm>> -> memref<1x32x128xf32, #tpu.memory_space<hbm>>
      %dma_wait3A_36 = tpu.memref_squeeze %dma_wait3A_35 : memref<1x32x128xf32, #tpu.memory_space<hbm>> -> memref<32x128xf32, #tpu.memory_space<hbm>>
      tpu.wait_dma2 semaphore(%run_scoped3A : memref<!tpu.dma_semaphore, #tpu.memory_space<semaphore_mem>>) src(%arg9 : memref<32x128xf32, #tpu.memory_space<vmem>>) dst(%dma_wait3A_36 : memref<32x128xf32, #tpu.memory_space<hbm>>)
      tpu.yield
    }) : () -> ()
    return
  }
}

#map = affine_map<(d0, d1) -> (0, 0)>
#map1 = affine_map<(d0, d1) -> (0, 0, 0)>
module attributes {stable_mosaic.version = 14 : i64} {
  func.func @_sc_body(%arg0: i32, %arg1: i32, %arg2: memref<76800x128xf32, #tpu.memory_space<hbm>>, %arg3: memref<32x30x80xi32, #tpu.memory_space<hbm>>, %arg4: memref<512x128xf32, #tpu.memory_space<hbm>>, %arg5: memref<2x512x128xf32, #tpu.memory_space<hbm>>, %arg6: memref<30x80xi32, #tpu.memory_space<vmem>>, %arg7: memref<80x128xf32, #tpu.memory_space<vmem>>, %arg8: memref<80x128xf32, #tpu.memory_space<vmem>>, %arg9: memref<32x128xf32, #tpu.memory_space<vmem>>, %arg10: memref<512x128xf32, #tpu.memory_space<vmem_shared>>, %arg11: memref<!tpu.dma_semaphore, #tpu.memory_space<semaphore_mem>>, %arg12: memref<!tpu.dma_semaphore, #tpu.memory_space<semaphore_mem>>) attributes {dimension_semantics = [#tpu.dimension_semantics<core_parallel>, #tpu.dimension_semantics<subcore_parallel>], iteration_bounds = array<i64: 2, 16>, scalar_prefetch = 0 : i64, scratch_operands = 7 : i64, tpu.core_type = #tpu.core_type<sc_vector_subcore>, window_params = [{transform_indices = #map}, {transform_indices = #map1}, {transform_indices = #map}, {transform_indices = #map1}]} {
    %mul3A = arith.constant 16 : i32
    %mul3A_0 = arith.muli %arg0, %mul3A : i32
    %add3A = arith.addi %mul3A_0, %arg1 : i32
    %mul3A_1 = arith.constant 32 : i32
    %mul3A_2 = arith.muli %arg1, %mul3A_1 : i32
    %mul3A_3 = arith.constant 32 : i32
    %mul3A_4 = arith.muli %arg1, %mul3A_3 : i32
    "tpu.region"() ({
      %run_scoped3A = tpu.sem_alloc : memref<!tpu.dma_semaphore, #tpu.memory_space<semaphore_mem>>
      %dma_start3A_26 = arith.constant 0 : i32
      %dma_start3A_27 = tpu.memref_slice %arg10[%mul3A_4, %dma_start3A_26] : memref<512x128xf32, #tpu.memory_space<vmem_shared>> -> memref<32x128xf32, #tpu.memory_space<vmem_shared>>
      %dma_start3A_28 = arith.constant 0 : i32
      %dma_start3A_29 = tpu.memref_slice %arg4[%mul3A_2, %dma_start3A_28] : memref<512x128xf32, #tpu.memory_space<hbm>> -> memref<32x128xf32, #tpu.memory_space<hbm>>
      tpu.enqueue_dma source(%dma_start3A_29 : memref<32x128xf32, #tpu.memory_space<hbm>>) target(%dma_start3A_27 : memref<32x128xf32, #tpu.memory_space<vmem_shared>>) target_semaphore(%run_scoped3A : memref<!tpu.dma_semaphore, #tpu.memory_space<semaphore_mem>>)
      %dma_wait3A = arith.constant 0 : i32
      %dma_wait3A_30 = tpu.memref_slice %arg10[%mul3A_4, %dma_wait3A] : memref<512x128xf32, #tpu.memory_space<vmem_shared>> -> memref<32x128xf32, #tpu.memory_space<vmem_shared>>
      %dma_wait3A_31 = arith.constant 0 : i32
      %dma_wait3A_32 = tpu.memref_slice %arg4[%mul3A_2, %dma_wait3A_31] : memref<512x128xf32, #tpu.memory_space<hbm>> -> memref<32x128xf32, #tpu.memory_space<hbm>>
      tpu.wait_dma2 semaphore(%run_scoped3A : memref<!tpu.dma_semaphore, #tpu.memory_space<semaphore_mem>>) src(%dma_wait3A_32 : memref<32x128xf32, #tpu.memory_space<hbm>>) dst(%dma_wait3A_30 : memref<32x128xf32, #tpu.memory_space<vmem_shared>>)
      tpu.yield
    }) : () -> ()
    "tpu.region"() ({
      %run_scoped3A = tpu.sem_alloc : memref<!tpu.dma_semaphore, #tpu.memory_space<semaphore_mem>>
      %dma_start3A_26 = arith.constant 0 : i32
      %dma_start3A_27 = arith.constant 0 : i32
      %dma_start3A_28 = tpu.memref_slice %arg3[%add3A, %dma_start3A_26, %dma_start3A_27] : memref<32x30x80xi32, #tpu.memory_space<hbm>> -> memref<1x30x80xi32, #tpu.memory_space<hbm>>
      %dma_start3A_29 = tpu.memref_squeeze %dma_start3A_28 : memref<1x30x80xi32, #tpu.memory_space<hbm>> -> memref<30x80xi32, #tpu.memory_space<hbm>>
      %dma_start3A_30 = arith.constant 0 : i32
      %dma_start3A_31 = arith.constant 0 : i32
      %dma_start3A_32 = tpu.memref_slice %arg3[%add3A, %dma_start3A_30, %dma_start3A_31] : memref<32x30x80xi32, #tpu.memory_space<hbm>> -> memref<1x30x80xi32, #tpu.memory_space<hbm>>
      %dma_start3A_33 = tpu.memref_squeeze %dma_start3A_32 : memref<1x30x80xi32, #tpu.memory_space<hbm>> -> memref<30x80xi32, #tpu.memory_space<hbm>>
      tpu.enqueue_dma source(%dma_start3A_33 : memref<30x80xi32, #tpu.memory_space<hbm>>) target(%arg6 : memref<30x80xi32, #tpu.memory_space<vmem>>) target_semaphore(%run_scoped3A : memref<!tpu.dma_semaphore, #tpu.memory_space<semaphore_mem>>)
      %dma_wait3A = arith.constant 0 : i32
      %dma_wait3A_34 = arith.constant 0 : i32
      %dma_wait3A_35 = tpu.memref_slice %arg3[%add3A, %dma_wait3A, %dma_wait3A_34] : memref<32x30x80xi32, #tpu.memory_space<hbm>> -> memref<1x30x80xi32, #tpu.memory_space<hbm>>
      %dma_wait3A_36 = tpu.memref_squeeze %dma_wait3A_35 : memref<1x30x80xi32, #tpu.memory_space<hbm>> -> memref<30x80xi32, #tpu.memory_space<hbm>>
      %dma_wait3A_37 = arith.constant 0 : i32
      %dma_wait3A_38 = arith.constant 0 : i32
      %dma_wait3A_39 = tpu.memref_slice %arg3[%add3A, %dma_wait3A_37, %dma_wait3A_38] : memref<32x30x80xi32, #tpu.memory_space<hbm>> -> memref<1x30x80xi32, #tpu.memory_space<hbm>>
      %dma_wait3A_40 = tpu.memref_squeeze %dma_wait3A_39 : memref<1x30x80xi32, #tpu.memory_space<hbm>> -> memref<30x80xi32, #tpu.memory_space<hbm>>
      tpu.wait_dma2 semaphore(%run_scoped3A : memref<!tpu.dma_semaphore, #tpu.memory_space<semaphore_mem>>) src(%dma_wait3A_40 : memref<30x80xi32, #tpu.memory_space<hbm>>) dst(%arg6 : memref<30x80xi32, #tpu.memory_space<vmem>>)
      tpu.yield
    }) : () -> ()
    %barrier3A = arith.constant 0 : index
    tpu.barrier barrier_id(%barrier3A)
    %mul3A_5 = arith.constant 2400 : i32
    %mul3A_6 = arith.muli %add3A, %mul3A_5 : i32
    %dma_start3A = arith.constant 0 : i32
    %dma_start3A_7 = tpu.memref_slice %arg2[%mul3A_6, %dma_start3A] : memref<76800x128xf32, #tpu.memory_space<hbm>> -> memref<80x128xf32, #tpu.memory_space<hbm>>
    %dma_start3A_8 = arith.constant 0 : i32
    %dma_start3A_9 = tpu.memref_slice %arg2[%mul3A_6, %dma_start3A_8] : memref<76800x128xf32, #tpu.memory_space<hbm>> -> memref<80x128xf32, #tpu.memory_space<hbm>>
    tpu.enqueue_dma source(%dma_start3A_9 : memref<80x128xf32, #tpu.memory_space<hbm>>) target(%arg7 : memref<80x128xf32, #tpu.memory_space<vmem>>) target_semaphore(%arg11 : memref<!tpu.dma_semaphore, #tpu.memory_space<semaphore_mem>>)
    %add3A_10 = arith.constant 80 : i32
    %add3A_11 = arith.addi %mul3A_6, %add3A_10 : i32
    %dma_start3A_12 = arith.constant 0 : i32
    %dma_start3A_13 = tpu.memref_slice %arg2[%add3A_11, %dma_start3A_12] : memref<76800x128xf32, #tpu.memory_space<hbm>> -> memref<80x128xf32, #tpu.memory_space<hbm>>
    %dma_start3A_14 = arith.constant 0 : i32
    %dma_start3A_15 = tpu.memref_slice %arg2[%add3A_11, %dma_start3A_14] : memref<76800x128xf32, #tpu.memory_space<hbm>> -> memref<80x128xf32, #tpu.memory_space<hbm>>
    tpu.enqueue_dma source(%dma_start3A_15 : memref<80x128xf32, #tpu.memory_space<hbm>>) target(%arg8 : memref<80x128xf32, #tpu.memory_space<vmem>>) target_semaphore(%arg12 : memref<!tpu.dma_semaphore, #tpu.memory_space<semaphore_mem>>)
    %scan3A = arith.constant 0 : i32
    %scan3A_16 = arith.constant 0 : i32
    %scan3A_17 = arith.constant 15 : i32
    %scan3A_18 = arith.addi %scan3A_16, %scan3A_17 : i32
    %scan3A_19 = arith.constant 1 : i32
    scf.for %scan3A_26 = %scan3A_16 to %scan3A_18 step %scan3A_19  : i32 {
      %mul3A_27 = arith.constant 2 : i32
      %mul3A_28 = arith.muli %mul3A_27, %scan3A_26 : i32
      %mul3A_29 = arith.constant 80 : i32
      %mul3A_30 = arith.muli %mul3A_28, %mul3A_29 : i32
      %add3A_31 = arith.addi %mul3A_6, %mul3A_30 : i32
      %dma_wait3A = arith.constant 0 : i32
      %dma_wait3A_32 = tpu.memref_slice %arg2[%add3A_31, %dma_wait3A] : memref<76800x128xf32, #tpu.memory_space<hbm>> -> memref<80x128xf32, #tpu.memory_space<hbm>>
      %dma_wait3A_33 = arith.constant 0 : i32
      %dma_wait3A_34 = tpu.memref_slice %arg2[%add3A_31, %dma_wait3A_33] : memref<76800x128xf32, #tpu.memory_space<hbm>> -> memref<80x128xf32, #tpu.memory_space<hbm>>
      tpu.wait_dma2 semaphore(%arg11 : memref<!tpu.dma_semaphore, #tpu.memory_space<semaphore_mem>>) src(%dma_wait3A_34 : memref<80x128xf32, #tpu.memory_space<hbm>>) dst(%arg7 : memref<80x128xf32, #tpu.memory_space<vmem>>)
      "tpu.region"() ({
        %run_scoped3A = tpu.sem_alloc : memref<!tpu.dma_semaphore, #tpu.memory_space<semaphore_mem>>
        %dma_start3A_57 = arith.constant 0 : i32
        %dma_start3A_58 = tpu.memref_slice %arg6[%mul3A_28, %dma_start3A_57] : memref<30x80xi32, #tpu.memory_space<vmem>> -> memref<1x80xi32, #tpu.memory_space<vmem>>
        %dma_start3A_59 = tpu.memref_squeeze %dma_start3A_58 : memref<1x80xi32, #tpu.memory_space<vmem>> -> memref<80xi32, #tpu.memory_space<vmem>>
        %dma_start3A_60 = arith.constant 0 : i32
        %dma_start3A_61 = arith.constant 0 : i32
        %dma_start3A_62 = tpu.memref_slice %arg10[%dma_start3A_60, %dma_start3A_61] : memref<512x128xf32, #tpu.memory_space<vmem_shared>> -> memref<512x128xf32, #tpu.memory_space<vmem_shared>>
        tpu.enqueue_indirect_dma source(%arg7 : memref<80x128xf32, #tpu.memory_space<vmem>>) target(%dma_start3A_62 : memref<512x128xf32, #tpu.memory_space<vmem_shared>>) offsets(%dma_start3A_59 : memref<80xi32, #tpu.memory_space<vmem>>) semaphore(%run_scoped3A : memref<!tpu.dma_semaphore, #tpu.memory_space<semaphore_mem>>) {add = true}
        %dma_wait3A_63 = arith.constant 0 : i32
        %dma_wait3A_64 = tpu.memref_slice %arg6[%mul3A_28, %dma_wait3A_63] : memref<30x80xi32, #tpu.memory_space<vmem>> -> memref<1x80xi32, #tpu.memory_space<vmem>>
        %dma_wait3A_65 = tpu.memref_squeeze %dma_wait3A_64 : memref<1x80xi32, #tpu.memory_space<vmem>> -> memref<80xi32, #tpu.memory_space<vmem>>
        %dma_wait3A_66 = arith.constant 0 : i32
        %dma_wait3A_67 = arith.constant 0 : i32
        %dma_wait3A_68 = tpu.memref_slice %arg10[%dma_wait3A_66, %dma_wait3A_67] : memref<512x128xf32, #tpu.memory_space<vmem_shared>> -> memref<512x128xf32, #tpu.memory_space<vmem_shared>>
        tpu.wait_indirect_dma semaphore(%run_scoped3A : memref<!tpu.dma_semaphore, #tpu.memory_space<semaphore_mem>>) src(%arg7 : memref<80x128xf32, #tpu.memory_space<vmem>>) dst(%dma_wait3A_68 : memref<512x128xf32, #tpu.memory_space<vmem_shared>>)
        tpu.yield
      }) : () -> ()
      %add3A_35 = arith.constant 2 : i32
      %add3A_36 = arith.addi %mul3A_28, %add3A_35 : i32
      %lt3A = arith.constant 30 : i32
      %lt3A_37 = arith.cmpi slt, %add3A_36, %lt3A : i32
      %convert_element_type3A = arith.extui %lt3A_37 : i1 to i32
      %cond3A = arith.constant 0 : i32
      %cond3A_38 = arith.cmpi ne, %convert_element_type3A, %cond3A : i32
      scf.if %cond3A_38 {
        %add3A_57 = arith.constant 2 : i32
        %add3A_58 = arith.addi %mul3A_28, %add3A_57 : i32
        %mul3A_59 = arith.constant 80 : i32
        %mul3A_60 = arith.muli %add3A_58, %mul3A_59 : i32
        %add3A_61 = arith.addi %mul3A_6, %mul3A_60 : i32
        %dma_start3A_62 = arith.constant 0 : i32
        %dma_start3A_63 = tpu.memref_slice %arg2[%add3A_61, %dma_start3A_62] : memref<76800x128xf32, #tpu.memory_space<hbm>> -> memref<80x128xf32, #tpu.memory_space<hbm>>
        %dma_start3A_64 = arith.constant 0 : i32
        %dma_start3A_65 = tpu.memref_slice %arg2[%add3A_61, %dma_start3A_64] : memref<76800x128xf32, #tpu.memory_space<hbm>> -> memref<80x128xf32, #tpu.memory_space<hbm>>
        tpu.enqueue_dma source(%dma_start3A_65 : memref<80x128xf32, #tpu.memory_space<hbm>>) target(%arg7 : memref<80x128xf32, #tpu.memory_space<vmem>>) target_semaphore(%arg11 : memref<!tpu.dma_semaphore, #tpu.memory_space<semaphore_mem>>)
      } else {
      }
      %add3A_39 = arith.constant 1 : i32
      %add3A_40 = arith.addi %mul3A_28, %add3A_39 : i32
      %mul3A_41 = arith.constant 80 : i32
      %mul3A_42 = arith.muli %add3A_40, %mul3A_41 : i32
      %add3A_43 = arith.addi %mul3A_6, %mul3A_42 : i32
      %dma_wait3A_44 = arith.constant 0 : i32
      %dma_wait3A_45 = tpu.memref_slice %arg2[%add3A_43, %dma_wait3A_44] : memref<76800x128xf32, #tpu.memory_space<hbm>> -> memref<80x128xf32, #tpu.memory_space<hbm>>
      %dma_wait3A_46 = arith.constant 0 : i32
      %dma_wait3A_47 = tpu.memref_slice %arg2[%add3A_43, %dma_wait3A_46] : memref<76800x128xf32, #tpu.memory_space<hbm>> -> memref<80x128xf32, #tpu.memory_space<hbm>>
      tpu.wait_dma2 semaphore(%arg12 : memref<!tpu.dma_semaphore, #tpu.memory_space<semaphore_mem>>) src(%dma_wait3A_47 : memref<80x128xf32, #tpu.memory_space<hbm>>) dst(%arg8 : memref<80x128xf32, #tpu.memory_space<vmem>>)
      %add3A_48 = arith.constant 1 : i32
      %add3A_49 = arith.addi %mul3A_28, %add3A_48 : i32
      "tpu.region"() ({
        %run_scoped3A = tpu.sem_alloc : memref<!tpu.dma_semaphore, #tpu.memory_space<semaphore_mem>>
        %dma_start3A_57 = arith.constant 0 : i32
        %dma_start3A_58 = tpu.memref_slice %arg6[%add3A_49, %dma_start3A_57] : memref<30x80xi32, #tpu.memory_space<vmem>> -> memref<1x80xi32, #tpu.memory_space<vmem>>
        %dma_start3A_59 = tpu.memref_squeeze %dma_start3A_58 : memref<1x80xi32, #tpu.memory_space<vmem>> -> memref<80xi32, #tpu.memory_space<vmem>>
        %dma_start3A_60 = arith.constant 0 : i32
        %dma_start3A_61 = arith.constant 0 : i32
        %dma_start3A_62 = tpu.memref_slice %arg10[%dma_start3A_60, %dma_start3A_61] : memref<512x128xf32, #tpu.memory_space<vmem_shared>> -> memref<512x128xf32, #tpu.memory_space<vmem_shared>>
        tpu.enqueue_indirect_dma source(%arg8 : memref<80x128xf32, #tpu.memory_space<vmem>>) target(%dma_start3A_62 : memref<512x128xf32, #tpu.memory_space<vmem_shared>>) offsets(%dma_start3A_59 : memref<80xi32, #tpu.memory_space<vmem>>) semaphore(%run_scoped3A : memref<!tpu.dma_semaphore, #tpu.memory_space<semaphore_mem>>) {add = true}
        %dma_wait3A_63 = arith.constant 0 : i32
        %dma_wait3A_64 = tpu.memref_slice %arg6[%add3A_49, %dma_wait3A_63] : memref<30x80xi32, #tpu.memory_space<vmem>> -> memref<1x80xi32, #tpu.memory_space<vmem>>
        %dma_wait3A_65 = tpu.memref_squeeze %dma_wait3A_64 : memref<1x80xi32, #tpu.memory_space<vmem>> -> memref<80xi32, #tpu.memory_space<vmem>>
        %dma_wait3A_66 = arith.constant 0 : i32
        %dma_wait3A_67 = arith.constant 0 : i32
        %dma_wait3A_68 = tpu.memref_slice %arg10[%dma_wait3A_66, %dma_wait3A_67] : memref<512x128xf32, #tpu.memory_space<vmem_shared>> -> memref<512x128xf32, #tpu.memory_space<vmem_shared>>
        tpu.wait_indirect_dma semaphore(%run_scoped3A : memref<!tpu.dma_semaphore, #tpu.memory_space<semaphore_mem>>) src(%arg8 : memref<80x128xf32, #tpu.memory_space<vmem>>) dst(%dma_wait3A_68 : memref<512x128xf32, #tpu.memory_space<vmem_shared>>)
        tpu.yield
      }) : () -> ()
      %add3A_50 = arith.constant 3 : i32
      %add3A_51 = arith.addi %mul3A_28, %add3A_50 : i32
      %lt3A_52 = arith.constant 30 : i32
      %lt3A_53 = arith.cmpi slt, %add3A_51, %lt3A_52 : i32
      %convert_element_type3A_54 = arith.extui %lt3A_53 : i1 to i32
      %cond3A_55 = arith.constant 0 : i32
      %cond3A_56 = arith.cmpi ne, %convert_element_type3A_54, %cond3A_55 : i32
      scf.if %cond3A_56 {
        %add3A_57 = arith.constant 3 : i32
        %add3A_58 = arith.addi %mul3A_28, %add3A_57 : i32
        %mul3A_59 = arith.constant 80 : i32
        %mul3A_60 = arith.muli %add3A_58, %mul3A_59 : i32
        %add3A_61 = arith.addi %mul3A_6, %mul3A_60 : i32
        %dma_start3A_62 = arith.constant 0 : i32
        %dma_start3A_63 = tpu.memref_slice %arg2[%add3A_61, %dma_start3A_62] : memref<76800x128xf32, #tpu.memory_space<hbm>> -> memref<80x128xf32, #tpu.memory_space<hbm>>
        %dma_start3A_64 = arith.constant 0 : i32
        %dma_start3A_65 = tpu.memref_slice %arg2[%add3A_61, %dma_start3A_64] : memref<76800x128xf32, #tpu.memory_space<hbm>> -> memref<80x128xf32, #tpu.memory_space<hbm>>
        tpu.enqueue_dma source(%dma_start3A_65 : memref<80x128xf32, #tpu.memory_space<hbm>>) target(%arg8 : memref<80x128xf32, #tpu.memory_space<vmem>>) target_semaphore(%arg12 : memref<!tpu.dma_semaphore, #tpu.memory_space<semaphore_mem>>)
      } else {
      }
    }
    %scan3A_20 = arith.constant 15 : i32
    %barrier3A_21 = arith.constant 0 : index
    tpu.barrier barrier_id(%barrier3A_21)
    %mul3A_22 = arith.constant 32 : i32
    %mul3A_23 = arith.muli %arg1, %mul3A_22 : i32
    "tpu.region"() ({
      %run_scoped3A = tpu.sem_alloc : memref<!tpu.dma_semaphore, #tpu.memory_space<semaphore_mem>>
      %dma_start3A_26 = arith.constant 0 : i32
      %dma_start3A_27 = tpu.memref_slice %arg10[%mul3A_23, %dma_start3A_26] : memref<512x128xf32, #tpu.memory_space<vmem_shared>> -> memref<32x128xf32, #tpu.memory_space<vmem_shared>>
      %dma_start3A_28 = arith.constant 0 : i32
      %dma_start3A_29 = tpu.memref_slice %arg10[%mul3A_23, %dma_start3A_28] : memref<512x128xf32, #tpu.memory_space<vmem_shared>> -> memref<32x128xf32, #tpu.memory_space<vmem_shared>>
      tpu.enqueue_dma source(%dma_start3A_29 : memref<32x128xf32, #tpu.memory_space<vmem_shared>>) target(%arg9 : memref<32x128xf32, #tpu.memory_space<vmem>>) target_semaphore(%run_scoped3A : memref<!tpu.dma_semaphore, #tpu.memory_space<semaphore_mem>>)
      %dma_wait3A = arith.constant 0 : i32
      %dma_wait3A_30 = tpu.memref_slice %arg10[%mul3A_23, %dma_wait3A] : memref<512x128xf32, #tpu.memory_space<vmem_shared>> -> memref<32x128xf32, #tpu.memory_space<vmem_shared>>
      %dma_wait3A_31 = arith.constant 0 : i32
      %dma_wait3A_32 = tpu.memref_slice %arg10[%mul3A_23, %dma_wait3A_31] : memref<512x128xf32, #tpu.memory_space<vmem_shared>> -> memref<32x128xf32, #tpu.memory_space<vmem_shared>>
      tpu.wait_dma2 semaphore(%run_scoped3A : memref<!tpu.dma_semaphore, #tpu.memory_space<semaphore_mem>>) src(%dma_wait3A_32 : memref<32x128xf32, #tpu.memory_space<vmem_shared>>) dst(%arg9 : memref<32x128xf32, #tpu.memory_space<vmem>>)
      tpu.yield
    }) : () -> ()
    %mul3A_24 = arith.constant 32 : i32
    %mul3A_25 = arith.muli %arg1, %mul3A_24 : i32
    "tpu.region"() ({
      %run_scoped3A = tpu.sem_alloc : memref<!tpu.dma_semaphore, #tpu.memory_space<semaphore_mem>>
      %dma_start3A_26 = arith.constant 0 : i32
      %dma_start3A_27 = tpu.memref_slice %arg5[%arg0, %mul3A_25, %dma_start3A_26] : memref<2x512x128xf32, #tpu.memory_space<hbm>> -> memref<1x32x128xf32, #tpu.memory_space<hbm>>
      %dma_start3A_28 = tpu.memref_squeeze %dma_start3A_27 : memref<1x32x128xf32, #tpu.memory_space<hbm>> -> memref<32x128xf32, #tpu.memory_space<hbm>>
      %dma_start3A_29 = arith.constant 0 : i32
      %dma_start3A_30 = tpu.memref_slice %arg5[%arg0, %mul3A_25, %dma_start3A_29] : memref<2x512x128xf32, #tpu.memory_space<hbm>> -> memref<1x32x128xf32, #tpu.memory_space<hbm>>
      %dma_start3A_31 = tpu.memref_squeeze %dma_start3A_30 : memref<1x32x128xf32, #tpu.memory_space<hbm>> -> memref<32x128xf32, #tpu.memory_space<hbm>>
      tpu.enqueue_dma source(%arg9 : memref<32x128xf32, #tpu.memory_space<vmem>>) target(%dma_start3A_31 : memref<32x128xf32, #tpu.memory_space<hbm>>) target_semaphore(%run_scoped3A : memref<!tpu.dma_semaphore, #tpu.memory_space<semaphore_mem>>)
      %dma_wait3A = arith.constant 0 : i32
      %dma_wait3A_32 = tpu.memref_slice %arg5[%arg0, %mul3A_25, %dma_wait3A] : memref<2x512x128xf32, #tpu.memory_space<hbm>> -> memref<1x32x128xf32, #tpu.memory_space<hbm>>
      %dma_wait3A_33 = tpu.memref_squeeze %dma_wait3A_32 : memref<1x32x128xf32, #tpu.memory_space<hbm>> -> memref<32x128xf32, #tpu.memory_space<hbm>>
      %dma_wait3A_34 = arith.constant 0 : i32
      %dma_wait3A_35 = tpu.memref_slice %arg5[%arg0, %mul3A_25, %dma_wait3A_34] : memref<2x512x128xf32, #tpu.memory_space<hbm>> -> memref<1x32x128xf32, #tpu.memory_space<hbm>>
      %dma_wait3A_36 = tpu.memref_squeeze %dma_wait3A_35 : memref<1x32x128xf32, #tpu.memory_space<hbm>> -> memref<32x128xf32, #tpu.memory_space<hbm>>
      tpu.wait_dma2 semaphore(%run_scoped3A : memref<!tpu.dma_semaphore, #tpu.memory_space<semaphore_mem>>) src(%arg9 : memref<32x128xf32, #tpu.memory_space<vmem>>) dst(%dma_wait3A_36 : memref<32x128xf32, #tpu.memory_space<hbm>>)
      tpu.yield
    }) : () -> ()
    return
  }
}

#map = affine_map<(d0, d1) -> (0, 0)>
#map1 = affine_map<(d0, d1) -> (0, 0, 0)>
module attributes {stable_mosaic.version = 14 : i64} {
  func.func @_sc_body(%arg0: i32, %arg1: i32, %arg2: memref<76800x128xf32, #tpu.memory_space<hbm>>, %arg3: memref<32x30x80xi32, #tpu.memory_space<hbm>>, %arg4: memref<512x128xf32, #tpu.memory_space<hbm>>, %arg5: memref<2x512x128xf32, #tpu.memory_space<hbm>>, %arg6: memref<30x80xi32, #tpu.memory_space<vmem>>, %arg7: memref<80x128xf32, #tpu.memory_space<vmem>>, %arg8: memref<80x128xf32, #tpu.memory_space<vmem>>, %arg9: memref<32x128xf32, #tpu.memory_space<vmem>>, %arg10: memref<512x128xf32, #tpu.memory_space<vmem_shared>>, %arg11: memref<!tpu.dma_semaphore, #tpu.memory_space<semaphore_mem>>, %arg12: memref<!tpu.dma_semaphore, #tpu.memory_space<semaphore_mem>>) attributes {dimension_semantics = [#tpu.dimension_semantics<core_parallel>, #tpu.dimension_semantics<subcore_parallel>], iteration_bounds = array<i64: 2, 16>, scalar_prefetch = 0 : i64, scratch_operands = 7 : i64, tpu.core_type = #tpu.core_type<sc_vector_subcore>, window_params = [{transform_indices = #map}, {transform_indices = #map1}, {transform_indices = #map}, {transform_indices = #map1}]} {
    %mul3A = arith.constant 16 : i32
    %mul3A_0 = arith.muli %arg0, %mul3A : i32
    %add3A = arith.addi %mul3A_0, %arg1 : i32
    %mul3A_1 = arith.constant 32 : i32
    %mul3A_2 = arith.muli %arg1, %mul3A_1 : i32
    %mul3A_3 = arith.constant 32 : i32
    %mul3A_4 = arith.muli %arg1, %mul3A_3 : i32
    "tpu.region"() ({
      %run_scoped3A = tpu.sem_alloc : memref<!tpu.dma_semaphore, #tpu.memory_space<semaphore_mem>>
      %dma_start3A_26 = arith.constant 0 : i32
      %dma_start3A_27 = tpu.memref_slice %arg10[%mul3A_4, %dma_start3A_26] : memref<512x128xf32, #tpu.memory_space<vmem_shared>> -> memref<32x128xf32, #tpu.memory_space<vmem_shared>>
      %dma_start3A_28 = arith.constant 0 : i32
      %dma_start3A_29 = tpu.memref_slice %arg4[%mul3A_2, %dma_start3A_28] : memref<512x128xf32, #tpu.memory_space<hbm>> -> memref<32x128xf32, #tpu.memory_space<hbm>>
      tpu.enqueue_dma source(%dma_start3A_29 : memref<32x128xf32, #tpu.memory_space<hbm>>) target(%dma_start3A_27 : memref<32x128xf32, #tpu.memory_space<vmem_shared>>) target_semaphore(%run_scoped3A : memref<!tpu.dma_semaphore, #tpu.memory_space<semaphore_mem>>)
      %dma_wait3A = arith.constant 0 : i32
      %dma_wait3A_30 = tpu.memref_slice %arg10[%mul3A_4, %dma_wait3A] : memref<512x128xf32, #tpu.memory_space<vmem_shared>> -> memref<32x128xf32, #tpu.memory_space<vmem_shared>>
      %dma_wait3A_31 = arith.constant 0 : i32
      %dma_wait3A_32 = tpu.memref_slice %arg4[%mul3A_2, %dma_wait3A_31] : memref<512x128xf32, #tpu.memory_space<hbm>> -> memref<32x128xf32, #tpu.memory_space<hbm>>
      tpu.wait_dma2 semaphore(%run_scoped3A : memref<!tpu.dma_semaphore, #tpu.memory_space<semaphore_mem>>) src(%dma_wait3A_32 : memref<32x128xf32, #tpu.memory_space<hbm>>) dst(%dma_wait3A_30 : memref<32x128xf32, #tpu.memory_space<vmem_shared>>)
      tpu.yield
    }) : () -> ()
    "tpu.region"() ({
      %run_scoped3A = tpu.sem_alloc : memref<!tpu.dma_semaphore, #tpu.memory_space<semaphore_mem>>
      %dma_start3A_26 = arith.constant 0 : i32
      %dma_start3A_27 = arith.constant 0 : i32
      %dma_start3A_28 = tpu.memref_slice %arg3[%add3A, %dma_start3A_26, %dma_start3A_27] : memref<32x30x80xi32, #tpu.memory_space<hbm>> -> memref<1x30x80xi32, #tpu.memory_space<hbm>>
      %dma_start3A_29 = tpu.memref_squeeze %dma_start3A_28 : memref<1x30x80xi32, #tpu.memory_space<hbm>> -> memref<30x80xi32, #tpu.memory_space<hbm>>
      %dma_start3A_30 = arith.constant 0 : i32
      %dma_start3A_31 = arith.constant 0 : i32
      %dma_start3A_32 = tpu.memref_slice %arg3[%add3A, %dma_start3A_30, %dma_start3A_31] : memref<32x30x80xi32, #tpu.memory_space<hbm>> -> memref<1x30x80xi32, #tpu.memory_space<hbm>>
      %dma_start3A_33 = tpu.memref_squeeze %dma_start3A_32 : memref<1x30x80xi32, #tpu.memory_space<hbm>> -> memref<30x80xi32, #tpu.memory_space<hbm>>
      tpu.enqueue_dma source(%dma_start3A_33 : memref<30x80xi32, #tpu.memory_space<hbm>>) target(%arg6 : memref<30x80xi32, #tpu.memory_space<vmem>>) target_semaphore(%run_scoped3A : memref<!tpu.dma_semaphore, #tpu.memory_space<semaphore_mem>>)
      %dma_wait3A = arith.constant 0 : i32
      %dma_wait3A_34 = arith.constant 0 : i32
      %dma_wait3A_35 = tpu.memref_slice %arg3[%add3A, %dma_wait3A, %dma_wait3A_34] : memref<32x30x80xi32, #tpu.memory_space<hbm>> -> memref<1x30x80xi32, #tpu.memory_space<hbm>>
      %dma_wait3A_36 = tpu.memref_squeeze %dma_wait3A_35 : memref<1x30x80xi32, #tpu.memory_space<hbm>> -> memref<30x80xi32, #tpu.memory_space<hbm>>
      %dma_wait3A_37 = arith.constant 0 : i32
      %dma_wait3A_38 = arith.constant 0 : i32
      %dma_wait3A_39 = tpu.memref_slice %arg3[%add3A, %dma_wait3A_37, %dma_wait3A_38] : memref<32x30x80xi32, #tpu.memory_space<hbm>> -> memref<1x30x80xi32, #tpu.memory_space<hbm>>
      %dma_wait3A_40 = tpu.memref_squeeze %dma_wait3A_39 : memref<1x30x80xi32, #tpu.memory_space<hbm>> -> memref<30x80xi32, #tpu.memory_space<hbm>>
      tpu.wait_dma2 semaphore(%run_scoped3A : memref<!tpu.dma_semaphore, #tpu.memory_space<semaphore_mem>>) src(%dma_wait3A_40 : memref<30x80xi32, #tpu.memory_space<hbm>>) dst(%arg6 : memref<30x80xi32, #tpu.memory_space<vmem>>)
      tpu.yield
    }) : () -> ()
    %barrier3A = arith.constant 0 : index
    tpu.barrier barrier_id(%barrier3A)
    %mul3A_5 = arith.constant 2400 : i32
    %mul3A_6 = arith.muli %add3A, %mul3A_5 : i32
    %dma_start3A = arith.constant 0 : i32
    %dma_start3A_7 = tpu.memref_slice %arg2[%mul3A_6, %dma_start3A] : memref<76800x128xf32, #tpu.memory_space<hbm>> -> memref<80x128xf32, #tpu.memory_space<hbm>>
    %dma_start3A_8 = arith.constant 0 : i32
    %dma_start3A_9 = tpu.memref_slice %arg2[%mul3A_6, %dma_start3A_8] : memref<76800x128xf32, #tpu.memory_space<hbm>> -> memref<80x128xf32, #tpu.memory_space<hbm>>
    tpu.enqueue_dma source(%dma_start3A_9 : memref<80x128xf32, #tpu.memory_space<hbm>>) target(%arg7 : memref<80x128xf32, #tpu.memory_space<vmem>>) target_semaphore(%arg11 : memref<!tpu.dma_semaphore, #tpu.memory_space<semaphore_mem>>)
    %add3A_10 = arith.constant 80 : i32
    %add3A_11 = arith.addi %mul3A_6, %add3A_10 : i32
    %dma_start3A_12 = arith.constant 0 : i32
    %dma_start3A_13 = tpu.memref_slice %arg2[%add3A_11, %dma_start3A_12] : memref<76800x128xf32, #tpu.memory_space<hbm>> -> memref<80x128xf32, #tpu.memory_space<hbm>>
    %dma_start3A_14 = arith.constant 0 : i32
    %dma_start3A_15 = tpu.memref_slice %arg2[%add3A_11, %dma_start3A_14] : memref<76800x128xf32, #tpu.memory_space<hbm>> -> memref<80x128xf32, #tpu.memory_space<hbm>>
    tpu.enqueue_dma source(%dma_start3A_15 : memref<80x128xf32, #tpu.memory_space<hbm>>) target(%arg8 : memref<80x128xf32, #tpu.memory_space<vmem>>) target_semaphore(%arg12 : memref<!tpu.dma_semaphore, #tpu.memory_space<semaphore_mem>>)
    %scan3A = arith.constant 0 : i32
    %scan3A_16 = arith.constant 0 : i32
    %scan3A_17 = arith.constant 15 : i32
    %scan3A_18 = arith.addi %scan3A_16, %scan3A_17 : i32
    %scan3A_19 = arith.constant 1 : i32
    scf.for %scan3A_26 = %scan3A_16 to %scan3A_18 step %scan3A_19  : i32 {
      %mul3A_27 = arith.constant 2 : i32
      %mul3A_28 = arith.muli %mul3A_27, %scan3A_26 : i32
      %mul3A_29 = arith.constant 80 : i32
      %mul3A_30 = arith.muli %mul3A_28, %mul3A_29 : i32
      %add3A_31 = arith.addi %mul3A_6, %mul3A_30 : i32
      %dma_wait3A = arith.constant 0 : i32
      %dma_wait3A_32 = tpu.memref_slice %arg2[%add3A_31, %dma_wait3A] : memref<76800x128xf32, #tpu.memory_space<hbm>> -> memref<80x128xf32, #tpu.memory_space<hbm>>
      %dma_wait3A_33 = arith.constant 0 : i32
      %dma_wait3A_34 = tpu.memref_slice %arg2[%add3A_31, %dma_wait3A_33] : memref<76800x128xf32, #tpu.memory_space<hbm>> -> memref<80x128xf32, #tpu.memory_space<hbm>>
      tpu.wait_dma2 semaphore(%arg11 : memref<!tpu.dma_semaphore, #tpu.memory_space<semaphore_mem>>) src(%dma_wait3A_34 : memref<80x128xf32, #tpu.memory_space<hbm>>) dst(%arg7 : memref<80x128xf32, #tpu.memory_space<vmem>>)
      "tpu.region"() ({
        %run_scoped3A = tpu.sem_alloc : memref<!tpu.dma_semaphore, #tpu.memory_space<semaphore_mem>>
        %dma_start3A_57 = arith.constant 0 : i32
        %dma_start3A_58 = tpu.memref_slice %arg6[%mul3A_28, %dma_start3A_57] : memref<30x80xi32, #tpu.memory_space<vmem>> -> memref<1x80xi32, #tpu.memory_space<vmem>>
        %dma_start3A_59 = tpu.memref_squeeze %dma_start3A_58 : memref<1x80xi32, #tpu.memory_space<vmem>> -> memref<80xi32, #tpu.memory_space<vmem>>
        %dma_start3A_60 = arith.constant 0 : i32
        %dma_start3A_61 = arith.constant 0 : i32
        %dma_start3A_62 = tpu.memref_slice %arg10[%dma_start3A_60, %dma_start3A_61] : memref<512x128xf32, #tpu.memory_space<vmem_shared>> -> memref<512x128xf32, #tpu.memory_space<vmem_shared>>
        tpu.enqueue_indirect_dma source(%arg7 : memref<80x128xf32, #tpu.memory_space<vmem>>) target(%dma_start3A_62 : memref<512x128xf32, #tpu.memory_space<vmem_shared>>) offsets(%dma_start3A_59 : memref<80xi32, #tpu.memory_space<vmem>>) semaphore(%run_scoped3A : memref<!tpu.dma_semaphore, #tpu.memory_space<semaphore_mem>>) {add = true}
        %dma_wait3A_63 = arith.constant 0 : i32
        %dma_wait3A_64 = tpu.memref_slice %arg6[%mul3A_28, %dma_wait3A_63] : memref<30x80xi32, #tpu.memory_space<vmem>> -> memref<1x80xi32, #tpu.memory_space<vmem>>
        %dma_wait3A_65 = tpu.memref_squeeze %dma_wait3A_64 : memref<1x80xi32, #tpu.memory_space<vmem>> -> memref<80xi32, #tpu.memory_space<vmem>>
        %dma_wait3A_66 = arith.constant 0 : i32
        %dma_wait3A_67 = arith.constant 0 : i32
        %dma_wait3A_68 = tpu.memref_slice %arg10[%dma_wait3A_66, %dma_wait3A_67] : memref<512x128xf32, #tpu.memory_space<vmem_shared>> -> memref<512x128xf32, #tpu.memory_space<vmem_shared>>
        tpu.wait_indirect_dma semaphore(%run_scoped3A : memref<!tpu.dma_semaphore, #tpu.memory_space<semaphore_mem>>) src(%arg7 : memref<80x128xf32, #tpu.memory_space<vmem>>) dst(%dma_wait3A_68 : memref<512x128xf32, #tpu.memory_space<vmem_shared>>)
        tpu.yield
      }) : () -> ()
      %add3A_35 = arith.constant 2 : i32
      %add3A_36 = arith.addi %mul3A_28, %add3A_35 : i32
      %lt3A = arith.constant 30 : i32
      %lt3A_37 = arith.cmpi slt, %add3A_36, %lt3A : i32
      %convert_element_type3A = arith.extui %lt3A_37 : i1 to i32
      %cond3A = arith.constant 0 : i32
      %cond3A_38 = arith.cmpi ne, %convert_element_type3A, %cond3A : i32
      scf.if %cond3A_38 {
        %add3A_57 = arith.constant 2 : i32
        %add3A_58 = arith.addi %mul3A_28, %add3A_57 : i32
        %mul3A_59 = arith.constant 80 : i32
        %mul3A_60 = arith.muli %add3A_58, %mul3A_59 : i32
        %add3A_61 = arith.addi %mul3A_6, %mul3A_60 : i32
        %dma_start3A_62 = arith.constant 0 : i32
        %dma_start3A_63 = tpu.memref_slice %arg2[%add3A_61, %dma_start3A_62] : memref<76800x128xf32, #tpu.memory_space<hbm>> -> memref<80x128xf32, #tpu.memory_space<hbm>>
        %dma_start3A_64 = arith.constant 0 : i32
        %dma_start3A_65 = tpu.memref_slice %arg2[%add3A_61, %dma_start3A_64] : memref<76800x128xf32, #tpu.memory_space<hbm>> -> memref<80x128xf32, #tpu.memory_space<hbm>>
        tpu.enqueue_dma source(%dma_start3A_65 : memref<80x128xf32, #tpu.memory_space<hbm>>) target(%arg7 : memref<80x128xf32, #tpu.memory_space<vmem>>) target_semaphore(%arg11 : memref<!tpu.dma_semaphore, #tpu.memory_space<semaphore_mem>>)
      } else {
      }
      %add3A_39 = arith.constant 1 : i32
      %add3A_40 = arith.addi %mul3A_28, %add3A_39 : i32
      %mul3A_41 = arith.constant 80 : i32
      %mul3A_42 = arith.muli %add3A_40, %mul3A_41 : i32
      %add3A_43 = arith.addi %mul3A_6, %mul3A_42 : i32
      %dma_wait3A_44 = arith.constant 0 : i32
      %dma_wait3A_45 = tpu.memref_slice %arg2[%add3A_43, %dma_wait3A_44] : memref<76800x128xf32, #tpu.memory_space<hbm>> -> memref<80x128xf32, #tpu.memory_space<hbm>>
      %dma_wait3A_46 = arith.constant 0 : i32
      %dma_wait3A_47 = tpu.memref_slice %arg2[%add3A_43, %dma_wait3A_46] : memref<76800x128xf32, #tpu.memory_space<hbm>> -> memref<80x128xf32, #tpu.memory_space<hbm>>
      tpu.wait_dma2 semaphore(%arg12 : memref<!tpu.dma_semaphore, #tpu.memory_space<semaphore_mem>>) src(%dma_wait3A_47 : memref<80x128xf32, #tpu.memory_space<hbm>>) dst(%arg8 : memref<80x128xf32, #tpu.memory_space<vmem>>)
      %add3A_48 = arith.constant 1 : i32
      %add3A_49 = arith.addi %mul3A_28, %add3A_48 : i32
      "tpu.region"() ({
        %run_scoped3A = tpu.sem_alloc : memref<!tpu.dma_semaphore, #tpu.memory_space<semaphore_mem>>
        %dma_start3A_57 = arith.constant 0 : i32
        %dma_start3A_58 = tpu.memref_slice %arg6[%add3A_49, %dma_start3A_57] : memref<30x80xi32, #tpu.memory_space<vmem>> -> memref<1x80xi32, #tpu.memory_space<vmem>>
        %dma_start3A_59 = tpu.memref_squeeze %dma_start3A_58 : memref<1x80xi32, #tpu.memory_space<vmem>> -> memref<80xi32, #tpu.memory_space<vmem>>
        %dma_start3A_60 = arith.constant 0 : i32
        %dma_start3A_61 = arith.constant 0 : i32
        %dma_start3A_62 = tpu.memref_slice %arg10[%dma_start3A_60, %dma_start3A_61] : memref<512x128xf32, #tpu.memory_space<vmem_shared>> -> memref<512x128xf32, #tpu.memory_space<vmem_shared>>
        tpu.enqueue_indirect_dma source(%arg8 : memref<80x128xf32, #tpu.memory_space<vmem>>) target(%dma_start3A_62 : memref<512x128xf32, #tpu.memory_space<vmem_shared>>) offsets(%dma_start3A_59 : memref<80xi32, #tpu.memory_space<vmem>>) semaphore(%run_scoped3A : memref<!tpu.dma_semaphore, #tpu.memory_space<semaphore_mem>>) {add = true}
        %dma_wait3A_63 = arith.constant 0 : i32
        %dma_wait3A_64 = tpu.memref_slice %arg6[%add3A_49, %dma_wait3A_63] : memref<30x80xi32, #tpu.memory_space<vmem>> -> memref<1x80xi32, #tpu.memory_space<vmem>>
        %dma_wait3A_65 = tpu.memref_squeeze %dma_wait3A_64 : memref<1x80xi32, #tpu.memory_space<vmem>> -> memref<80xi32, #tpu.memory_space<vmem>>
        %dma_wait3A_66 = arith.constant 0 : i32
        %dma_wait3A_67 = arith.constant 0 : i32
        %dma_wait3A_68 = tpu.memref_slice %arg10[%dma_wait3A_66, %dma_wait3A_67] : memref<512x128xf32, #tpu.memory_space<vmem_shared>> -> memref<512x128xf32, #tpu.memory_space<vmem_shared>>
        tpu.wait_indirect_dma semaphore(%run_scoped3A : memref<!tpu.dma_semaphore, #tpu.memory_space<semaphore_mem>>) src(%arg8 : memref<80x128xf32, #tpu.memory_space<vmem>>) dst(%dma_wait3A_68 : memref<512x128xf32, #tpu.memory_space<vmem_shared>>)
        tpu.yield
      }) : () -> ()
      %add3A_50 = arith.constant 3 : i32
      %add3A_51 = arith.addi %mul3A_28, %add3A_50 : i32
      %lt3A_52 = arith.constant 30 : i32
      %lt3A_53 = arith.cmpi slt, %add3A_51, %lt3A_52 : i32
      %convert_element_type3A_54 = arith.extui %lt3A_53 : i1 to i32
      %cond3A_55 = arith.constant 0 : i32
      %cond3A_56 = arith.cmpi ne, %convert_element_type3A_54, %cond3A_55 : i32
      scf.if %cond3A_56 {
        %add3A_57 = arith.constant 3 : i32
        %add3A_58 = arith.addi %mul3A_28, %add3A_57 : i32
        %mul3A_59 = arith.constant 80 : i32
        %mul3A_60 = arith.muli %add3A_58, %mul3A_59 : i32
        %add3A_61 = arith.addi %mul3A_6, %mul3A_60 : i32
        %dma_start3A_62 = arith.constant 0 : i32
        %dma_start3A_63 = tpu.memref_slice %arg2[%add3A_61, %dma_start3A_62] : memref<76800x128xf32, #tpu.memory_space<hbm>> -> memref<80x128xf32, #tpu.memory_space<hbm>>
        %dma_start3A_64 = arith.constant 0 : i32
        %dma_start3A_65 = tpu.memref_slice %arg2[%add3A_61, %dma_start3A_64] : memref<76800x128xf32, #tpu.memory_space<hbm>> -> memref<80x128xf32, #tpu.memory_space<hbm>>
        tpu.enqueue_dma source(%dma_start3A_65 : memref<80x128xf32, #tpu.memory_space<hbm>>) target(%arg8 : memref<80x128xf32, #tpu.memory_space<vmem>>) target_semaphore(%arg12 : memref<!tpu.dma_semaphore, #tpu.memory_space<semaphore_mem>>)
      } else {
      }
    }
    %scan3A_20 = arith.constant 15 : i32
    %barrier3A_21 = arith.constant 0 : index
    tpu.barrier barrier_id(%barrier3A_21)
    %mul3A_22 = arith.constant 32 : i32
    %mul3A_23 = arith.muli %arg1, %mul3A_22 : i32
    "tpu.region"() ({
      %run_scoped3A = tpu.sem_alloc : memref<!tpu.dma_semaphore, #tpu.memory_space<semaphore_mem>>
      %dma_start3A_26 = arith.constant 0 : i32
      %dma_start3A_27 = tpu.memref_slice %arg10[%mul3A_23, %dma_start3A_26] : memref<512x128xf32, #tpu.memory_space<vmem_shared>> -> memref<32x128xf32, #tpu.memory_space<vmem_shared>>
      %dma_start3A_28 = arith.constant 0 : i32
      %dma_start3A_29 = tpu.memref_slice %arg10[%mul3A_23, %dma_start3A_28] : memref<512x128xf32, #tpu.memory_space<vmem_shared>> -> memref<32x128xf32, #tpu.memory_space<vmem_shared>>
      tpu.enqueue_dma source(%dma_start3A_29 : memref<32x128xf32, #tpu.memory_space<vmem_shared>>) target(%arg9 : memref<32x128xf32, #tpu.memory_space<vmem>>) target_semaphore(%run_scoped3A : memref<!tpu.dma_semaphore, #tpu.memory_space<semaphore_mem>>)
      %dma_wait3A = arith.constant 0 : i32
      %dma_wait3A_30 = tpu.memref_slice %arg10[%mul3A_23, %dma_wait3A] : memref<512x128xf32, #tpu.memory_space<vmem_shared>> -> memref<32x128xf32, #tpu.memory_space<vmem_shared>>
      %dma_wait3A_31 = arith.constant 0 : i32
      %dma_wait3A_32 = tpu.memref_slice %arg10[%mul3A_23, %dma_wait3A_31] : memref<512x128xf32, #tpu.memory_space<vmem_shared>> -> memref<32x128xf32, #tpu.memory_space<vmem_shared>>
      tpu.wait_dma2 semaphore(%run_scoped3A : memref<!tpu.dma_semaphore, #tpu.memory_space<semaphore_mem>>) src(%dma_wait3A_32 : memref<32x128xf32, #tpu.memory_space<vmem_shared>>) dst(%arg9 : memref<32x128xf32, #tpu.memory_space<vmem>>)
      tpu.yield
    }) : () -> ()
    %mul3A_24 = arith.constant 32 : i32
    %mul3A_25 = arith.muli %arg1, %mul3A_24 : i32
    "tpu.region"() ({
      %run_scoped3A = tpu.sem_alloc : memref<!tpu.dma_semaphore, #tpu.memory_space<semaphore_mem>>
      %dma_start3A_26 = arith.constant 0 : i32
      %dma_start3A_27 = tpu.memref_slice %arg5[%arg0, %mul3A_25, %dma_start3A_26] : memref<2x512x128xf32, #tpu.memory_space<hbm>> -> memref<1x32x128xf32, #tpu.memory_space<hbm>>
      %dma_start3A_28 = tpu.memref_squeeze %dma_start3A_27 : memref<1x32x128xf32, #tpu.memory_space<hbm>> -> memref<32x128xf32, #tpu.memory_space<hbm>>
      %dma_start3A_29 = arith.constant 0 : i32
      %dma_start3A_30 = tpu.memref_slice %arg5[%arg0, %mul3A_25, %dma_start3A_29] : memref<2x512x128xf32, #tpu.memory_space<hbm>> -> memref<1x32x128xf32, #tpu.memory_space<hbm>>
      %dma_start3A_31 = tpu.memref_squeeze %dma_start3A_30 : memref<1x32x128xf32, #tpu.memory_space<hbm>> -> memref<32x128xf32, #tpu.memory_space<hbm>>
      tpu.enqueue_dma source(%arg9 : memref<32x128xf32, #tpu.memory_space<vmem>>) target(%dma_start3A_31 : memref<32x128xf32, #tpu.memory_space<hbm>>) target_semaphore(%run_scoped3A : memref<!tpu.dma_semaphore, #tpu.memory_space<semaphore_mem>>)
      %dma_wait3A = arith.constant 0 : i32
      %dma_wait3A_32 = tpu.memref_slice %arg5[%arg0, %mul3A_25, %dma_wait3A] : memref<2x512x128xf32, #tpu.memory_space<hbm>> -> memref<1x32x128xf32, #tpu.memory_space<hbm>>
      %dma_wait3A_33 = tpu.memref_squeeze %dma_wait3A_32 : memref<1x32x128xf32, #tpu.memory_space<hbm>> -> memref<32x128xf32, #tpu.memory_space<hbm>>
      %dma_wait3A_34 = arith.constant 0 : i32
      %dma_wait3A_35 = tpu.memref_slice %arg5[%arg0, %mul3A_25, %dma_wait3A_34] : memref<2x512x128xf32, #tpu.memory_space<hbm>> -> memref<1x32x128xf32, #tpu.memory_space<hbm>>
      %dma_wait3A_36 = tpu.memref_squeeze %dma_wait3A_35 : memref<1x32x128xf32, #tpu.memory_space<hbm>> -> memref<32x128xf32, #tpu.memory_space<hbm>>
      tpu.wait_dma2 semaphore(%run_scoped3A : memref<!tpu.dma_semaphore, #tpu.memory_space<semaphore_mem>>) src(%arg9 : memref<32x128xf32, #tpu.memory_space<vmem>>) dst(%dma_wait3A_36 : memref<32x128xf32, #tpu.memory_space<hbm>>)
      tpu.yield
    }) : () -> ()
    return
  }
}

#map = affine_map<(d0, d1) -> (0, 0)>
#map1 = affine_map<(d0, d1) -> (0, 0, 0)>
module attributes {stable_mosaic.version = 14 : i64} {
  func.func @_sc_body(%arg0: i32, %arg1: i32, %arg2: memref<12800x128xf32, #tpu.memory_space<hbm>>, %arg3: memref<32x5x80xi32, #tpu.memory_space<hbm>>, %arg4: memref<512x128xf32, #tpu.memory_space<hbm>>, %arg5: memref<2x512x128xf32, #tpu.memory_space<hbm>>, %arg6: memref<5x80xi32, #tpu.memory_space<vmem>>, %arg7: memref<80x128xf32, #tpu.memory_space<vmem>>, %arg8: memref<80x128xf32, #tpu.memory_space<vmem>>, %arg9: memref<32x128xf32, #tpu.memory_space<vmem>>, %arg10: memref<512x128xf32, #tpu.memory_space<vmem_shared>>, %arg11: memref<!tpu.dma_semaphore, #tpu.memory_space<semaphore_mem>>, %arg12: memref<!tpu.dma_semaphore, #tpu.memory_space<semaphore_mem>>) attributes {dimension_semantics = [#tpu.dimension_semantics<core_parallel>, #tpu.dimension_semantics<subcore_parallel>], iteration_bounds = array<i64: 2, 16>, scalar_prefetch = 0 : i64, scratch_operands = 7 : i64, tpu.core_type = #tpu.core_type<sc_vector_subcore>, window_params = [{transform_indices = #map}, {transform_indices = #map1}, {transform_indices = #map}, {transform_indices = #map1}]} {
    %mul3A = arith.constant 16 : i32
    %mul3A_0 = arith.muli %arg0, %mul3A : i32
    %add3A = arith.addi %mul3A_0, %arg1 : i32
    %mul3A_1 = arith.constant 32 : i32
    %mul3A_2 = arith.muli %arg1, %mul3A_1 : i32
    %mul3A_3 = arith.constant 32 : i32
    %mul3A_4 = arith.muli %arg1, %mul3A_3 : i32
    "tpu.region"() ({
      %run_scoped3A_31 = tpu.sem_alloc : memref<!tpu.dma_semaphore, #tpu.memory_space<semaphore_mem>>
      %dma_start3A_32 = arith.constant 0 : i32
      %dma_start3A_33 = tpu.memref_slice %arg10[%mul3A_4, %dma_start3A_32] : memref<512x128xf32, #tpu.memory_space<vmem_shared>> -> memref<32x128xf32, #tpu.memory_space<vmem_shared>>
      %dma_start3A_34 = arith.constant 0 : i32
      %dma_start3A_35 = tpu.memref_slice %arg4[%mul3A_2, %dma_start3A_34] : memref<512x128xf32, #tpu.memory_space<hbm>> -> memref<32x128xf32, #tpu.memory_space<hbm>>
      tpu.enqueue_dma source(%dma_start3A_35 : memref<32x128xf32, #tpu.memory_space<hbm>>) target(%dma_start3A_33 : memref<32x128xf32, #tpu.memory_space<vmem_shared>>) target_semaphore(%run_scoped3A_31 : memref<!tpu.dma_semaphore, #tpu.memory_space<semaphore_mem>>)
      %dma_wait3A_36 = arith.constant 0 : i32
      %dma_wait3A_37 = tpu.memref_slice %arg10[%mul3A_4, %dma_wait3A_36] : memref<512x128xf32, #tpu.memory_space<vmem_shared>> -> memref<32x128xf32, #tpu.memory_space<vmem_shared>>
      %dma_wait3A_38 = arith.constant 0 : i32
      %dma_wait3A_39 = tpu.memref_slice %arg4[%mul3A_2, %dma_wait3A_38] : memref<512x128xf32, #tpu.memory_space<hbm>> -> memref<32x128xf32, #tpu.memory_space<hbm>>
      tpu.wait_dma2 semaphore(%run_scoped3A_31 : memref<!tpu.dma_semaphore, #tpu.memory_space<semaphore_mem>>) src(%dma_wait3A_39 : memref<32x128xf32, #tpu.memory_space<hbm>>) dst(%dma_wait3A_37 : memref<32x128xf32, #tpu.memory_space<vmem_shared>>)
      tpu.yield
    }) : () -> ()
    "tpu.region"() ({
      %run_scoped3A_31 = tpu.sem_alloc : memref<!tpu.dma_semaphore, #tpu.memory_space<semaphore_mem>>
      %dma_start3A_32 = arith.constant 0 : i32
      %dma_start3A_33 = arith.constant 0 : i32
      %dma_start3A_34 = tpu.memref_slice %arg3[%add3A, %dma_start3A_32, %dma_start3A_33] : memref<32x5x80xi32, #tpu.memory_space<hbm>> -> memref<1x5x80xi32, #tpu.memory_space<hbm>>
      %dma_start3A_35 = tpu.memref_squeeze %dma_start3A_34 : memref<1x5x80xi32, #tpu.memory_space<hbm>> -> memref<5x80xi32, #tpu.memory_space<hbm>>
      %dma_start3A_36 = arith.constant 0 : i32
      %dma_start3A_37 = arith.constant 0 : i32
      %dma_start3A_38 = tpu.memref_slice %arg3[%add3A, %dma_start3A_36, %dma_start3A_37] : memref<32x5x80xi32, #tpu.memory_space<hbm>> -> memref<1x5x80xi32, #tpu.memory_space<hbm>>
      %dma_start3A_39 = tpu.memref_squeeze %dma_start3A_38 : memref<1x5x80xi32, #tpu.memory_space<hbm>> -> memref<5x80xi32, #tpu.memory_space<hbm>>
      tpu.enqueue_dma source(%dma_start3A_39 : memref<5x80xi32, #tpu.memory_space<hbm>>) target(%arg6 : memref<5x80xi32, #tpu.memory_space<vmem>>) target_semaphore(%run_scoped3A_31 : memref<!tpu.dma_semaphore, #tpu.memory_space<semaphore_mem>>)
      %dma_wait3A_40 = arith.constant 0 : i32
      %dma_wait3A_41 = arith.constant 0 : i32
      %dma_wait3A_42 = tpu.memref_slice %arg3[%add3A, %dma_wait3A_40, %dma_wait3A_41] : memref<32x5x80xi32, #tpu.memory_space<hbm>> -> memref<1x5x80xi32, #tpu.memory_space<hbm>>
      %dma_wait3A_43 = tpu.memref_squeeze %dma_wait3A_42 : memref<1x5x80xi32, #tpu.memory_space<hbm>> -> memref<5x80xi32, #tpu.memory_space<hbm>>
      %dma_wait3A_44 = arith.constant 0 : i32
      %dma_wait3A_45 = arith.constant 0 : i32
      %dma_wait3A_46 = tpu.memref_slice %arg3[%add3A, %dma_wait3A_44, %dma_wait3A_45] : memref<32x5x80xi32, #tpu.memory_space<hbm>> -> memref<1x5x80xi32, #tpu.memory_space<hbm>>
      %dma_wait3A_47 = tpu.memref_squeeze %dma_wait3A_46 : memref<1x5x80xi32, #tpu.memory_space<hbm>> -> memref<5x80xi32, #tpu.memory_space<hbm>>
      tpu.wait_dma2 semaphore(%run_scoped3A_31 : memref<!tpu.dma_semaphore, #tpu.memory_space<semaphore_mem>>) src(%dma_wait3A_47 : memref<5x80xi32, #tpu.memory_space<hbm>>) dst(%arg6 : memref<5x80xi32, #tpu.memory_space<vmem>>)
      tpu.yield
    }) : () -> ()
    %barrier3A = arith.constant 0 : index
    tpu.barrier barrier_id(%barrier3A)
    %mul3A_5 = arith.constant 400 : i32
    %mul3A_6 = arith.muli %add3A, %mul3A_5 : i32
    %dma_start3A = arith.constant 0 : i32
    %dma_start3A_7 = tpu.memref_slice %arg2[%mul3A_6, %dma_start3A] : memref<12800x128xf32, #tpu.memory_space<hbm>> -> memref<80x128xf32, #tpu.memory_space<hbm>>
    %dma_start3A_8 = arith.constant 0 : i32
    %dma_start3A_9 = tpu.memref_slice %arg2[%mul3A_6, %dma_start3A_8] : memref<12800x128xf32, #tpu.memory_space<hbm>> -> memref<80x128xf32, #tpu.memory_space<hbm>>
    tpu.enqueue_dma source(%dma_start3A_9 : memref<80x128xf32, #tpu.memory_space<hbm>>) target(%arg7 : memref<80x128xf32, #tpu.memory_space<vmem>>) target_semaphore(%arg11 : memref<!tpu.dma_semaphore, #tpu.memory_space<semaphore_mem>>)
    %add3A_10 = arith.constant 80 : i32
    %add3A_11 = arith.addi %mul3A_6, %add3A_10 : i32
    %dma_start3A_12 = arith.constant 0 : i32
    %dma_start3A_13 = tpu.memref_slice %arg2[%add3A_11, %dma_start3A_12] : memref<12800x128xf32, #tpu.memory_space<hbm>> -> memref<80x128xf32, #tpu.memory_space<hbm>>
    %dma_start3A_14 = arith.constant 0 : i32
    %dma_start3A_15 = tpu.memref_slice %arg2[%add3A_11, %dma_start3A_14] : memref<12800x128xf32, #tpu.memory_space<hbm>> -> memref<80x128xf32, #tpu.memory_space<hbm>>
    tpu.enqueue_dma source(%dma_start3A_15 : memref<80x128xf32, #tpu.memory_space<hbm>>) target(%arg8 : memref<80x128xf32, #tpu.memory_space<vmem>>) target_semaphore(%arg12 : memref<!tpu.dma_semaphore, #tpu.memory_space<semaphore_mem>>)
    %scan3A = arith.constant 0 : i32
    %scan3A_16 = arith.constant 0 : i32
    %scan3A_17 = arith.constant 2 : i32
    %scan3A_18 = arith.addi %scan3A_16, %scan3A_17 : i32
    %scan3A_19 = arith.constant 1 : i32
    scf.for %scan3A_31 = %scan3A_16 to %scan3A_18 step %scan3A_19  : i32 {
      %mul3A_32 = arith.constant 2 : i32
      %mul3A_33 = arith.muli %mul3A_32, %scan3A_31 : i32
      %mul3A_34 = arith.constant 80 : i32
      %mul3A_35 = arith.muli %mul3A_33, %mul3A_34 : i32
      %add3A_36 = arith.addi %mul3A_6, %mul3A_35 : i32
      %dma_wait3A_37 = arith.constant 0 : i32
      %dma_wait3A_38 = tpu.memref_slice %arg2[%add3A_36, %dma_wait3A_37] : memref<12800x128xf32, #tpu.memory_space<hbm>> -> memref<80x128xf32, #tpu.memory_space<hbm>>
      %dma_wait3A_39 = arith.constant 0 : i32
      %dma_wait3A_40 = tpu.memref_slice %arg2[%add3A_36, %dma_wait3A_39] : memref<12800x128xf32, #tpu.memory_space<hbm>> -> memref<80x128xf32, #tpu.memory_space<hbm>>
      tpu.wait_dma2 semaphore(%arg11 : memref<!tpu.dma_semaphore, #tpu.memory_space<semaphore_mem>>) src(%dma_wait3A_40 : memref<80x128xf32, #tpu.memory_space<hbm>>) dst(%arg7 : memref<80x128xf32, #tpu.memory_space<vmem>>)
      "tpu.region"() ({
        %run_scoped3A_63 = tpu.sem_alloc : memref<!tpu.dma_semaphore, #tpu.memory_space<semaphore_mem>>
        %dma_start3A_64 = arith.constant 0 : i32
        %dma_start3A_65 = tpu.memref_slice %arg6[%mul3A_33, %dma_start3A_64] : memref<5x80xi32, #tpu.memory_space<vmem>> -> memref<1x80xi32, #tpu.memory_space<vmem>>
        %dma_start3A_66 = tpu.memref_squeeze %dma_start3A_65 : memref<1x80xi32, #tpu.memory_space<vmem>> -> memref<80xi32, #tpu.memory_space<vmem>>
        %dma_start3A_67 = arith.constant 0 : i32
        %dma_start3A_68 = arith.constant 0 : i32
        %dma_start3A_69 = tpu.memref_slice %arg10[%dma_start3A_67, %dma_start3A_68] : memref<512x128xf32, #tpu.memory_space<vmem_shared>> -> memref<512x128xf32, #tpu.memory_space<vmem_shared>>
        tpu.enqueue_indirect_dma source(%arg7 : memref<80x128xf32, #tpu.memory_space<vmem>>) target(%dma_start3A_69 : memref<512x128xf32, #tpu.memory_space<vmem_shared>>) offsets(%dma_start3A_66 : memref<80xi32, #tpu.memory_space<vmem>>) semaphore(%run_scoped3A_63 : memref<!tpu.dma_semaphore, #tpu.memory_space<semaphore_mem>>) {add = true}
        %dma_wait3A_70 = arith.constant 0 : i32
        %dma_wait3A_71 = tpu.memref_slice %arg6[%mul3A_33, %dma_wait3A_70] : memref<5x80xi32, #tpu.memory_space<vmem>> -> memref<1x80xi32, #tpu.memory_space<vmem>>
        %dma_wait3A_72 = tpu.memref_squeeze %dma_wait3A_71 : memref<1x80xi32, #tpu.memory_space<vmem>> -> memref<80xi32, #tpu.memory_space<vmem>>
        %dma_wait3A_73 = arith.constant 0 : i32
        %dma_wait3A_74 = arith.constant 0 : i32
        %dma_wait3A_75 = tpu.memref_slice %arg10[%dma_wait3A_73, %dma_wait3A_74] : memref<512x128xf32, #tpu.memory_space<vmem_shared>> -> memref<512x128xf32, #tpu.memory_space<vmem_shared>>
        tpu.wait_indirect_dma semaphore(%run_scoped3A_63 : memref<!tpu.dma_semaphore, #tpu.memory_space<semaphore_mem>>) src(%arg7 : memref<80x128xf32, #tpu.memory_space<vmem>>) dst(%dma_wait3A_75 : memref<512x128xf32, #tpu.memory_space<vmem_shared>>)
        tpu.yield
      }) : () -> ()
      %add3A_41 = arith.constant 2 : i32
      %add3A_42 = arith.addi %mul3A_33, %add3A_41 : i32
      %lt3A = arith.constant 5 : i32
      %lt3A_43 = arith.cmpi slt, %add3A_42, %lt3A : i32
      %convert_element_type3A = arith.extui %lt3A_43 : i1 to i32
      %cond3A = arith.constant 0 : i32
      %cond3A_44 = arith.cmpi ne, %convert_element_type3A, %cond3A : i32
      scf.if %cond3A_44 {
        %add3A_63 = arith.constant 2 : i32
        %add3A_64 = arith.addi %mul3A_33, %add3A_63 : i32
        %mul3A_65 = arith.constant 80 : i32
        %mul3A_66 = arith.muli %add3A_64, %mul3A_65 : i32
        %add3A_67 = arith.addi %mul3A_6, %mul3A_66 : i32
        %dma_start3A_68 = arith.constant 0 : i32
        %dma_start3A_69 = tpu.memref_slice %arg2[%add3A_67, %dma_start3A_68] : memref<12800x128xf32, #tpu.memory_space<hbm>> -> memref<80x128xf32, #tpu.memory_space<hbm>>
        %dma_start3A_70 = arith.constant 0 : i32
        %dma_start3A_71 = tpu.memref_slice %arg2[%add3A_67, %dma_start3A_70] : memref<12800x128xf32, #tpu.memory_space<hbm>> -> memref<80x128xf32, #tpu.memory_space<hbm>>
        tpu.enqueue_dma source(%dma_start3A_71 : memref<80x128xf32, #tpu.memory_space<hbm>>) target(%arg7 : memref<80x128xf32, #tpu.memory_space<vmem>>) target_semaphore(%arg11 : memref<!tpu.dma_semaphore, #tpu.memory_space<semaphore_mem>>)
      } else {
      }
      %add3A_45 = arith.constant 1 : i32
      %add3A_46 = arith.addi %mul3A_33, %add3A_45 : i32
      %mul3A_47 = arith.constant 80 : i32
      %mul3A_48 = arith.muli %add3A_46, %mul3A_47 : i32
      %add3A_49 = arith.addi %mul3A_6, %mul3A_48 : i32
      %dma_wait3A_50 = arith.constant 0 : i32
      %dma_wait3A_51 = tpu.memref_slice %arg2[%add3A_49, %dma_wait3A_50] : memref<12800x128xf32, #tpu.memory_space<hbm>> -> memref<80x128xf32, #tpu.memory_space<hbm>>
      %dma_wait3A_52 = arith.constant 0 : i32
      %dma_wait3A_53 = tpu.memref_slice %arg2[%add3A_49, %dma_wait3A_52] : memref<12800x128xf32, #tpu.memory_space<hbm>> -> memref<80x128xf32, #tpu.memory_space<hbm>>
      tpu.wait_dma2 semaphore(%arg12 : memref<!tpu.dma_semaphore, #tpu.memory_space<semaphore_mem>>) src(%dma_wait3A_53 : memref<80x128xf32, #tpu.memory_space<hbm>>) dst(%arg8 : memref<80x128xf32, #tpu.memory_space<vmem>>)
      %add3A_54 = arith.constant 1 : i32
      %add3A_55 = arith.addi %mul3A_33, %add3A_54 : i32
      "tpu.region"() ({
        %run_scoped3A_63 = tpu.sem_alloc : memref<!tpu.dma_semaphore, #tpu.memory_space<semaphore_mem>>
        %dma_start3A_64 = arith.constant 0 : i32
        %dma_start3A_65 = tpu.memref_slice %arg6[%add3A_55, %dma_start3A_64] : memref<5x80xi32, #tpu.memory_space<vmem>> -> memref<1x80xi32, #tpu.memory_space<vmem>>
        %dma_start3A_66 = tpu.memref_squeeze %dma_start3A_65 : memref<1x80xi32, #tpu.memory_space<vmem>> -> memref<80xi32, #tpu.memory_space<vmem>>
        %dma_start3A_67 = arith.constant 0 : i32
        %dma_start3A_68 = arith.constant 0 : i32
        %dma_start3A_69 = tpu.memref_slice %arg10[%dma_start3A_67, %dma_start3A_68] : memref<512x128xf32, #tpu.memory_space<vmem_shared>> -> memref<512x128xf32, #tpu.memory_space<vmem_shared>>
        tpu.enqueue_indirect_dma source(%arg8 : memref<80x128xf32, #tpu.memory_space<vmem>>) target(%dma_start3A_69 : memref<512x128xf32, #tpu.memory_space<vmem_shared>>) offsets(%dma_start3A_66 : memref<80xi32, #tpu.memory_space<vmem>>) semaphore(%run_scoped3A_63 : memref<!tpu.dma_semaphore, #tpu.memory_space<semaphore_mem>>) {add = true}
        %dma_wait3A_70 = arith.constant 0 : i32
        %dma_wait3A_71 = tpu.memref_slice %arg6[%add3A_55, %dma_wait3A_70] : memref<5x80xi32, #tpu.memory_space<vmem>> -> memref<1x80xi32, #tpu.memory_space<vmem>>
        %dma_wait3A_72 = tpu.memref_squeeze %dma_wait3A_71 : memref<1x80xi32, #tpu.memory_space<vmem>> -> memref<80xi32, #tpu.memory_space<vmem>>
        %dma_wait3A_73 = arith.constant 0 : i32
        %dma_wait3A_74 = arith.constant 0 : i32
        %dma_wait3A_75 = tpu.memref_slice %arg10[%dma_wait3A_73, %dma_wait3A_74] : memref<512x128xf32, #tpu.memory_space<vmem_shared>> -> memref<512x128xf32, #tpu.memory_space<vmem_shared>>
        tpu.wait_indirect_dma semaphore(%run_scoped3A_63 : memref<!tpu.dma_semaphore, #tpu.memory_space<semaphore_mem>>) src(%arg8 : memref<80x128xf32, #tpu.memory_space<vmem>>) dst(%dma_wait3A_75 : memref<512x128xf32, #tpu.memory_space<vmem_shared>>)
        tpu.yield
      }) : () -> ()
      %add3A_56 = arith.constant 3 : i32
      %add3A_57 = arith.addi %mul3A_33, %add3A_56 : i32
      %lt3A_58 = arith.constant 5 : i32
      %lt3A_59 = arith.cmpi slt, %add3A_57, %lt3A_58 : i32
      %convert_element_type3A_60 = arith.extui %lt3A_59 : i1 to i32
      %cond3A_61 = arith.constant 0 : i32
      %cond3A_62 = arith.cmpi ne, %convert_element_type3A_60, %cond3A_61 : i32
      scf.if %cond3A_62 {
        %add3A_63 = arith.constant 3 : i32
        %add3A_64 = arith.addi %mul3A_33, %add3A_63 : i32
        %mul3A_65 = arith.constant 80 : i32
        %mul3A_66 = arith.muli %add3A_64, %mul3A_65 : i32
        %add3A_67 = arith.addi %mul3A_6, %mul3A_66 : i32
        %dma_start3A_68 = arith.constant 0 : i32
        %dma_start3A_69 = tpu.memref_slice %arg2[%add3A_67, %dma_start3A_68] : memref<12800x128xf32, #tpu.memory_space<hbm>> -> memref<80x128xf32, #tpu.memory_space<hbm>>
        %dma_start3A_70 = arith.constant 0 : i32
        %dma_start3A_71 = tpu.memref_slice %arg2[%add3A_67, %dma_start3A_70] : memref<12800x128xf32, #tpu.memory_space<hbm>> -> memref<80x128xf32, #tpu.memory_space<hbm>>
        tpu.enqueue_dma source(%dma_start3A_71 : memref<80x128xf32, #tpu.memory_space<hbm>>) target(%arg8 : memref<80x128xf32, #tpu.memory_space<vmem>>) target_semaphore(%arg12 : memref<!tpu.dma_semaphore, #tpu.memory_space<semaphore_mem>>)
      } else {
      }
    }
    %scan3A_20 = arith.constant 2 : i32
    %add3A_21 = arith.constant 320 : i32
    %add3A_22 = arith.addi %mul3A_6, %add3A_21 : i32
    %dma_wait3A = arith.constant 0 : i32
    %dma_wait3A_23 = tpu.memref_slice %arg2[%add3A_22, %dma_wait3A] : memref<12800x128xf32, #tpu.memory_space<hbm>> -> memref<80x128xf32, #tpu.memory_space<hbm>>
    %dma_wait3A_24 = arith.constant 0 : i32
    %dma_wait3A_25 = tpu.memref_slice %arg2[%add3A_22, %dma_wait3A_24] : memref<12800x128xf32, #tpu.memory_space<hbm>> -> memref<80x128xf32, #tpu.memory_space<hbm>>
    tpu.wait_dma2 semaphore(%arg11 : memref<!tpu.dma_semaphore, #tpu.memory_space<semaphore_mem>>) src(%dma_wait3A_25 : memref<80x128xf32, #tpu.memory_space<hbm>>) dst(%arg7 : memref<80x128xf32, #tpu.memory_space<vmem>>)
    %run_scoped3A = arith.constant 4 : i32
    "tpu.region"() ({
      %run_scoped3A_31 = tpu.sem_alloc : memref<!tpu.dma_semaphore, #tpu.memory_space<semaphore_mem>>
      %dma_start3A_32 = arith.constant 0 : i32
      %dma_start3A_33 = tpu.memref_slice %arg6[%run_scoped3A, %dma_start3A_32] : memref<5x80xi32, #tpu.memory_space<vmem>> -> memref<1x80xi32, #tpu.memory_space<vmem>>
      %dma_start3A_34 = tpu.memref_squeeze %dma_start3A_33 : memref<1x80xi32, #tpu.memory_space<vmem>> -> memref<80xi32, #tpu.memory_space<vmem>>
      %dma_start3A_35 = arith.constant 0 : i32
      %dma_start3A_36 = arith.constant 0 : i32
      %dma_start3A_37 = tpu.memref_slice %arg10[%dma_start3A_35, %dma_start3A_36] : memref<512x128xf32, #tpu.memory_space<vmem_shared>> -> memref<512x128xf32, #tpu.memory_space<vmem_shared>>
      tpu.enqueue_indirect_dma source(%arg7 : memref<80x128xf32, #tpu.memory_space<vmem>>) target(%dma_start3A_37 : memref<512x128xf32, #tpu.memory_space<vmem_shared>>) offsets(%dma_start3A_34 : memref<80xi32, #tpu.memory_space<vmem>>) semaphore(%run_scoped3A_31 : memref<!tpu.dma_semaphore, #tpu.memory_space<semaphore_mem>>) {add = true}
      %dma_wait3A_38 = arith.constant 0 : i32
      %dma_wait3A_39 = tpu.memref_slice %arg6[%run_scoped3A, %dma_wait3A_38] : memref<5x80xi32, #tpu.memory_space<vmem>> -> memref<1x80xi32, #tpu.memory_space<vmem>>
      %dma_wait3A_40 = tpu.memref_squeeze %dma_wait3A_39 : memref<1x80xi32, #tpu.memory_space<vmem>> -> memref<80xi32, #tpu.memory_space<vmem>>
      %dma_wait3A_41 = arith.constant 0 : i32
      %dma_wait3A_42 = arith.constant 0 : i32
      %dma_wait3A_43 = tpu.memref_slice %arg10[%dma_wait3A_41, %dma_wait3A_42] : memref<512x128xf32, #tpu.memory_space<vmem_shared>> -> memref<512x128xf32, #tpu.memory_space<vmem_shared>>
      tpu.wait_indirect_dma semaphore(%run_scoped3A_31 : memref<!tpu.dma_semaphore, #tpu.memory_space<semaphore_mem>>) src(%arg7 : memref<80x128xf32, #tpu.memory_space<vmem>>) dst(%dma_wait3A_43 : memref<512x128xf32, #tpu.memory_space<vmem_shared>>)
      tpu.yield
    }) : () -> ()
    %barrier3A_26 = arith.constant 0 : index
    tpu.barrier barrier_id(%barrier3A_26)
    %mul3A_27 = arith.constant 32 : i32
    %mul3A_28 = arith.muli %arg1, %mul3A_27 : i32
    "tpu.region"() ({
      %run_scoped3A_31 = tpu.sem_alloc : memref<!tpu.dma_semaphore, #tpu.memory_space<semaphore_mem>>
      %dma_start3A_32 = arith.constant 0 : i32
      %dma_start3A_33 = tpu.memref_slice %arg10[%mul3A_28, %dma_start3A_32] : memref<512x128xf32, #tpu.memory_space<vmem_shared>> -> memref<32x128xf32, #tpu.memory_space<vmem_shared>>
      %dma_start3A_34 = arith.constant 0 : i32
      %dma_start3A_35 = tpu.memref_slice %arg10[%mul3A_28, %dma_start3A_34] : memref<512x128xf32, #tpu.memory_space<vmem_shared>> -> memref<32x128xf32, #tpu.memory_space<vmem_shared>>
      tpu.enqueue_dma source(%dma_start3A_35 : memref<32x128xf32, #tpu.memory_space<vmem_shared>>) target(%arg9 : memref<32x128xf32, #tpu.memory_space<vmem>>) target_semaphore(%run_scoped3A_31 : memref<!tpu.dma_semaphore, #tpu.memory_space<semaphore_mem>>)
      %dma_wait3A_36 = arith.constant 0 : i32
      %dma_wait3A_37 = tpu.memref_slice %arg10[%mul3A_28, %dma_wait3A_36] : memref<512x128xf32, #tpu.memory_space<vmem_shared>> -> memref<32x128xf32, #tpu.memory_space<vmem_shared>>
      %dma_wait3A_38 = arith.constant 0 : i32
      %dma_wait3A_39 = tpu.memref_slice %arg10[%mul3A_28, %dma_wait3A_38] : memref<512x128xf32, #tpu.memory_space<vmem_shared>> -> memref<32x128xf32, #tpu.memory_space<vmem_shared>>
      tpu.wait_dma2 semaphore(%run_scoped3A_31 : memref<!tpu.dma_semaphore, #tpu.memory_space<semaphore_mem>>) src(%dma_wait3A_39 : memref<32x128xf32, #tpu.memory_space<vmem_shared>>) dst(%arg9 : memref<32x128xf32, #tpu.memory_space<vmem>>)
      tpu.yield
    }) : () -> ()
    %mul3A_29 = arith.constant 32 : i32
    %mul3A_30 = arith.muli %arg1, %mul3A_29 : i32
    "tpu.region"() ({
      %run_scoped3A_31 = tpu.sem_alloc : memref<!tpu.dma_semaphore, #tpu.memory_space<semaphore_mem>>
      %dma_start3A_32 = arith.constant 0 : i32
      %dma_start3A_33 = tpu.memref_slice %arg5[%arg0, %mul3A_30, %dma_start3A_32] : memref<2x512x128xf32, #tpu.memory_space<hbm>> -> memref<1x32x128xf32, #tpu.memory_space<hbm>>
      %dma_start3A_34 = tpu.memref_squeeze %dma_start3A_33 : memref<1x32x128xf32, #tpu.memory_space<hbm>> -> memref<32x128xf32, #tpu.memory_space<hbm>>
      %dma_start3A_35 = arith.constant 0 : i32
      %dma_start3A_36 = tpu.memref_slice %arg5[%arg0, %mul3A_30, %dma_start3A_35] : memref<2x512x128xf32, #tpu.memory_space<hbm>> -> memref<1x32x128xf32, #tpu.memory_space<hbm>>
      %dma_start3A_37 = tpu.memref_squeeze %dma_start3A_36 : memref<1x32x128xf32, #tpu.memory_space<hbm>> -> memref<32x128xf32, #tpu.memory_space<hbm>>
      tpu.enqueue_dma source(%arg9 : memref<32x128xf32, #tpu.memory_space<vmem>>) target(%dma_start3A_37 : memref<32x128xf32, #tpu.memory_space<hbm>>) target_semaphore(%run_scoped3A_31 : memref<!tpu.dma_semaphore, #tpu.memory_space<semaphore_mem>>)
      %dma_wait3A_38 = arith.constant 0 : i32
      %dma_wait3A_39 = tpu.memref_slice %arg5[%arg0, %mul3A_30, %dma_wait3A_38] : memref<2x512x128xf32, #tpu.memory_space<hbm>> -> memref<1x32x128xf32, #tpu.memory_space<hbm>>
      %dma_wait3A_40 = tpu.memref_squeeze %dma_wait3A_39 : memref<1x32x128xf32, #tpu.memory_space<hbm>> -> memref<32x128xf32, #tpu.memory_space<hbm>>
      %dma_wait3A_41 = arith.constant 0 : i32
      %dma_wait3A_42 = tpu.memref_slice %arg5[%arg0, %mul3A_30, %dma_wait3A_41] : memref<2x512x128xf32, #tpu.memory_space<hbm>> -> memref<1x32x128xf32, #tpu.memory_space<hbm>>
      %dma_wait3A_43 = tpu.memref_squeeze %dma_wait3A_42 : memref<1x32x128xf32, #tpu.memory_space<hbm>> -> memref<32x128xf32, #tpu.memory_space<hbm>>
      tpu.wait_dma2 semaphore(%run_scoped3A_31 : memref<!tpu.dma_semaphore, #tpu.memory_space<semaphore_mem>>) src(%arg9 : memref<32x128xf32, #tpu.memory_space<vmem>>) dst(%dma_wait3A_43 : memref<32x128xf32, #tpu.memory_space<hbm>>)
      tpu.yield
    }) : () -> ()
    return
  }
}

module attributes {stable_mosaic.version = 14 : i64} {
  func.func @_gate_body(%arg0: i32, %arg1: memref<1600x128xf32, #tpu.memory_space<vmem>>, %arg2: memref<128x256xf32, #tpu.memory_space<vmem>>, %arg3: memref<1600x128xf32, #tpu.memory_space<vmem>>) attributes {dimension_semantics = [#tpu.dimension_semantics<arbitrary>], iteration_bounds = array<i64: 48>, scalar_prefetch = 0 : i64, scratch_operands = 0 : i64, tpu.core_type = #tpu.core_type<tc>, window_params = [{transform_indices = @transform_0, window_bounds = array<i64: 1600, 128>}, {pipeline_mode = #tpu.pipeline_mode<synchronous>, transform_indices = @transform_1, window_bounds = array<i64: 128, 256>}, {transform_indices = @transform_2, window_bounds = array<i64: 1600, 128>}]} {
    %get3A = arith.constant 0 : index
    %get3A_0 = arith.constant 0 : index
    %get3A_1 = vector.load %arg1[%get3A, %get3A_0] : memref<1600x128xf32, #tpu.memory_space<vmem>>, vector<1600x128xf32>
    %convert_element_type3A = arith.truncf %get3A_1 : vector<1600x128xf32> to vector<1600x128xbf16>
    %get3A_2 = arith.constant 0 : index
    %get3A_3 = arith.constant 0 : index
    %get3A_4 = vector.load %arg2[%get3A_2, %get3A_3] : memref<128x256xf32, #tpu.memory_space<vmem>>, vector<128x256xf32>
    %convert_element_type3A_5 = arith.truncf %get3A_4 : vector<128x256xf32> to vector<128x256xbf16>
    %dot_general3A = arith.constant dense<0.000000e+00> : vector<1600x256xf32>
    %dot_general3A_6 = tpu.matmul %convert_element_type3A, %convert_element_type3A_5, %dot_general3A {dimension_numbers = #tpu.dot_dimension_numbers<[1], [0], [0], [1], [0, 0, 1, 1], [], []>, transpose_lhs_hint = false} : vector<1600x128xbf16>, vector<128x256xbf16>, vector<1600x256xf32> -> vector<1600x256xf32>
    %slice3A = vector.extract_strided_slice %dot_general3A_6 {offsets = [0, 0], sizes = [1600, 128], strides = [1, 1]} : vector<1600x256xf32> to vector<1600x128xf32>
    %slice3A_7 = vector.extract_strided_slice %dot_general3A_6 {offsets = [0, 128], sizes = [1600, 128], strides = [1, 1]} : vector<1600x256xf32> to vector<1600x128xf32>
    %gt3A = arith.constant 0.000000e+00 : f32
    %gt3A_8 = vector.broadcast %gt3A : f32 to vector<1600x128xf32>
    %gt3A_9 = arith.cmpf ogt, %slice3A, %gt3A_8 : vector<1600x128xf32>
    %exp3A = math.exp %slice3A : vector<1600x128xf32>
    %sub3A = arith.constant 1.000000e+00 : f32
    %sub3A_10 = vector.broadcast %sub3A : f32 to vector<1600x128xf32>
    %sub3A_11 = arith.subf %exp3A, %sub3A_10 : vector<1600x128xf32>
    %select_n3A = arith.select %gt3A_9, %slice3A, %sub3A_11 : vector<1600x128xi1>, vector<1600x128xf32>
    %mul3A = arith.mulf %select_n3A, %slice3A_7 : vector<1600x128xf32>
    %swap3A = arith.constant 0 : index
    %swap3A_12 = arith.constant 0 : index
    %swap3A_13 = vector.load %arg3[%swap3A, %swap3A_12] : memref<1600x128xf32, #tpu.memory_space<vmem>>, vector<1600x128xf32>
    tpu.vector_store %arg3[%swap3A, %swap3A_12], %mul3A {strides = array<i32>} : memref<1600x128xf32, #tpu.memory_space<vmem>>, vector<1600x128xf32>,
    return
  }
  func.func @transform_0(%arg0: i32) -> (i32, i32) {
    %add3A = arith.constant 0 : i32
    %add3A_0 = arith.addi %add3A, %arg0 : i32
    %c0_i32 = arith.constant 0 : i32
    %c0_i32_1 = arith.constant 0 : i32
    return %add3A_0, %c0_i32 : i32, i32
  }
  func.func @transform_1(%arg0: i32) -> (i32, i32) {
    %c0_i32 = arith.constant 0 : i32
    %c0_i32_0 = arith.constant 0 : i32
    %c0_i32_1 = arith.constant 0 : i32
    return %c0_i32, %c0_i32_0 : i32, i32
  }
  func.func @transform_2(%arg0: i32) -> (i32, i32) {
    %c0_i32 = arith.constant 0 : i32
    %c0_i32_0 = arith.constant 0 : i32
    return %arg0, %c0_i32 : i32, i32
  }
}

module attributes {stable_mosaic.version = 14 : i64} {
  func.func @_gate_body(%arg0: i32, %arg1: memref<1600x128xf32, #tpu.memory_space<vmem>>, %arg2: memref<128x256xf32, #tpu.memory_space<vmem>>, %arg3: memref<1600x128xf32, #tpu.memory_space<vmem>>) attributes {dimension_semantics = [#tpu.dimension_semantics<arbitrary>], iteration_bounds = array<i64: 48>, scalar_prefetch = 0 : i64, scratch_operands = 0 : i64, tpu.core_type = #tpu.core_type<tc>, window_params = [{transform_indices = @transform_0, window_bounds = array<i64: 1600, 128>}, {pipeline_mode = #tpu.pipeline_mode<synchronous>, transform_indices = @transform_1, window_bounds = array<i64: 128, 256>}, {transform_indices = @transform_2, window_bounds = array<i64: 1600, 128>}]} {
    %get3A = arith.constant 0 : index
    %get3A_0 = arith.constant 0 : index
    %get3A_1 = vector.load %arg1[%get3A, %get3A_0] : memref<1600x128xf32, #tpu.memory_space<vmem>>, vector<1600x128xf32>
    %convert_element_type3A = arith.truncf %get3A_1 : vector<1600x128xf32> to vector<1600x128xbf16>
    %get3A_2 = arith.constant 0 : index
    %get3A_3 = arith.constant 0 : index
    %get3A_4 = vector.load %arg2[%get3A_2, %get3A_3] : memref<128x256xf32, #tpu.memory_space<vmem>>, vector<128x256xf32>
    %convert_element_type3A_5 = arith.truncf %get3A_4 : vector<128x256xf32> to vector<128x256xbf16>
    %dot_general3A = arith.constant dense<0.000000e+00> : vector<1600x256xf32>
    %dot_general3A_6 = tpu.matmul %convert_element_type3A, %convert_element_type3A_5, %dot_general3A {dimension_numbers = #tpu.dot_dimension_numbers<[1], [0], [0], [1], [0, 0, 1, 1], [], []>, transpose_lhs_hint = false} : vector<1600x128xbf16>, vector<128x256xbf16>, vector<1600x256xf32> -> vector<1600x256xf32>
    %slice3A = vector.extract_strided_slice %dot_general3A_6 {offsets = [0, 0], sizes = [1600, 128], strides = [1, 1]} : vector<1600x256xf32> to vector<1600x128xf32>
    %slice3A_7 = vector.extract_strided_slice %dot_general3A_6 {offsets = [0, 128], sizes = [1600, 128], strides = [1, 1]} : vector<1600x256xf32> to vector<1600x128xf32>
    %gt3A = arith.constant 0.000000e+00 : f32
    %gt3A_8 = vector.broadcast %gt3A : f32 to vector<1600x128xf32>
    %gt3A_9 = arith.cmpf ogt, %slice3A, %gt3A_8 : vector<1600x128xf32>
    %exp3A = math.exp %slice3A : vector<1600x128xf32>
    %sub3A = arith.constant 1.000000e+00 : f32
    %sub3A_10 = vector.broadcast %sub3A : f32 to vector<1600x128xf32>
    %sub3A_11 = arith.subf %exp3A, %sub3A_10 : vector<1600x128xf32>
    %select_n3A = arith.select %gt3A_9, %slice3A, %sub3A_11 : vector<1600x128xi1>, vector<1600x128xf32>
    %mul3A = arith.mulf %select_n3A, %slice3A_7 : vector<1600x128xf32>
    %swap3A = arith.constant 0 : index
    %swap3A_12 = arith.constant 0 : index
    %swap3A_13 = vector.load %arg3[%swap3A, %swap3A_12] : memref<1600x128xf32, #tpu.memory_space<vmem>>, vector<1600x128xf32>
    tpu.vector_store %arg3[%swap3A, %swap3A_12], %mul3A {strides = array<i32>} : memref<1600x128xf32, #tpu.memory_space<vmem>>, vector<1600x128xf32>,
    return
  }
  func.func @transform_0(%arg0: i32) -> (i32, i32) {
    %add3A = arith.constant 48 : i32
    %add3A_0 = arith.addi %add3A, %arg0 : i32
    %c0_i32 = arith.constant 0 : i32
    %c0_i32_1 = arith.constant 0 : i32
    return %add3A_0, %c0_i32 : i32, i32
  }
  func.func @transform_1(%arg0: i32) -> (i32, i32) {
    %c0_i32 = arith.constant 0 : i32
    %c0_i32_0 = arith.constant 0 : i32
    %c0_i32_1 = arith.constant 0 : i32
    return %c0_i32, %c0_i32_0 : i32, i32
  }
  func.func @transform_2(%arg0: i32) -> (i32, i32) {
    %c0_i32 = arith.constant 0 : i32
    %c0_i32_0 = arith.constant 0 : i32
    return %arg0, %c0_i32 : i32, i32
  }
}

module attributes {stable_mosaic.version = 14 : i64} {
  func.func @_gate_body(%arg0: i32, %arg1: memref<1600x128xf32, #tpu.memory_space<vmem>>, %arg2: memref<128x256xf32, #tpu.memory_space<vmem>>, %arg3: memref<1600x128xf32, #tpu.memory_space<vmem>>) attributes {dimension_semantics = [#tpu.dimension_semantics<arbitrary>], iteration_bounds = array<i64: 48>, scalar_prefetch = 0 : i64, scratch_operands = 0 : i64, tpu.core_type = #tpu.core_type<tc>, window_params = [{transform_indices = @transform_0, window_bounds = array<i64: 1600, 128>}, {pipeline_mode = #tpu.pipeline_mode<synchronous>, transform_indices = @transform_1, window_bounds = array<i64: 128, 256>}, {transform_indices = @transform_2, window_bounds = array<i64: 1600, 128>}]} {
    %get3A = arith.constant 0 : index
    %get3A_0 = arith.constant 0 : index
    %get3A_1 = vector.load %arg1[%get3A, %get3A_0] : memref<1600x128xf32, #tpu.memory_space<vmem>>, vector<1600x128xf32>
    %convert_element_type3A = arith.truncf %get3A_1 : vector<1600x128xf32> to vector<1600x128xbf16>
    %get3A_2 = arith.constant 0 : index
    %get3A_3 = arith.constant 0 : index
    %get3A_4 = vector.load %arg2[%get3A_2, %get3A_3] : memref<128x256xf32, #tpu.memory_space<vmem>>, vector<128x256xf32>
    %convert_element_type3A_5 = arith.truncf %get3A_4 : vector<128x256xf32> to vector<128x256xbf16>
    %dot_general3A = arith.constant dense<0.000000e+00> : vector<1600x256xf32>
    %dot_general3A_6 = tpu.matmul %convert_element_type3A, %convert_element_type3A_5, %dot_general3A {dimension_numbers = #tpu.dot_dimension_numbers<[1], [0], [0], [1], [0, 0, 1, 1], [], []>, transpose_lhs_hint = false} : vector<1600x128xbf16>, vector<128x256xbf16>, vector<1600x256xf32> -> vector<1600x256xf32>
    %slice3A = vector.extract_strided_slice %dot_general3A_6 {offsets = [0, 0], sizes = [1600, 128], strides = [1, 1]} : vector<1600x256xf32> to vector<1600x128xf32>
    %slice3A_7 = vector.extract_strided_slice %dot_general3A_6 {offsets = [0, 128], sizes = [1600, 128], strides = [1, 1]} : vector<1600x256xf32> to vector<1600x128xf32>
    %gt3A = arith.constant 0.000000e+00 : f32
    %gt3A_8 = vector.broadcast %gt3A : f32 to vector<1600x128xf32>
    %gt3A_9 = arith.cmpf ogt, %slice3A, %gt3A_8 : vector<1600x128xf32>
    %exp3A = math.exp %slice3A : vector<1600x128xf32>
    %sub3A = arith.constant 1.000000e+00 : f32
    %sub3A_10 = vector.broadcast %sub3A : f32 to vector<1600x128xf32>
    %sub3A_11 = arith.subf %exp3A, %sub3A_10 : vector<1600x128xf32>
    %select_n3A = arith.select %gt3A_9, %slice3A, %sub3A_11 : vector<1600x128xi1>, vector<1600x128xf32>
    %mul3A = arith.mulf %select_n3A, %slice3A_7 : vector<1600x128xf32>
    %swap3A = arith.constant 0 : index
    %swap3A_12 = arith.constant 0 : index
    %swap3A_13 = vector.load %arg3[%swap3A, %swap3A_12] : memref<1600x128xf32, #tpu.memory_space<vmem>>, vector<1600x128xf32>
    tpu.vector_store %arg3[%swap3A, %swap3A_12], %mul3A {strides = array<i32>} : memref<1600x128xf32, #tpu.memory_space<vmem>>, vector<1600x128xf32>,
    return
  }
  func.func @transform_0(%arg0: i32) -> (i32, i32) {
    %add3A = arith.constant 96 : i32
    %add3A_0 = arith.addi %add3A, %arg0 : i32
    %c0_i32 = arith.constant 0 : i32
    %c0_i32_1 = arith.constant 0 : i32
    return %add3A_0, %c0_i32 : i32, i32
  }
  func.func @transform_1(%arg0: i32) -> (i32, i32) {
    %c0_i32 = arith.constant 0 : i32
    %c0_i32_0 = arith.constant 0 : i32
    %c0_i32_1 = arith.constant 0 : i32
    return %c0_i32, %c0_i32_0 : i32, i32
  }
  func.func @transform_2(%arg0: i32) -> (i32, i32) {
    %c0_i32 = arith.constant 0 : i32
    %c0_i32_0 = arith.constant 0 : i32
    return %arg0, %c0_i32 : i32, i32
  }
}

module attributes {stable_mosaic.version = 14 : i64} {
  func.func @_gate_body(%arg0: i32, %arg1: memref<1600x128xf32, #tpu.memory_space<vmem>>, %arg2: memref<128x256xf32, #tpu.memory_space<vmem>>, %arg3: memref<1600x128xf32, #tpu.memory_space<vmem>>) attributes {dimension_semantics = [#tpu.dimension_semantics<arbitrary>], iteration_bounds = array<i64: 48>, scalar_prefetch = 0 : i64, scratch_operands = 0 : i64, tpu.core_type = #tpu.core_type<tc>, window_params = [{transform_indices = @transform_0, window_bounds = array<i64: 1600, 128>}, {pipeline_mode = #tpu.pipeline_mode<synchronous>, transform_indices = @transform_1, window_bounds = array<i64: 128, 256>}, {transform_indices = @transform_2, window_bounds = array<i64: 1600, 128>}]} {
    %get3A = arith.constant 0 : index
    %get3A_0 = arith.constant 0 : index
    %get3A_1 = vector.load %arg1[%get3A, %get3A_0] : memref<1600x128xf32, #tpu.memory_space<vmem>>, vector<1600x128xf32>
    %convert_element_type3A = arith.truncf %get3A_1 : vector<1600x128xf32> to vector<1600x128xbf16>
    %get3A_2 = arith.constant 0 : index
    %get3A_3 = arith.constant 0 : index
    %get3A_4 = vector.load %arg2[%get3A_2, %get3A_3] : memref<128x256xf32, #tpu.memory_space<vmem>>, vector<128x256xf32>
    %convert_element_type3A_5 = arith.truncf %get3A_4 : vector<128x256xf32> to vector<128x256xbf16>
    %dot_general3A = arith.constant dense<0.000000e+00> : vector<1600x256xf32>
    %dot_general3A_6 = tpu.matmul %convert_element_type3A, %convert_element_type3A_5, %dot_general3A {dimension_numbers = #tpu.dot_dimension_numbers<[1], [0], [0], [1], [0, 0, 1, 1], [], []>, transpose_lhs_hint = false} : vector<1600x128xbf16>, vector<128x256xbf16>, vector<1600x256xf32> -> vector<1600x256xf32>
    %slice3A = vector.extract_strided_slice %dot_general3A_6 {offsets = [0, 0], sizes = [1600, 128], strides = [1, 1]} : vector<1600x256xf32> to vector<1600x128xf32>
    %slice3A_7 = vector.extract_strided_slice %dot_general3A_6 {offsets = [0, 128], sizes = [1600, 128], strides = [1, 1]} : vector<1600x256xf32> to vector<1600x128xf32>
    %gt3A = arith.constant 0.000000e+00 : f32
    %gt3A_8 = vector.broadcast %gt3A : f32 to vector<1600x128xf32>
    %gt3A_9 = arith.cmpf ogt, %slice3A, %gt3A_8 : vector<1600x128xf32>
    %exp3A = math.exp %slice3A : vector<1600x128xf32>
    %sub3A = arith.constant 1.000000e+00 : f32
    %sub3A_10 = vector.broadcast %sub3A : f32 to vector<1600x128xf32>
    %sub3A_11 = arith.subf %exp3A, %sub3A_10 : vector<1600x128xf32>
    %select_n3A = arith.select %gt3A_9, %slice3A, %sub3A_11 : vector<1600x128xi1>, vector<1600x128xf32>
    %mul3A = arith.mulf %select_n3A, %slice3A_7 : vector<1600x128xf32>
    %swap3A = arith.constant 0 : index
    %swap3A_12 = arith.constant 0 : index
    %swap3A_13 = vector.load %arg3[%swap3A, %swap3A_12] : memref<1600x128xf32, #tpu.memory_space<vmem>>, vector<1600x128xf32>
    tpu.vector_store %arg3[%swap3A, %swap3A_12], %mul3A {strides = array<i32>} : memref<1600x128xf32, #tpu.memory_space<vmem>>, vector<1600x128xf32>,
    return
  }
  func.func @transform_0(%arg0: i32) -> (i32, i32) {
    %add3A = arith.constant 144 : i32
    %add3A_0 = arith.addi %add3A, %arg0 : i32
    %c0_i32 = arith.constant 0 : i32
    %c0_i32_1 = arith.constant 0 : i32
    return %add3A_0, %c0_i32 : i32, i32
  }
  func.func @transform_1(%arg0: i32) -> (i32, i32) {
    %c0_i32 = arith.constant 0 : i32
    %c0_i32_0 = arith.constant 0 : i32
    %c0_i32_1 = arith.constant 0 : i32
    return %c0_i32, %c0_i32_0 : i32, i32
  }
  func.func @transform_2(%arg0: i32) -> (i32, i32) {
    %c0_i32 = arith.constant 0 : i32
    %c0_i32_0 = arith.constant 0 : i32
    return %arg0, %c0_i32 : i32, i32
  }
}

module attributes {stable_mosaic.version = 14 : i64} {
  func.func @_gate_body(%arg0: i32, %arg1: memref<1600x128xf32, #tpu.memory_space<vmem>>, %arg2: memref<128x256xf32, #tpu.memory_space<vmem>>, %arg3: memref<1600x128xf32, #tpu.memory_space<vmem>>) attributes {dimension_semantics = [#tpu.dimension_semantics<arbitrary>], iteration_bounds = array<i64: 8>, scalar_prefetch = 0 : i64, scratch_operands = 0 : i64, tpu.core_type = #tpu.core_type<tc>, window_params = [{transform_indices = @transform_0, window_bounds = array<i64: 1600, 128>}, {pipeline_mode = #tpu.pipeline_mode<synchronous>, transform_indices = @transform_1, window_bounds = array<i64: 128, 256>}, {transform_indices = @transform_2, window_bounds = array<i64: 1600, 128>}]} {
    %get3A = arith.constant 0 : index
    %get3A_0 = arith.constant 0 : index
    %get3A_1 = vector.load %arg1[%get3A, %get3A_0] : memref<1600x128xf32, #tpu.memory_space<vmem>>, vector<1600x128xf32>
    %convert_element_type3A = arith.truncf %get3A_1 : vector<1600x128xf32> to vector<1600x128xbf16>
    %get3A_2 = arith.constant 0 : index
    %get3A_3 = arith.constant 0 : index
    %get3A_4 = vector.load %arg2[%get3A_2, %get3A_3] : memref<128x256xf32, #tpu.memory_space<vmem>>, vector<128x256xf32>
    %convert_element_type3A_5 = arith.truncf %get3A_4 : vector<128x256xf32> to vector<128x256xbf16>
    %dot_general3A = arith.constant dense<0.000000e+00> : vector<1600x256xf32>
    %dot_general3A_6 = tpu.matmul %convert_element_type3A, %convert_element_type3A_5, %dot_general3A {dimension_numbers = #tpu.dot_dimension_numbers<[1], [0], [0], [1], [0, 0, 1, 1], [], []>, transpose_lhs_hint = false} : vector<1600x128xbf16>, vector<128x256xbf16>, vector<1600x256xf32> -> vector<1600x256xf32>
    %slice3A = vector.extract_strided_slice %dot_general3A_6 {offsets = [0, 0], sizes = [1600, 128], strides = [1, 1]} : vector<1600x256xf32> to vector<1600x128xf32>
    %slice3A_7 = vector.extract_strided_slice %dot_general3A_6 {offsets = [0, 128], sizes = [1600, 128], strides = [1, 1]} : vector<1600x256xf32> to vector<1600x128xf32>
    %gt3A = arith.constant 0.000000e+00 : f32
    %gt3A_8 = vector.broadcast %gt3A : f32 to vector<1600x128xf32>
    %gt3A_9 = arith.cmpf ogt, %slice3A, %gt3A_8 : vector<1600x128xf32>
    %exp3A = math.exp %slice3A : vector<1600x128xf32>
    %sub3A = arith.constant 1.000000e+00 : f32
    %sub3A_10 = vector.broadcast %sub3A : f32 to vector<1600x128xf32>
    %sub3A_11 = arith.subf %exp3A, %sub3A_10 : vector<1600x128xf32>
    %select_n3A = arith.select %gt3A_9, %slice3A, %sub3A_11 : vector<1600x128xi1>, vector<1600x128xf32>
    %mul3A = arith.mulf %select_n3A, %slice3A_7 : vector<1600x128xf32>
    %swap3A = arith.constant 0 : index
    %swap3A_12 = arith.constant 0 : index
    %swap3A_13 = vector.load %arg3[%swap3A, %swap3A_12] : memref<1600x128xf32, #tpu.memory_space<vmem>>, vector<1600x128xf32>
    tpu.vector_store %arg3[%swap3A, %swap3A_12], %mul3A {strides = array<i32>} : memref<1600x128xf32, #tpu.memory_space<vmem>>, vector<1600x128xf32>,
    return
  }
  func.func @transform_0(%arg0: i32) -> (i32, i32) {
    %add3A = arith.constant 192 : i32
    %add3A_0 = arith.addi %add3A, %arg0 : i32
    %c0_i32 = arith.constant 0 : i32
    %c0_i32_1 = arith.constant 0 : i32
    return %add3A_0, %c0_i32 : i32, i32
  }
  func.func @transform_1(%arg0: i32) -> (i32, i32) {
    %c0_i32 = arith.constant 0 : i32
    %c0_i32_0 = arith.constant 0 : i32
    %c0_i32_1 = arith.constant 0 : i32
    return %c0_i32, %c0_i32_0 : i32, i32
  }
  func.func @transform_2(%arg0: i32) -> (i32, i32) {
    %c0_i32 = arith.constant 0 : i32
    %c0_i32_0 = arith.constant 0 : i32
    return %arg0, %c0_i32 : i32, i32
  }
}

module attributes {stable_mosaic.version = 14 : i64} {
  func.func @_merge_body(%arg0: memref<2x512x128xf32, #tpu.memory_space<vmem>>, %arg1: memref<2x512x128xf32, #tpu.memory_space<vmem>>, %arg2: memref<2x512x128xf32, #tpu.memory_space<vmem>>, %arg3: memref<2x512x128xf32, #tpu.memory_space<vmem>>, %arg4: memref<2x512x128xf32, #tpu.memory_space<vmem>>, %arg5: memref<512x128xf32, #tpu.memory_space<vmem>>) attributes {dimension_semantics = [], scalar_prefetch = 0 : i64, scratch_operands = 0 : i64, tpu.core_type = #tpu.core_type<tc>} {
    %get3A = arith.constant 0 : index
    %get3A_0 = arith.constant 0 : index
    %get3A_1 = arith.constant 0 : index
    %get3A_2 = vector.load %arg0[%get3A, %get3A_0, %get3A_1] : memref<2x512x128xf32, #tpu.memory_space<vmem>>, vector<1x512x128xf32>
    %get3A_3 = vector.shape_cast %get3A_2 : vector<1x512x128xf32> to vector<512x128xf32>
    %get3A_4 = arith.constant 1 : index
    %get3A_5 = arith.constant 0 : index
    %get3A_6 = arith.constant 0 : index
    %get3A_7 = vector.load %arg0[%get3A_4, %get3A_5, %get3A_6] : memref<2x512x128xf32, #tpu.memory_space<vmem>>, vector<1x512x128xf32>
    %get3A_8 = vector.shape_cast %get3A_7 : vector<1x512x128xf32> to vector<512x128xf32>
    %add3A = arith.addf %get3A_3, %get3A_8 : vector<512x128xf32>
    %get3A_9 = arith.constant 0 : index
    %get3A_10 = arith.constant 0 : index
    %get3A_11 = arith.constant 0 : index
    %get3A_12 = vector.load %arg1[%get3A_9, %get3A_10, %get3A_11] : memref<2x512x128xf32, #tpu.memory_space<vmem>>, vector<1x512x128xf32>
    %get3A_13 = vector.shape_cast %get3A_12 : vector<1x512x128xf32> to vector<512x128xf32>
    %add3A_14 = arith.addf %add3A, %get3A_13 : vector<512x128xf32>
    %get3A_15 = arith.constant 1 : index
    %get3A_16 = arith.constant 0 : index
    %get3A_17 = arith.constant 0 : index
    %get3A_18 = vector.load %arg1[%get3A_15, %get3A_16, %get3A_17] : memref<2x512x128xf32, #tpu.memory_space<vmem>>, vector<1x512x128xf32>
    %get3A_19 = vector.shape_cast %get3A_18 : vector<1x512x128xf32> to vector<512x128xf32>
    %add3A_20 = arith.addf %add3A_14, %get3A_19 : vector<512x128xf32>
    %get3A_21 = arith.constant 0 : index
    %get3A_22 = arith.constant 0 : index
    %get3A_23 = arith.constant 0 : index
    %get3A_24 = vector.load %arg2[%get3A_21, %get3A_22, %get3A_23] : memref<2x512x128xf32, #tpu.memory_space<vmem>>, vector<1x512x128xf32>
    %get3A_25 = vector.shape_cast %get3A_24 : vector<1x512x128xf32> to vector<512x128xf32>
    %add3A_26 = arith.addf %add3A_20, %get3A_25 : vector<512x128xf32>
    %get3A_27 = arith.constant 1 : index
    %get3A_28 = arith.constant 0 : index
    %get3A_29 = arith.constant 0 : index
    %get3A_30 = vector.load %arg2[%get3A_27, %get3A_28, %get3A_29] : memref<2x512x128xf32, #tpu.memory_space<vmem>>, vector<1x512x128xf32>
    %get3A_31 = vector.shape_cast %get3A_30 : vector<1x512x128xf32> to vector<512x128xf32>
    %add3A_32 = arith.addf %add3A_26, %get3A_31 : vector<512x128xf32>
    %get3A_33 = arith.constant 0 : index
    %get3A_34 = arith.constant 0 : index
    %get3A_35 = arith.constant 0 : index
    %get3A_36 = vector.load %arg3[%get3A_33, %get3A_34, %get3A_35] : memref<2x512x128xf32, #tpu.memory_space<vmem>>, vector<1x512x128xf32>
    %get3A_37 = vector.shape_cast %get3A_36 : vector<1x512x128xf32> to vector<512x128xf32>
    %add3A_38 = arith.addf %add3A_32, %get3A_37 : vector<512x128xf32>
    %get3A_39 = arith.constant 1 : index
    %get3A_40 = arith.constant 0 : index
    %get3A_41 = arith.constant 0 : index
    %get3A_42 = vector.load %arg3[%get3A_39, %get3A_40, %get3A_41] : memref<2x512x128xf32, #tpu.memory_space<vmem>>, vector<1x512x128xf32>
    %get3A_43 = vector.shape_cast %get3A_42 : vector<1x512x128xf32> to vector<512x128xf32>
    %add3A_44 = arith.addf %add3A_38, %get3A_43 : vector<512x128xf32>
    %get3A_45 = arith.constant 0 : index
    %get3A_46 = arith.constant 0 : index
    %get3A_47 = arith.constant 0 : index
    %get3A_48 = vector.load %arg4[%get3A_45, %get3A_46, %get3A_47] : memref<2x512x128xf32, #tpu.memory_space<vmem>>, vector<1x512x128xf32>
    %get3A_49 = vector.shape_cast %get3A_48 : vector<1x512x128xf32> to vector<512x128xf32>
    %add3A_50 = arith.addf %add3A_44, %get3A_49 : vector<512x128xf32>
    %get3A_51 = arith.constant 1 : index
    %get3A_52 = arith.constant 0 : index
    %get3A_53 = arith.constant 0 : index
    %get3A_54 = vector.load %arg4[%get3A_51, %get3A_52, %get3A_53] : memref<2x512x128xf32, #tpu.memory_space<vmem>>, vector<1x512x128xf32>
    %get3A_55 = vector.shape_cast %get3A_54 : vector<1x512x128xf32> to vector<512x128xf32>
    %add3A_56 = arith.addf %add3A_50, %get3A_55 : vector<512x128xf32>
    %swap3A = arith.constant 0 : index
    %swap3A_57 = arith.constant 0 : index
    %swap3A_58 = vector.load %arg5[%swap3A, %swap3A_57] : memref<512x128xf32, #tpu.memory_space<vmem>>, vector<512x128xf32>
    tpu.vector_store %arg5[%swap3A, %swap3A_57], %add3A_56 {strides = array<i32>} : memref<512x128xf32, #tpu.memory_space<vmem>>, vector<512x128xf32>,
    return
  }
}

</mosaic_0001>

<sc_bundles>
// kernel: kernel.13.cloned.1.call-start
scs
__scs_entry_jumppad:
0x0: {  	(pc) =	sbr.rel $0x88, $3  }
0x1: {  	(tag) =	ssettag $0x0;
	lr =	simm.s32 $0x1  }
0x2: {  	[smem:$0x3F9D] =	sst lr;
	_ =	strace $0xD0000000  }
0x3: {  	_ = 	snop  }
0x4: {  	_ = 	snop  }
0x5: {  	_ = 	snop  }
0x6: {  	_ = 	snop  }
0x7: {  	_ = 	snop  }
__scs_overlays_trampoline_lowered:
0x8: {  	[smem:$0x3FAC] =	sst s0  }
0x9: {  	[smem:$0x3FAD] =	sst s1  }
0xa: {  	[smem:$0x3FAE] =	sst s2  }
0xb: {  	[smem:$0x3FAF] =	sst s3  }
0xc: {  	[smem:$0x3FB0] =	sst s4  }
0xd: {  	[smem:$0x3FB1] =	sst s5  }
0xe: {  	[smem:$0x3FB2] =	sst s6  }
0xf: {  	[smem:$0x3FB3] =	sst s7  }
0x10: {  	[smem:$0x3FB4] =	sst s8  }
0x11: {  	[smem:$0x3FB5] =	sst s9;
	s0 =	simm.s32 @!p0 $0x0  }
0x12: {  	s1 =	sld [smem:$0x3F9B];
	s0 =	simm.s32 @p0 $0x1  }
0x13: {  	[smem:$0x3FB6] =	sst s0;
	s0 =	simm.s32 @!p1 $0x0  }
0x14: {  	s2 =	sld [smem:$0x3F9A];
	s0 =	simm.s32 @p1 $0x1  }
0x15: {  	[smem:$0x3FB7] =	sst s0;
	s0 =	simm.s32 @!p2 $0x0  }
0x16: {  	s3 =	sld [smem:$0x3FDB];
	s0 =	simm.s32 @p2 $0x1  }
0x17: {  	s4 =	simm.s32 $0x1BF5;
	[smem:$0x3FB9] =	sst s0  }
0x18: {  	s0 =	sld [smem:$0x3F9C];
	_ =	swait.ge [sflag:s4], $0x0  }
0x19: {  	s7 =	sld [smem:$0x3F9D]  }
0x1a: {  	s8 =	sadd.s32 $0xFFFFE003, lr  }
0x1b: {  	s9 =	sadd.s32 $0xFFFFFEF7, lr;
	s5 =	simm.s32 $0xFFFFFFFF;
	p2 =	slt.u32 s8, $0xFFFFF086  }
0x1c: {  	p1 =	slt.u32 s9, $0xF7A;
	s5 =	simm.s32 @!p2 $0x0  }
0x1d: {  	s5 =	simm.s32 @p1 $0x1;
	p0 =	seq.s32 s7, s2  }
0x1e: {  	s7 =	smul.u32 @!p0 $0xF7A, s2;
	p2 =	seq.s32 @!p0 s5, $0x0  }
0x1f: {  	s9 =	smul.u32 $0xF7A, s1;
	s8 =	simm.s32 @!p0 $0x1BF5;
	p2 =	por !p2, p0  }
0x20: {  	[sflag:s8] =	ssyncset.s32 @!p0 $0xFFFFF086;
	s6 =	sadd.s32 @!p0 s3, s7;
	s7 =	simm.s32 @!p0 $0x108  }
0x21: {  	s3 =	sadd.s32 s3, s9;
	s6 =	sadd.s32 @!p0 $0x88, s6;
	s7 =	simm.s32 @p2 $0x1082  }
0x22: {  	[simem:s7], [sflag:s8] =	dma.local @!p0 [hbm:s6], $0xF7A  }
0x23: {  	s9 =	sor.u32 $0xD0000000, s2;
	s6 =	simm.s32 $0x108;
	_ =	swait.ge @!p0 [sflag:s8], $0x0  }
0x24: {  	s3 =	sadd.s32 $0x88, s3;
	s6 =	simm.s32 @!p1 $0x1082;
	[sflag:s4] =	ssyncset.s32 $0xFFFFF086  }
0x25: {  	[simem:s6], [sflag:s4] =	dma.local [hbm:s3], $0xF7A  }
0x26: {  	[smem:$0x3F9D] =	sst s1;
	(tag) =	ssettag s2;
	_ =	strace s9  }
0x27: {  	s1 =	sld [smem:$0x3FAD]  }
0x28: {  	s2 =	sld [smem:$0x3FAE]  }
0x29: {  	s4 =	sld [smem:$0x3FB0]  }
0x2a: {  	p0 =	seq.s32 s5, $0x0;
	s5 =	sld [smem:$0x3FB1]  }
0x2b: {  	s6 =	sld [smem:$0x3FB2]  }
0x2c: {  	s7 =	sld [smem:$0x3FB3]  }
0x2d: {  	s3 =	simm.s32 $0x108;
	s8 =	sld [smem:$0x3FB4]  }
0x2e: {  	s3 =	simm.s32 @!p0 $0x1082;
	s9 =	sld [smem:$0x3FB5]  }
0x2f: {  	lr =	sadd.s32 s0, s3;
	s0 =	sld [smem:$0x3FAC]  }
0x30: {  	s3 =	sld [smem:$0x3FAF]  }
0x31: {  	[smem:$0x3FB8] =	sst s10  }
0x32: {  	s10 =	sld [smem:$0x3FB6];
	_ =	sdelay $0x3  }
0x33: {  	p0 =	seq.s32 s10, $0x1;
	s10 =	sld [smem:$0x3FB8];
	_ =	sdelay $0x3  }
0x34: {  	[smem:$0x3FB8] =	sst s10  }
0x35: {  	s10 =	sld [smem:$0x3FB7];
	_ =	sdelay $0x3  }
0x36: {  	p1 =	seq.s32 s10, $0x1;
	s10 =	sld [smem:$0x3FB8];
	_ =	sdelay $0x3  }
0x37: {  	[smem:$0x3FB8] =	sst s10  }
0x38: {  	s10 =	sld [smem:$0x3FB9]  }
0x39: {  	_ = 	snop;
	(pc) =	sbr.ind lr, $3  }
0x3a: {  	_ = 	snop  }
0x3b: {  	_ = 	snop  }
0x3c: {  	p2 =	seq.s32 s10, $0x1;
	s10 =	sld [smem:$0x3FB8]  }
0x3d: {  	_ =	shalt  }
0x3e: {  	_ =	shalt  }
0x3f: {  	_ =	shalt  }
0x40: {  	_ =	shalt  }
0x41: {  	_ =	shalt  }
0x42: {  	_ =	shalt  }
0x43: {  	_ =	shalt  }
0x44: {  	_ =	shalt  }
0x45: {  	_ =	shalt  }
0x46: {  	_ =	shalt  }
0x47: {  	_ =	shalt  }
0x48: {  	_ =	shalt  }
0x49: {  	_ =	shalt  }
0x4a: {  	_ =	shalt  }
0x4b: {  	_ =	shalt  }
0x4c: {  	_ =	shalt  }
0x4d: {  	_ =	shalt  }
0x4e: {  	_ =	shalt  }
0x4f: {  	_ =	shalt  }
0x50: {  	_ =	shalt  }
0x51: {  	_ =	shalt  }
0x52: {  	_ =	shalt  }
0x53: {  	_ =	shalt  }
0x54: {  	_ =	shalt  }
0x55: {  	_ =	shalt  }
0x56: {  	_ =	shalt  }
0x57: {  	_ =	shalt  }
0x58: {  	_ =	shalt  }
0x59: {  	_ =	shalt  }
0x5a: {  	_ =	shalt  }
0x5b: {  	_ =	shalt  }
0x5c: {  	_ =	shalt  }
0x5d: {  	_ =	shalt  }
0x5e: {  	_ =	shalt  }
0x5f: {  	_ =	shalt  }
0x60: {  	_ =	shalt  }
0x61: {  	_ =	shalt  }
0x62: {  	_ =	shalt  }
0x63: {  	_ =	shalt  }
0x64: {  	_ =	shalt  }
0x65: {  	_ =	shalt  }
0x66: {  	_ =	shalt  }
0x67: {  	_ =	shalt  }
0x68: {  	_ =	shalt  }
0x69: {  	_ =	shalt  }
0x6a: {  	_ =	shalt  }
0x6b: {  	_ =	shalt  }
0x6c: {  	_ =	shalt  }
0x6d: {  	_ =	shalt  }
0x6e: {  	_ =	shalt  }
0x6f: {  	_ =	shalt  }
0x70: {  	_ =	shalt  }
0x71: {  	_ =	shalt  }
0x72: {  	_ =	shalt  }
0x73: {  	_ =	shalt  }
0x74: {  	_ =	shalt  }
0x75: {  	_ =	shalt  }
0x76: {  	_ =	shalt  }
0x77: {  	_ =	shalt  }
0x78: {  	_ =	shalt  }
0x79: {  	_ =	shalt  }
0x7a: {  	_ =	shalt  }
0x7b: {  	_ =	shalt  }
0x7c: {  	_ =	shalt  }
0x7d: {  	_ =	shalt  }
0x7e: {  	_ =	shalt  }
0x7f: {  	_ =	shalt  }
0x80: {  	_ =	shalt  }
0x81: {  	_ =	shalt  }
0x82: {  	_ =	shalt  }
0x83: {  	_ =	shalt  }
0x84: {  	_ =	shalt  }
0x85: {  	_ =	shalt  }
0x86: {  	_ =	shalt  }
0x87: {  	_ =	shalt  }
.Lfunc_end0:
.L_simem_size_0:
called_computation_lowered:
.L_overlay_start_0:
0x88: {  	s2 =	sld [smem:$0x3FD9]  }
0x89: {  	s3 =	sld [smem:$0x3FFE];
	_ =	sdelay $0x1  }
0x8a: {  	s1 =	srdreg.scid  }
0x8b: {  	s0 =	sand.u32 $0x1, s1  }
0x8c: {  	s17 =	sshll.u32 s0, $0xA;
	s2 =	sadd.s32 s3, s2  }
0x8d: {  	s2 =	sadd.s32 s2, s17  }
0x8e: {  	[smem:$0x3FC4] =	sst s2  }
0x8f: {  	_ = 	snop  }
0x90: {  	s2 =	sld [smem:$0x3FD0];
	(tm) =	ssettm $0x1  }
0x91: {  	s18 =	sld [smem:$0x3FFB];
	_ =	sdelay $0x3  }
0x92: {  	_ =	strace s18  }
0x93: {  	s3 =	sld [smem:$0x3FFC];
	_ =	sdelay $0x3  }
0x94: {  	_ =	strace s3  }
0x95: {  	s3 =	sld [smem:$0x3FFD];
	_ =	sdelay $0x3  }
0x96: {  	_ =	strace s3  }
0x97: {  	_ =	strace $0x8FFFFFFF  }
0x98: {  	s19 =	sld [smem:$0x3FDB];
	_ =	sdelay $0x1  }
0x99: {  	s4 =	simm.s32 $_scs_section_size  }
0x9a: {  	s5 =	simm.s32 $_size__tile_overlayer_lowered;
	s6 =	simm.s32 $_tile_overlayer_lowered  }
0x9b: {  	s22 =	simm.s32 $0x1BFF;
	s21 =	sshll.u32 s6, $0x1;
	s3 =	sadd.s32 s4, s19  }
0x9c: {  	s7 =	simm.s32 $0x0;
	s20 =	sshll.u32 s5, $0x1;
	s5 =	sadd.s32 s21, s3  }
0x9d: {  	[timem:s7], [sflag:s22] =	dma.local [hbm:s5], s20  }
0x9e: {  	_ =	swait.ge [sflag:s22], s20  }
0x9f: {  	s4 =	ssub.s32 $0x0, s20;
	[sflag:s22] =	ssyncset.done $0x0  }
0xa0: {  	[sflag:s22] =	ssyncadd.s32 s4;
	_ =	sdelay $0x1  }
0xa1: {  	s23 =	simm.s32 $0x1B8B  }
0xa2: {  	_ =	swait.ge [sflag:s23], $0x1  }
0xa3: {  	[sflag:s23] =	ssyncset.done $0x0  }
0xa4: {  	s25 =	simm.s32 $0x1B8E;
	s24 =	sld [smem:$0x3FFE];
	[sflag:s23] =	ssyncadd.s32 $0xFFFFFFFF  }
0xa5: {  	s26 =	simm.s32 $execute0_lowered;
	[smem:$0x3FD2] =	sst s25  }
0xa6: {  	s5 =	sshll.u32 s26, $0x1;
	_ =	strace $0x80000046;
	[dreg:$0x1] =	wrdreg $0xFFFFFFFF  }
0xa7: {  	s28 =	simm.s32 $_size_execute0_lowered;
	s3 =	sadd.s32 s3, s5;
	[dreg:$0x0] =	wrdreg $0x0  }
0xa8: {  	s5 =	sshll.u32 s28, $0x1;
	[dreg:$0x2] =	wrdreg s3  }
0xa9: {  	[dreg:$0x3] =	wrdreg s5  }
0xaa: {  	[dreg:$0x4] =	wrdreg $0xC0  }
0xab: {  	_ =	task [dreg:s7], $0x5FFFF  }
0xac: {  	[dreg:$0x1] =	wrdreg $0xFFFFFFFF  }
0xad: {  	[dreg:$0x0] =	wrdreg $0x60  }
0xae: {  	[dreg:$0x2] =	wrdreg s24  }
0xaf: {  	[dreg:$0x3] =	wrdreg s2  }
0xb0: {  	[dreg:$0x4] =	wrdreg $0x70000  }
0xb1: {  	[dreg:$0x5] =	wrdreg $0x9  }
0xb2: {  	_ =	task.clear_ibuf [dreg:s7], $0x6FFFF;
	_ =	strace $0x90000046  }
0xb3: {  	s29 =	simm.s32 $0x9;
	_ =	strace $0x80000048  }
0xb4: {  	_ =	swait.ge [sflag:s29], $0x1  }
0xb5: {  	[sflag:s29] =	ssyncadd.s32 $0xFFFFFFFF  }
0xb6: {  	_ =	strace $0x90000048  }
0xb7: {  	_ =	sfence  }
0xb8: {  	s30 =	sld [smem:$0x0];
	_ =	sdelay $0x2  }
0xb9: {  	s31 =	sshll.u32 s1, $0xD;
	s1 =	sshrl.u32 s1, $0x2  }
0xba: {  	s3 =	sand.u32 $0x4000, s31;
	s1 =	sadd.s32 s1, s30  }
0xbb: {  	s0 =	sor.u32 s3, s0;
	s1 =	sshll.u32 s1, $0x11  }
0xbc: {  	s0 =	sor.u32 s1, s0  }
0xbd: {  	s0 =	sadd.s32 $0x8F2B, s0  }
0xbe: {  	[sflag:s0] =	ssyncadd.remote.s32 $0x1  }
0xbf: {  	_ =	sfence.sel $0xFFFF  }
0xc0: {  	[dreg:$0x0] =	wrdreg $0xFFFFFFFF;
	(pc) =	sbr.abs _section_cstart, $3  }
0xc1: {  	[dreg:$0x1] =	wrdreg $0xFFFFFFFF  }
0xc2: {  	_ =	task.clear_ibuf [dreg:s7], $0x2FFFF;
	_ =	strace $0x9FFFFFFF  }
0xc3: {  	(tm) =	ssettm $0x7FFFFFFF  }
tec
execute0_lowered:
.L_overlay_start_1:
0x0: {  	(tag) =	ssettag $0x1  }
0x1: {  	s4 =	rddreg [dreg:$0x0]  }
0x2: {  	s5 =	rddreg [dreg:$0x1]  }
0x3: {  	s1 =	rddreg [dreg:$0x2];
	s2 =	srdreg.scid  }
0x4: {  	s0 =	rddreg [dreg:$0x3];
	s3 =	simm.s32 $0x0;
	s17 =	simm.s32 $0x1  }
0x5: {  	s18 =	simm.s32 $0x50;
	s19 =	simm.s32 $0x2;
	s20 =	simm.s32 $0xE00  }
0x6: {  	s21 =	simm.s32 $0xE80;
	s22 =	simm.s32 $0x6000;
	s23 =	simm.s32 $0x0  }
0x7: {  	s9 =	sand.u32 $0x1, s2;
	[smem:$0x7FF] =	sst s3;
	s2 =	stileid.u32  }
0x8: {  	s10 =	sadd.s32 $0xB600, s4;
	s6 =	sshll.u32 s9, $0x4;
	_ =	strace $0x80000047  }
0x9: {  	s8 =	sshll.u32 s2, $0x9;
	s11 =	ssub.s32 $0x2, s9;
	s25 =	sshll.u32 s2, $0xC  }
0xa: {  	s14 =	sshll.u32 s2, $0x6;
	s28 =	smul.u32 $0x96000, s9;
	s29 =	sshll.u32 s9, $0xD  }
0xb: {  	s16 =	smul.u32 $0x9600, s2;
	s6 =	sor.u32 s2, s6;
	s12 =	sadd.s32 s8, s4  }
0xc: {  	s24 =	sshrl.u32 s11, $0x1;
	s5 =	sadd.s32 s5, s8;
	s13 =	smul.u32 $0x9600, s6  }
0xd: {  	s7 =	sshll.u32 s6, $0x9;
	s11 =	ssub.s32 s11, s24;
	s15 =	smul.u32 $0x4B000, s6  }
0xe: {  	s6 =	sor.u32 $0x1C03, s14;
	s12 =	sadd.s32 s29, s12;
	s30 =	sadd.s32 s28, s10  }
0xf: {  	s14 =	simm.s32 $0x3;
	s7 =	sadd.s32 s7, s4;
	s4 =	sadd.s32 s25, s1  }
0x10: {  	s11 =	smax.u32 s11, $0x1;
	s31 =	sadd.s32 s16, s30;
	s16 =	simm.s32 $0x3800  }
0x11: {  	s7 =	sadd.s32 $0x7600, s7;
	s8 =	sadd.s32 s10, s13;
	s26 =	sshrl.u32 s15, $0x3  }
0x12: {  	s15 =	simm.s32 $0x1000;
	s13 =	sadd.s32 s10, s26;
	s10 =	sadd.s32 $0x137600, s12  }
0x13: {  	s12 =	sadd.s32 $0xF00, s31;
	s9 =	sadd.s32 $0x500, s13;
	s13 =	sshrl.u32 s4, $0x3  }
.LBB2_1:
0x14: {  	[spmem:s13], [sflag:s6] =	dma.local [hbm:s5], $0x200  }
0x15: {  	_ =	swait.ge [sflag:s14], $0x200  }
0x16: {  	[sflag:s14] =	ssyncset.done $0x0  }
0x17: {  	[sflag:s14] =	ssyncadd.s32 $0xFFFFFE00  }
0x18: {  	[tilespmem:s3], [sflag:$0x3] =	stream.linear.gather [hbm4b:s7+s3], $0xF00, $0x38;
	[tilespmem:$0x8000] =	vst v63  }
0x19: {  	_ =	swait.ge [sflag:s14], $0xF00  }
0x1a: {  	[sflag:s14] =	ssyncset.done $0x0  }
0x1b: {  	[sflag:s14] =	ssyncadd.s32 $0xFFFFF100  }
0x1c: {  	[bflag:$0x0] =	sbarrier.arrive $0xFFFF  }
0x1d: {  	[tilespmem:s15], [sflag:$0x1] =	stream.linear.gather [hbm4b:s8+s3], $0x2800, $0x38;
	[tilespmem:$0x8000] =	vst v63  }
0x1e: {  	_ = 	snop  }
0x1f: {  	[tilespmem:s16], [sflag:$0x2] =	stream.linear.gather [hbm4b:s9+s3], $0x2800, $0x38;
	[tilespmem:$0x8000] =	vst v63  }
0x20: {  	_ =	swait.ge [sflag:s17], $0x2800  }
0x21: {  	[sflag:s17] =	ssyncset.done $0x0  }
0x22: {  	s24 =	simm.s32 $0x0;
	[sflag:s17] =	ssyncadd.s32 $0xFFFFD800  }
0x23: {  	[spmem:s1] =	stream.indirect.scatter.add.f32 [tilespmem:s15], [sflag:$0x3], $0x80, s24, s18, $0xb8;
	[tilespmem:$0x8000] =	vst v63  }
0x24: {  	_ =	swait.ge [sflag:s14], $0x2800  }
0x25: {  	[sflag:s14] =	ssyncset.done $0x0  }
0x26: {  	s30 =	sadd.s32 $0xFFFFFB00, s12;
	[sflag:s14] =	ssyncadd.s32 $0xFFFFD800  }
0x27: {  	[tilespmem:s15], [sflag:$0x1] =	stream.linear.gather [hbm4b:s30+s3], $0x2800, $0x38;
	[tilespmem:$0x8000] =	vst v63  }
0x28: {  	_ =	swait.ge [sflag:s19], $0x2800  }
0x29: {  	[sflag:s19] =	ssyncset.done $0x0  }
0x2a: {  	s31 =	simm.s32 $0x80;
	[sflag:s19] =	ssyncadd.s32 $0xFFFFD800  }
0x2b: {  	[spmem:s1] =	stream.indirect.scatter.add.f32 [tilespmem:s16], [sflag:$0x3], $0x80, s31, s18, $0xb8;
	[tilespmem:$0x8000] =	vst v63  }
0x2c: {  	_ =	swait.ge [sflag:s14], $0x2800  }
0x2d: {  	s25 =	sadd.s32 $0xA00, s12;
	[sflag:s14] =	ssyncset.done $0x0  }
0x2e: {  	s26 =	smov.u32 s12;
	s24 =	simm.s32 $0x400;
	[sflag:s14] =	ssyncadd.s32 $0xFFFFD800  }
.LBB2_2:
0x2f: {  	[tilespmem:s16], [sflag:$0x2] =	stream.linear.gather [hbm4b:s26+s3], $0x2800, $0x38;
	[tilespmem:$0x8000] =	vst v63  }
0x30: {  	s28 =	smov.u32 s24;
	s26 =	smov.u32 s25  }
0x31: {  	p0 =	sne.s32 s24, $0x3400;
	s24 =	sadd.s32 $0x400, s24;
	_ =	swait.ge [sflag:s17], $0x2800  }
0x32: {  	[sflag:s17] =	ssyncset.done $0x0  }
0x33: {  	s28 =	sshra.s32 s28, $0x2;
	[sflag:s17] =	ssyncadd.s32 $0xFFFFD800  }
0x34: {  	[spmem:s1] =	stream.indirect.scatter.add.f32 [tilespmem:s15], [sflag:$0x3], $0x80, s28, s18, $0xb8;
	[tilespmem:$0x8000] =	vst v63  }
0x35: {  	_ =	swait.ge [sflag:s14], $0x2800  }
0x36: {  	[sflag:s14] =	ssyncset.done $0x0  }
0x37: {  	s29 =	sadd.s32 $0xFFFFFB00, s25;
	[sflag:s14] =	ssyncadd.s32 $0xFFFFD800  }
0x38: {  	[tilespmem:s15], [sflag:$0x1] =	stream.linear.gather [hbm4b:s29+s3], $0x2800, $0x38;
	[tilespmem:$0x8000] =	vst v63  }
0x39: {  	_ =	swait.ge [sflag:s19], $0x2800  }
0x3a: {  	[sflag:s19] =	ssyncset.done $0x0  }
.Ltmp0:
0x3b: {  	s28 =	sadd.s32 $0x80, s28;
	[sflag:s19] =	ssyncadd.s32 $0xFFFFD800;
	(pc) =	sbr.rel @p0 .LBB2_2-.Ltmp0, $4  }
0x3c: {  	[spmem:s1] =	stream.indirect.scatter.add.f32 [tilespmem:s16], [sflag:$0x3], $0x80, s28, s18, $0xb8;
	[tilespmem:$0x8000] =	vst v63  }
0x3d: {  	_ =	swait.ge [sflag:s14], $0x2800  }
0x3e: {  	[sflag:s14] =	ssyncset.done $0x0  }
0x3f: {  	s25 =	sadd.s32 $0xA00, s25;
	[sflag:s14] =	ssyncadd.s32 $0xFFFFD800  }
0x40: {  	[tilespmem:s16], [sflag:$0x2] =	stream.linear.gather [hbm4b:s26+s3], $0x2800, $0x38;
	[tilespmem:$0x8000] =	vst v63  }
0x41: {  	_ =	swait.ge [sflag:s17], $0x2800  }
0x42: {  	[sflag:s17] =	ssyncset.done $0x0  }
0x43: {  	[sflag:s17] =	ssyncadd.s32 $0xFFFFD800  }
0x44: {  	[spmem:s1] =	stream.indirect.scatter.add.f32 [tilespmem:s15], [sflag:$0x3], $0x80, s20, s18, $0xb8;
	[tilespmem:$0x8000] =	vst v63  }
0x45: {  	_ =	swait.ge [sflag:s14], $0x2800  }
0x46: {  	[sflag:s14] =	ssyncset.done $0x0  }
0x47: {  	[sflag:s14] =	ssyncadd.s32 $0xFFFFD800  }
0x48: {  	_ =	swait.ge [sflag:s19], $0x2800  }
0x49: {  	[sflag:s19] =	ssyncset.done $0x0  }
0x4a: {  	[sflag:s19] =	ssyncadd.s32 $0xFFFFD800  }
0x4b: {  	[spmem:s1] =	stream.indirect.scatter.add.f32 [tilespmem:s16], [sflag:$0x3], $0x80, s21, s18, $0xb8;
	[tilespmem:$0x8000] =	vst v63  }
0x4c: {  	_ =	swait.ge [sflag:s14], $0x2800  }
0x4d: {  	[sflag:s14] =	ssyncset.done $0x0  }
0x4e: {  	[sflag:s14] =	ssyncadd.s32 $0xFFFFD800  }
0x4f: {  	[bflag:$0x0] =	sbarrier.arrive $0xFFFF  }
0x50: {  	[tilespmem:s22], [sflag:$0x3] =	stream.linear.gather [spmem:s4], $0x1000, $0x38;
	[tilespmem:$0x8000] =	vst v63  }
0x51: {  	s23 =	sadd.s32 $0x1, s23;
	_ =	swait.ge [sflag:s14], $0x1000  }
0x52: {  	p0 =	sne.s32 s23, s11;
	[sflag:s14] =	ssyncset.done $0x0  }
.Ltmp1:
0x53: {  	[sflag:s14] =	ssyncadd.s32 $0xFFFFF000;
	(pc) =	sbr.rel @p0 .LBB2_1-.Ltmp1, $4  }
0x54: {  	[hbm4b:s10+s3] =	stream.linear.scatter [tilespmem:s22], [sflag:$0x3], $0x1000, $0x38;
	[tilespmem:$0x8000] =	vst v63  }
0x55: {  	_ =	swait.ge [sflag:s14], $0x1000  }
0x56: {  	[sflag:s14] =	ssyncset.done $0x0  }
0x57: {  	[sflag:s14] =	ssyncadd.s32 $0xFFFFF000  }
0x58: {  	_ =	sfence.sel $0x180000  }
0x59: {  	[bflag:$0x0] =	sbarrier.arrive $0xFFFF  }
0x5a: {  	p0 =	sne.s32 s2, $0x0;
	_ =	strace $0x90000047  }
0x5b: {  	s0 =	sadd.s32 @!p0 $0x100000, s0;
	[bflag:$0x2] =	sbarrier.arrive $0xFFFF  }
0x5c: {  	[sflag:s0] =	ssyncadd.tile.s32 @!p0 $0x1;
	_ =	shalt  }
.Lfunc_end2:
_tile_overlayer_lowered:
.L_overlay_start_2:
0x5d: {  	(tag) =	ssettag $0x2  }
0x5e: {  	s0 =	rddreg [dreg:$0x0];
	s2 =	stileid.u32  }
0x5f: {  	s1 =	rddreg [dreg:$0x1];
	p0 =	sne.s32 s2, $0x0  }
0x60: {  	s3 =	rddreg [dreg:$0x2];
	[bflag:$0x3] =	sbarrier.arrive $0xFFFF;
	s2 =	simm.s32 @!p0 $0x1C03  }
0x61: {  	[timem:s3], [sflag:s2] =	dma.local @!p0 [hbm:s0], s1  }
0x62: {  	s0 =	simm.s32 @!p0 $0x3  }
0x63: {  	_ =	swait.ge @!p0 [sflag:s0], s1  }
0x64: {  	s1 =	ssub.s32 @!p0 $0x0, s1;
	[sflag:s0] =	ssyncset.done @!p0 $0x0  }
0x65: {  	[sflag:s0] =	ssyncadd.s32 @!p0 s1  }
0x66: {  	[bflag:$0x3] =	sbarrier.arrive $0xFFFF  }
0x67: {  	_ =	shalt  }

// kernel: kernel.16.cloned.1.call-start
scs
__scs_entry_jumppad:
0x0: {  	(pc) =	sbr.rel $0x88, $3  }
0x1: {  	(tag) =	ssettag $0x0;
	lr =	simm.s32 $0x1  }
0x2: {  	[smem:$0x3F9D] =	sst lr;
	_ =	strace $0xD0000000  }
0x3: {  	_ = 	snop  }
0x4: {  	_ = 	snop  }
0x5: {  	_ = 	snop  }
0x6: {  	_ = 	snop  }
0x7: {  	_ = 	snop  }
__scs_overlays_trampoline_lowered:
0x8: {  	[smem:$0x3FAC] =	sst s0  }
0x9: {  	[smem:$0x3FAD] =	sst s1  }
0xa: {  	[smem:$0x3FAE] =	sst s2  }
0xb: {  	[smem:$0x3FAF] =	sst s3  }
0xc: {  	[smem:$0x3FB0] =	sst s4  }
0xd: {  	[smem:$0x3FB1] =	sst s5  }
0xe: {  	[smem:$0x3FB2] =	sst s6  }
0xf: {  	[smem:$0x3FB3] =	sst s7  }
0x10: {  	[smem:$0x3FB4] =	sst s8  }
0x11: {  	[smem:$0x3FB5] =	sst s9;
	s0 =	simm.s32 @!p0 $0x0  }
0x12: {  	s1 =	sld [smem:$0x3F9B];
	s0 =	simm.s32 @p0 $0x1  }
0x13: {  	[smem:$0x3FB6] =	sst s0;
	s0 =	simm.s32 @!p1 $0x0  }
0x14: {  	s2 =	sld [smem:$0x3F9A];
	s0 =	simm.s32 @p1 $0x1  }
0x15: {  	[smem:$0x3FB7] =	sst s0;
	s0 =	simm.s32 @!p2 $0x0  }
0x16: {  	s3 =	sld [smem:$0x3FDB];
	s0 =	simm.s32 @p2 $0x1  }
0x17: {  	s4 =	simm.s32 $0x1BF5;
	[smem:$0x3FB9] =	sst s0  }
0x18: {  	s0 =	sld [smem:$0x3F9C];
	_ =	swait.ge [sflag:s4], $0x0  }
0x19: {  	s7 =	sld [smem:$0x3F9D]  }
0x1a: {  	s8 =	sadd.s32 $0xFFFFE003, lr  }
0x1b: {  	s9 =	sadd.s32 $0xFFFFFEF7, lr;
	s5 =	simm.s32 $0xFFFFFFFF;
	p2 =	slt.u32 s8, $0xFFFFF086  }
0x1c: {  	p1 =	slt.u32 s9, $0xF7A;
	s5 =	simm.s32 @!p2 $0x0  }
0x1d: {  	s5 =	simm.s32 @p1 $0x1;
	p0 =	seq.s32 s7, s2  }
0x1e: {  	s7 =	smul.u32 @!p0 $0xF7A, s2;
	p2 =	seq.s32 @!p0 s5, $0x0  }
0x1f: {  	s9 =	smul.u32 $0xF7A, s1;
	s8 =	simm.s32 @!p0 $0x1BF5;
	p2 =	por !p2, p0  }
0x20: {  	[sflag:s8] =	ssyncset.s32 @!p0 $0xFFFFF086;
	s6 =	sadd.s32 @!p0 s3, s7;
	s7 =	simm.s32 @!p0 $0x108  }
0x21: {  	s3 =	sadd.s32 s3, s9;
	s6 =	sadd.s32 @!p0 $0x88, s6;
	s7 =	simm.s32 @p2 $0x1082  }
0x22: {  	[simem:s7], [sflag:s8] =	dma.local @!p0 [hbm:s6], $0xF7A  }
0x23: {  	s9 =	sor.u32 $0xD0000000, s2;
	s6 =	simm.s32 $0x108;
	_ =	swait.ge @!p0 [sflag:s8], $0x0  }
0x24: {  	s3 =	sadd.s32 $0x88, s3;
	s6 =	simm.s32 @!p1 $0x1082;
	[sflag:s4] =	ssyncset.s32 $0xFFFFF086  }
0x25: {  	[simem:s6], [sflag:s4] =	dma.local [hbm:s3], $0xF7A  }
0x26: {  	[smem:$0x3F9D] =	sst s1;
	(tag) =	ssettag s2;
	_ =	strace s9  }
0x27: {  	s1 =	sld [smem:$0x3FAD]  }
0x28: {  	s2 =	sld [smem:$0x3FAE]  }
0x29: {  	s4 =	sld [smem:$0x3FB0]  }
0x2a: {  	p0 =	seq.s32 s5, $0x0;
	s5 =	sld [smem:$0x3FB1]  }
0x2b: {  	s6 =	sld [smem:$0x3FB2]  }
0x2c: {  	s7 =	sld [smem:$0x3FB3]  }
0x2d: {  	s3 =	simm.s32 $0x108;
	s8 =	sld [smem:$0x3FB4]  }
0x2e: {  	s3 =	simm.s32 @!p0 $0x1082;
	s9 =	sld [smem:$0x3FB5]  }
0x2f: {  	lr =	sadd.s32 s0, s3;
	s0 =	sld [smem:$0x3FAC]  }
0x30: {  	s3 =	sld [smem:$0x3FAF]  }
0x31: {  	[smem:$0x3FB8] =	sst s10  }
0x32: {  	s10 =	sld [smem:$0x3FB6];
	_ =	sdelay $0x3  }
0x33: {  	p0 =	seq.s32 s10, $0x1;
	s10 =	sld [smem:$0x3FB8];
	_ =	sdelay $0x3  }
0x34: {  	[smem:$0x3FB8] =	sst s10  }
0x35: {  	s10 =	sld [smem:$0x3FB7];
	_ =	sdelay $0x3  }
0x36: {  	p1 =	seq.s32 s10, $0x1;
	s10 =	sld [smem:$0x3FB8];
	_ =	sdelay $0x3  }
0x37: {  	[smem:$0x3FB8] =	sst s10  }
0x38: {  	s10 =	sld [smem:$0x3FB9]  }
0x39: {  	_ = 	snop;
	(pc) =	sbr.ind lr, $3  }
0x3a: {  	_ = 	snop  }
0x3b: {  	_ = 	snop  }
0x3c: {  	p2 =	seq.s32 s10, $0x1;
	s10 =	sld [smem:$0x3FB8]  }
0x3d: {  	_ =	shalt  }
0x3e: {  	_ =	shalt  }
0x3f: {  	_ =	shalt  }
0x40: {  	_ =	shalt  }
0x41: {  	_ =	shalt  }
0x42: {  	_ =	shalt  }
0x43: {  	_ =	shalt  }
0x44: {  	_ =	shalt  }
0x45: {  	_ =	shalt  }
0x46: {  	_ =	shalt  }
0x47: {  	_ =	shalt  }
0x48: {  	_ =	shalt  }
0x49: {  	_ =	shalt  }
0x4a: {  	_ =	shalt  }
0x4b: {  	_ =	shalt  }
0x4c: {  	_ =	shalt  }
0x4d: {  	_ =	shalt  }
0x4e: {  	_ =	shalt  }
0x4f: {  	_ =	shalt  }
0x50: {  	_ =	shalt  }
0x51: {  	_ =	shalt  }
0x52: {  	_ =	shalt  }
0x53: {  	_ =	shalt  }
0x54: {  	_ =	shalt  }
0x55: {  	_ =	shalt  }
0x56: {  	_ =	shalt  }
0x57: {  	_ =	shalt  }
0x58: {  	_ =	shalt  }
0x59: {  	_ =	shalt  }
0x5a: {  	_ =	shalt  }
0x5b: {  	_ =	shalt  }
0x5c: {  	_ =	shalt  }
0x5d: {  	_ =	shalt  }
0x5e: {  	_ =	shalt  }
0x5f: {  	_ =	shalt  }
0x60: {  	_ =	shalt  }
0x61: {  	_ =	shalt  }
0x62: {  	_ =	shalt  }
0x63: {  	_ =	shalt  }
0x64: {  	_ =	shalt  }
0x65: {  	_ =	shalt  }
0x66: {  	_ =	shalt  }
0x67: {  	_ =	shalt  }
0x68: {  	_ =	shalt  }
0x69: {  	_ =	shalt  }
0x6a: {  	_ =	shalt  }
0x6b: {  	_ =	shalt  }
0x6c: {  	_ =	shalt  }
0x6d: {  	_ =	shalt  }
0x6e: {  	_ =	shalt  }
0x6f: {  	_ =	shalt  }
0x70: {  	_ =	shalt  }
0x71: {  	_ =	shalt  }
0x72: {  	_ =	shalt  }
0x73: {  	_ =	shalt  }
0x74: {  	_ =	shalt  }
0x75: {  	_ =	shalt  }
0x76: {  	_ =	shalt  }
0x77: {  	_ =	shalt  }
0x78: {  	_ =	shalt  }
0x79: {  	_ =	shalt  }
0x7a: {  	_ =	shalt  }
0x7b: {  	_ =	shalt  }
0x7c: {  	_ =	shalt  }
0x7d: {  	_ =	shalt  }
0x7e: {  	_ =	shalt  }
0x7f: {  	_ =	shalt  }
0x80: {  	_ =	shalt  }
0x81: {  	_ =	shalt  }
0x82: {  	_ =	shalt  }
0x83: {  	_ =	shalt  }
0x84: {  	_ =	shalt  }
0x85: {  	_ =	shalt  }
0x86: {  	_ =	shalt  }
0x87: {  	_ =	shalt  }
.Lfunc_end0:
.L_simem_size_0:
called_computation.1_lowered:
.L_overlay_start_0:
0x88: {  	s2 =	sld [smem:$0x3FD9]  }
0x89: {  	s3 =	sld [smem:$0x3FFE];
	_ =	sdelay $0x1  }
0x8a: {  	s1 =	srdreg.scid  }
0x8b: {  	s0 =	sand.u32 $0x1, s1  }
0x8c: {  	s17 =	sshll.u32 s0, $0xA;
	s2 =	sadd.s32 s3, s2  }
0x8d: {  	s2 =	sadd.s32 s2, s17  }
0x8e: {  	[smem:$0x3FC4] =	sst s2  }
0x8f: {  	_ = 	snop  }
0x90: {  	s18 =	sld [smem:$0x3FD0];
	(tm) =	ssettm $0x1  }
0x91: {  	s19 =	sld [smem:$0x3FFB];
	_ =	sdelay $0x3  }
0x92: {  	_ =	strace s19  }
0x93: {  	s2 =	sld [smem:$0x3FFC];
	_ =	sdelay $0x3  }
0x94: {  	_ =	strace s2  }
0x95: {  	s2 =	sld [smem:$0x3FFD];
	_ =	sdelay $0x3  }
0x96: {  	_ =	strace s2  }
0x97: {  	_ =	strace $0x8FFFFFFF  }
0x98: {  	s20 =	sld [smem:$0x3FDB];
	_ =	sdelay $0x1  }
0x99: {  	s4 =	simm.s32 $_scs_section_size  }
0x9a: {  	s5 =	simm.s32 $_size__tile_overlayer_lowered;
	s6 =	simm.s32 $_tile_overlayer_lowered  }
0x9b: {  	s7 =	simm.s32 $0x1BFF;
	s21 =	sshll.u32 s6, $0x1;
	s4 =	sadd.s32 s4, s20  }
0x9c: {  	s22 =	simm.s32 $0x0;
	s5 =	sshll.u32 s5, $0x1;
	s6 =	sadd.s32 s21, s4  }
0x9d: {  	[timem:s22], [sflag:s7] =	dma.local [hbm:s6], s5  }
0x9e: {  	_ =	swait.ge [sflag:s7], s5  }
0x9f: {  	s5 =	ssub.s32 $0x0, s5;
	[sflag:s7] =	ssyncset.done $0x0  }
0xa0: {  	[sflag:s7] =	ssyncadd.s32 s5;
	_ =	sdelay $0x1  }
0xa1: {  	s23 =	simm.s32 $0x1B8B  }
0xa2: {  	_ =	swait.ge [sflag:s23], $0x1  }
0xa3: {  	[sflag:s23] =	ssyncset.done $0x0  }
0xa4: {  	[sflag:s23] =	ssyncadd.s32 $0xFFFFFFFF  }
0xa5: {  	s5 =	sld [smem:$0x0]  }
0xa6: {  	s6 =	sand.u32 $0xFFFFFFFE, s1  }
0xa7: {  	p0 =	sne.s32 s1, s6  }
0xa8: {  	s6 =	sshll.u32 @p0 s6, $0xE  }
0xa9: {  	s6 =	sadd.s32 @p0 $0x11B8D, s6;
	s7 =	sshll.u32 @p0 s5, $0x11  }
0xaa: {  	s6 =	sor.u32 @p0 s7, s6  }
0xab: {  	[sflag:s6] =	ssyncadd.remote.s32 @p0 $0x1;
	_ =	sdelay $0x1  }
0xac: {  	s6 =	simm.s32 @p0 $0x1B8D  }
0xad: {  	_ =	swait.eq @p0 [sflag:s6], $0x1  }
0xae: {  	[sflag:s6] =	ssyncadd.s32 @p0 $0xFFFFFFFF  }
0xaf: {  	s7 =	sshll.u32 @!p0 s1, $0xE  }
0xb0: {  	s7 =	sor.u32 @!p0 $0x4000, s7;
	s6 =	simm.s32 @!p0 $0x1B8D  }
0xb1: {  	s5 =	sshll.u32 @!p0 s5, $0x11;
	s7 =	sadd.s32 @!p0 $0x11B8D, s7;
	_ =	swait.eq @!p0 [sflag:s6], $0x1  }
0xb2: {  	s5 =	sor.u32 @!p0 s5, s7;
	[sflag:s6] =	ssyncadd.s32 @!p0 $0xFFFFFFFF  }
0xb3: {  	s25 =	simm.s32 $0x1B8E;
	s24 =	sld [smem:$0x3FFE];
	[sflag:s5] =	ssyncadd.remote.s32 @!p0 $0x1  }
0xb4: {  	s26 =	simm.s32 $execute0_lowered;
	[smem:$0x3FD2] =	sst s25  }
0xb5: {  	s6 =	sshll.u32 s26, $0x1;
	_ =	strace $0x80000049;
	[dreg:$0x1] =	wrdreg $0xFFFFFFFF  }
0xb6: {  	s28 =	simm.s32 $_size_execute0_lowered;
	s4 =	sadd.s32 s4, s6;
	[dreg:$0x0] =	wrdreg $0x0  }
0xb7: {  	s6 =	sshll.u32 s28, $0x1;
	[dreg:$0x2] =	wrdreg s4  }
0xb8: {  	[dreg:$0x3] =	wrdreg s6  }
0xb9: {  	[dreg:$0x4] =	wrdreg $0xC0  }
0xba: {  	_ =	task [dreg:s22], $0x5FFFF  }
0xbb: {  	[dreg:$0x1] =	wrdreg $0xFFFFFFFF  }
0xbc: {  	[dreg:$0x0] =	wrdreg $0x60  }
0xbd: {  	[dreg:$0x2] =	wrdreg s24  }
0xbe: {  	[dreg:$0x3] =	wrdreg s18  }
0xbf: {  	[dreg:$0x4] =	wrdreg $0x70000  }
0xc0: {  	[dreg:$0x5] =	wrdreg $0xA  }
0xc1: {  	_ =	task.clear_ibuf [dreg:s22], $0x6FFFF;
	_ =	strace $0x90000049  }
0xc2: {  	s29 =	simm.s32 $0xA;
	_ =	strace $0x8000004B  }
0xc3: {  	_ =	swait.ge [sflag:s29], $0x1  }
0xc4: {  	[sflag:s29] =	ssyncadd.s32 $0xFFFFFFFF  }
0xc5: {  	_ =	strace $0x9000004B  }
0xc6: {  	_ =	sfence  }
0xc7: {  	s30 =	sld [smem:$0x0];
	_ =	sdelay $0x2  }
0xc8: {  	s31 =	sshll.u32 s1, $0xD;
	s1 =	sshrl.u32 s1, $0x2  }
0xc9: {  	s4 =	sand.u32 $0x4000, s31;
	s1 =	sadd.s32 s1, s30  }
0xca: {  	s0 =	sor.u32 s4, s0;
	s1 =	sshll.u32 s1, $0x11  }
0xcb: {  	s0 =	sor.u32 s1, s0  }
0xcc: {  	s0 =	sadd.s32 $0x8F2B, s0  }
0xcd: {  	[sflag:s0] =	ssyncadd.remote.s32 $0x1  }
0xce: {  	_ =	sfence.sel $0xFFFF  }
0xcf: {  	[dreg:$0x0] =	wrdreg $0xFFFFFFFF;
	(pc) =	sbr.abs _section_cstart, $3  }
0xd0: {  	[dreg:$0x1] =	wrdreg $0xFFFFFFFF  }
0xd1: {  	_ =	task.clear_ibuf [dreg:s22], $0x2FFFF;
	_ =	strace $0x9FFFFFFF  }
0xd2: {  	(tm) =	ssettm $0x7FFFFFFF  }
0xd3: {  	_ =	shalt  }
tec
execute0_lowered:
.L_overlay_start_1:
0x0: {  	(tag) =	ssettag $0x1  }
0x1: {  	s4 =	rddreg [dreg:$0x0]  }
0x2: {  	s5 =	rddreg [dreg:$0x1]  }
0x3: {  	s1 =	rddreg [dreg:$0x2];
	s2 =	srdreg.scid  }
0x4: {  	s0 =	rddreg [dreg:$0x3];
	s3 =	simm.s32 $0x0;
	s17 =	simm.s32 $0x1  }
0x5: {  	s18 =	simm.s32 $0x50;
	s19 =	simm.s32 $0x2;
	s20 =	simm.s32 $0xE00  }
0x6: {  	s21 =	simm.s32 $0xE80;
	s22 =	simm.s32 $0x6000;
	s23 =	simm.s32 $0x0  }
0x7: {  	s9 =	sand.u32 $0x1, s2;
	[smem:$0x7FF] =	sst s3;
	s2 =	stileid.u32  }
0x8: {  	s10 =	sadd.s32 $0x13B600, s4;
	s6 =	sshll.u32 s9, $0x4;
	_ =	strace $0x8000004A  }
0x9: {  	s8 =	sshll.u32 s2, $0x9;
	s11 =	ssub.s32 $0x2, s9;
	s25 =	sshll.u32 s2, $0xC  }
0xa: {  	s14 =	sshll.u32 s2, $0x6;
	s28 =	smul.u32 $0x96000, s9;
	s29 =	sshll.u32 s9, $0xD  }
0xb: {  	s16 =	smul.u32 $0x9600, s2;
	s6 =	sor.u32 s2, s6;
	s12 =	sadd.s32 s8, s4  }
0xc: {  	s24 =	sshrl.u32 s11, $0x1;
	s5 =	sadd.s32 s5, s8;
	s13 =	smul.u32 $0x9600, s6  }
0xd: {  	s7 =	sshll.u32 s6, $0x9;
	s11 =	ssub.s32 s11, s24;
	s15 =	smul.u32 $0x4B000, s6  }
0xe: {  	s6 =	sor.u32 $0x1C03, s14;
	s12 =	sadd.s32 s29, s12;
	s30 =	sadd.s32 s28, s10  }
0xf: {  	s14 =	simm.s32 $0x3;
	s7 =	sadd.s32 s7, s4;
	s4 =	sadd.s32 s25, s1  }
0x10: {  	s11 =	smax.u32 s11, $0x1;
	s31 =	sadd.s32 s16, s30;
	s16 =	simm.s32 $0x3800  }
0x11: {  	s7 =	sadd.s32 $0x267600, s7;
	s8 =	sadd.s32 s10, s13;
	s26 =	sshrl.u32 s15, $0x3  }
0x12: {  	s15 =	simm.s32 $0x1000;
	s13 =	sadd.s32 s10, s26;
	s10 =	sadd.s32 $0x26B600, s12  }
0x13: {  	s12 =	sadd.s32 $0xF00, s31;
	s9 =	sadd.s32 $0x500, s13;
	s13 =	sshrl.u32 s4, $0x3  }
.LBB2_1:
0x14: {  	[spmem:s13], [sflag:s6] =	dma.local [hbm:s5], $0x200  }
0x15: {  	_ =	swait.ge [sflag:s14], $0x200  }
0x16: {  	[sflag:s14] =	ssyncset.done $0x0  }
0x17: {  	[sflag:s14] =	ssyncadd.s32 $0xFFFFFE00  }
0x18: {  	[tilespmem:s3], [sflag:$0x3] =	stream.linear.gather [hbm4b:s7+s3], $0xF00, $0x38;
	[tilespmem:$0x8000] =	vst v63  }
0x19: {  	_ =	swait.ge [sflag:s14], $0xF00  }
0x1a: {  	[sflag:s14] =	ssyncset.done $0x0  }
0x1b: {  	[sflag:s14] =	ssyncadd.s32 $0xFFFFF100  }
0x1c: {  	[bflag:$0x0] =	sbarrier.arrive $0xFFFF  }
0x1d: {  	[tilespmem:s15], [sflag:$0x1] =	stream.linear.gather [hbm4b:s8+s3], $0x2800, $0x38;
	[tilespmem:$0x8000] =	vst v63  }
0x1e: {  	_ = 	snop  }
0x1f: {  	[tilespmem:s16], [sflag:$0x2] =	stream.linear.gather [hbm4b:s9+s3], $0x2800, $0x38;
	[tilespmem:$0x8000] =	vst v63  }
0x20: {  	_ =	swait.ge [sflag:s17], $0x2800  }
0x21: {  	[sflag:s17] =	ssyncset.done $0x0  }
0x22: {  	s24 =	simm.s32 $0x0;
	[sflag:s17] =	ssyncadd.s32 $0xFFFFD800  }
0x23: {  	[spmem:s1] =	stream.indirect.scatter.add.f32 [tilespmem:s15], [sflag:$0x3], $0x80, s24, s18, $0xb8;
	[tilespmem:$0x8000] =	vst v63  }
0x24: {  	_ =	swait.ge [sflag:s14], $0x2800  }
0x25: {  	[sflag:s14] =	ssyncset.done $0x0  }
0x26: {  	s30 =	sadd.s32 $0xFFFFFB00, s12;
	[sflag:s14] =	ssyncadd.s32 $0xFFFFD800  }
0x27: {  	[tilespmem:s15], [sflag:$0x1] =	stream.linear.gather [hbm4b:s30+s3], $0x2800, $0x38;
	[tilespmem:$0x8000] =	vst v63  }
0x28: {  	_ =	swait.ge [sflag:s19], $0x2800  }
0x29: {  	[sflag:s19] =	ssyncset.done $0x0  }
0x2a: {  	s31 =	simm.s32 $0x80;
	[sflag:s19] =	ssyncadd.s32 $0xFFFFD800  }
0x2b: {  	[spmem:s1] =	stream.indirect.scatter.add.f32 [tilespmem:s16], [sflag:$0x3], $0x80, s31, s18, $0xb8;
	[tilespmem:$0x8000] =	vst v63  }
0x2c: {  	_ =	swait.ge [sflag:s14], $0x2800  }
0x2d: {  	s25 =	sadd.s32 $0xA00, s12;
	[sflag:s14] =	ssyncset.done $0x0  }
0x2e: {  	s26 =	smov.u32 s12;
	s24 =	simm.s32 $0x400;
	[sflag:s14] =	ssyncadd.s32 $0xFFFFD800  }
.LBB2_2:
0x2f: {  	[tilespmem:s16], [sflag:$0x2] =	stream.linear.gather [hbm4b:s26+s3], $0x2800, $0x38;
	[tilespmem:$0x8000] =	vst v63  }
0x30: {  	s28 =	smov.u32 s24;
	s26 =	smov.u32 s25  }
0x31: {  	p0 =	sne.s32 s24, $0x3400;
	s24 =	sadd.s32 $0x400, s24;
	_ =	swait.ge [sflag:s17], $0x2800  }
0x32: {  	[sflag:s17] =	ssyncset.done $0x0  }
0x33: {  	s28 =	sshra.s32 s28, $0x2;
	[sflag:s17] =	ssyncadd.s32 $0xFFFFD800  }
0x34: {  	[spmem:s1] =	stream.indirect.scatter.add.f32 [tilespmem:s15], [sflag:$0x3], $0x80, s28, s18, $0xb8;
	[tilespmem:$0x8000] =	vst v63  }
0x35: {  	_ =	swait.ge [sflag:s14], $0x2800  }
0x36: {  	[sflag:s14] =	ssyncset.done $0x0  }
0x37: {  	s29 =	sadd.s32 $0xFFFFFB00, s25;
	[sflag:s14] =	ssyncadd.s32 $0xFFFFD800  }
0x38: {  	[tilespmem:s15], [sflag:$0x1] =	stream.linear.gather [hbm4b:s29+s3], $0x2800, $0x38;
	[tilespmem:$0x8000] =	vst v63  }
0x39: {  	_ =	swait.ge [sflag:s19], $0x2800  }
0x3a: {  	[sflag:s19] =	ssyncset.done $0x0  }
.Ltmp0:
0x3b: {  	s28 =	sadd.s32 $0x80, s28;
	[sflag:s19] =	ssyncadd.s32 $0xFFFFD800;
	(pc) =	sbr.rel @p0 .LBB2_2-.Ltmp0, $4  }
0x3c: {  	[spmem:s1] =	stream.indirect.scatter.add.f32 [tilespmem:s16], [sflag:$0x3], $0x80, s28, s18, $0xb8;
	[tilespmem:$0x8000] =	vst v63  }
0x3d: {  	_ =	swait.ge [sflag:s14], $0x2800  }
0x3e: {  	[sflag:s14] =	ssyncset.done $0x0  }
0x3f: {  	s25 =	sadd.s32 $0xA00, s25;
	[sflag:s14] =	ssyncadd.s32 $0xFFFFD800  }
0x40: {  	[tilespmem:s16], [sflag:$0x2] =	stream.linear.gather [hbm4b:s26+s3], $0x2800, $0x38;
	[tilespmem:$0x8000] =	vst v63  }
0x41: {  	_ =	swait.ge [sflag:s17], $0x2800  }
0x42: {  	[sflag:s17] =	ssyncset.done $0x0  }
0x43: {  	[sflag:s17] =	ssyncadd.s32 $0xFFFFD800  }
0x44: {  	[spmem:s1] =	stream.indirect.scatter.add.f32 [tilespmem:s15], [sflag:$0x3], $0x80, s20, s18, $0xb8;
	[tilespmem:$0x8000] =	vst v63  }
0x45: {  	_ =	swait.ge [sflag:s14], $0x2800  }
0x46: {  	[sflag:s14] =	ssyncset.done $0x0  }
0x47: {  	[sflag:s14] =	ssyncadd.s32 $0xFFFFD800  }
0x48: {  	_ =	swait.ge [sflag:s19], $0x2800  }
0x49: {  	[sflag:s19] =	ssyncset.done $0x0  }
0x4a: {  	[sflag:s19] =	ssyncadd.s32 $0xFFFFD800  }
0x4b: {  	[spmem:s1] =	stream.indirect.scatter.add.f32 [tilespmem:s16], [sflag:$0x3], $0x80, s21, s18, $0xb8;
	[tilespmem:$0x8000] =	vst v63  }
0x4c: {  	_ =	swait.ge [sflag:s14], $0x2800  }
0x4d: {  	[sflag:s14] =	ssyncset.done $0x0  }
0x4e: {  	[sflag:s14] =	ssyncadd.s32 $0xFFFFD800  }
0x4f: {  	[bflag:$0x0] =	sbarrier.arrive $0xFFFF  }
0x50: {  	[tilespmem:s22], [sflag:$0x3] =	stream.linear.gather [spmem:s4], $0x1000, $0x38;
	[tilespmem:$0x8000] =	vst v63  }
0x51: {  	s23 =	sadd.s32 $0x1, s23;
	_ =	swait.ge [sflag:s14], $0x1000  }
0x52: {  	p0 =	sne.s32 s23, s11;
	[sflag:s14] =	ssyncset.done $0x0  }
.Ltmp1:
0x53: {  	[sflag:s14] =	ssyncadd.s32 $0xFFFFF000;
	(pc) =	sbr.rel @p0 .LBB2_1-.Ltmp1, $4  }
0x54: {  	[hbm4b:s10+s3] =	stream.linear.scatter [tilespmem:s22], [sflag:$0x3], $0x1000, $0x38;
	[tilespmem:$0x8000] =	vst v63  }
0x55: {  	_ =	swait.ge [sflag:s14], $0x1000  }
0x56: {  	[sflag:s14] =	ssyncset.done $0x0  }
0x57: {  	[sflag:s14] =	ssyncadd.s32 $0xFFFFF000  }
0x58: {  	_ =	sfence.sel $0x180000  }
0x59: {  	[bflag:$0x0] =	sbarrier.arrive $0xFFFF  }
0x5a: {  	p0 =	sne.s32 s2, $0x0;
	_ =	strace $0x9000004A  }
0x5b: {  	s0 =	sadd.s32 @!p0 $0x100000, s0;
	[bflag:$0x2] =	sbarrier.arrive $0xFFFF  }
0x5c: {  	[sflag:s0] =	ssyncadd.tile.s32 @!p0 $0x1;
	_ =	shalt  }
.Lfunc_end2:
_tile_overlayer_lowered:
.L_overlay_start_2:
0x5d: {  	(tag) =	ssettag $0x2  }
0x5e: {  	s0 =	rddreg [dreg:$0x0];
	s2 =	stileid.u32  }
0x5f: {  	s1 =	rddreg [dreg:$0x1];
	p0 =	sne.s32 s2, $0x0  }
0x60: {  	s3 =	rddreg [dreg:$0x2];
	[bflag:$0x3] =	sbarrier.arrive $0xFFFF;
	s2 =	simm.s32 @!p0 $0x1C03  }
0x61: {  	[timem:s3], [sflag:s2] =	dma.local @!p0 [hbm:s0], s1  }
0x62: {  	s0 =	simm.s32 @!p0 $0x3  }
0x63: {  	_ =	swait.ge @!p0 [sflag:s0], s1  }
0x64: {  	s1 =	ssub.s32 @!p0 $0x0, s1;
	[sflag:s0] =	ssyncset.done @!p0 $0x0  }
0x65: {  	[sflag:s0] =	ssyncadd.s32 @!p0 s1  }
0x66: {  	[bflag:$0x3] =	sbarrier.arrive $0xFFFF  }
0x67: {  	_ =	shalt  }

// kernel: kernel.19.cloned.1.call-start
scs
__scs_entry_jumppad:
0x0: {  	(pc) =	sbr.rel $0x88, $3  }
0x1: {  	(tag) =	ssettag $0x0;
	lr =	simm.s32 $0x1  }
0x2: {  	[smem:$0x3F9D] =	sst lr;
	_ =	strace $0xD0000000  }
0x3: {  	_ = 	snop  }
0x4: {  	_ = 	snop  }
0x5: {  	_ = 	snop  }
0x6: {  	_ = 	snop  }
0x7: {  	_ = 	snop  }
__scs_overlays_trampoline_lowered:
0x8: {  	[smem:$0x3FAC] =	sst s0  }
0x9: {  	[smem:$0x3FAD] =	sst s1  }
0xa: {  	[smem:$0x3FAE] =	sst s2  }
0xb: {  	[smem:$0x3FAF] =	sst s3  }
0xc: {  	[smem:$0x3FB0] =	sst s4  }
0xd: {  	[smem:$0x3FB1] =	sst s5  }
0xe: {  	[smem:$0x3FB2] =	sst s6  }
0xf: {  	[smem:$0x3FB3] =	sst s7  }
0x10: {  	[smem:$0x3FB4] =	sst s8  }
0x11: {  	[smem:$0x3FB5] =	sst s9;
	s0 =	simm.s32 @!p0 $0x0  }
0x12: {  	s1 =	sld [smem:$0x3F9B];
	s0 =	simm.s32 @p0 $0x1  }
0x13: {  	[smem:$0x3FB6] =	sst s0;
	s0 =	simm.s32 @!p1 $0x0  }
0x14: {  	s2 =	sld [smem:$0x3F9A];
	s0 =	simm.s32 @p1 $0x1  }
0x15: {  	[smem:$0x3FB7] =	sst s0;
	s0 =	simm.s32 @!p2 $0x0  }
0x16: {  	s3 =	sld [smem:$0x3FDB];
	s0 =	simm.s32 @p2 $0x1  }
0x17: {  	s4 =	simm.s32 $0x1BF5;
	[smem:$0x3FB9] =	sst s0  }
0x18: {  	s0 =	sld [smem:$0x3F9C];
	_ =	swait.ge [sflag:s4], $0x0  }
0x19: {  	s7 =	sld [smem:$0x3F9D]  }
0x1a: {  	s8 =	sadd.s32 $0xFFFFE003, lr  }
0x1b: {  	s9 =	sadd.s32 $0xFFFFFEF7, lr;
	s5 =	simm.s32 $0xFFFFFFFF;
	p2 =	slt.u32 s8, $0xFFFFF086  }
0x1c: {  	p1 =	slt.u32 s9, $0xF7A;
	s5 =	simm.s32 @!p2 $0x0  }
0x1d: {  	s5 =	simm.s32 @p1 $0x1;
	p0 =	seq.s32 s7, s2  }
0x1e: {  	s7 =	smul.u32 @!p0 $0xF7A, s2;
	p2 =	seq.s32 @!p0 s5, $0x0  }
0x1f: {  	s9 =	smul.u32 $0xF7A, s1;
	s8 =	simm.s32 @!p0 $0x1BF5;
	p2 =	por !p2, p0  }
0x20: {  	[sflag:s8] =	ssyncset.s32 @!p0 $0xFFFFF086;
	s6 =	sadd.s32 @!p0 s3, s7;
	s7 =	simm.s32 @!p0 $0x108  }
0x21: {  	s3 =	sadd.s32 s3, s9;
	s6 =	sadd.s32 @!p0 $0x88, s6;
	s7 =	simm.s32 @p2 $0x1082  }
0x22: {  	[simem:s7], [sflag:s8] =	dma.local @!p0 [hbm:s6], $0xF7A  }
0x23: {  	s9 =	sor.u32 $0xD0000000, s2;
	s6 =	simm.s32 $0x108;
	_ =	swait.ge @!p0 [sflag:s8], $0x0  }
0x24: {  	s3 =	sadd.s32 $0x88, s3;
	s6 =	simm.s32 @!p1 $0x1082;
	[sflag:s4] =	ssyncset.s32 $0xFFFFF086  }
0x25: {  	[simem:s6], [sflag:s4] =	dma.local [hbm:s3], $0xF7A  }
0x26: {  	[smem:$0x3F9D] =	sst s1;
	(tag) =	ssettag s2;
	_ =	strace s9  }
0x27: {  	s1 =	sld [smem:$0x3FAD]  }
0x28: {  	s2 =	sld [smem:$0x3FAE]  }
0x29: {  	s4 =	sld [smem:$0x3FB0]  }
0x2a: {  	p0 =	seq.s32 s5, $0x0;
	s5 =	sld [smem:$0x3FB1]  }
0x2b: {  	s6 =	sld [smem:$0x3FB2]  }
0x2c: {  	s7 =	sld [smem:$0x3FB3]  }
0x2d: {  	s3 =	simm.s32 $0x108;
	s8 =	sld [smem:$0x3FB4]  }
0x2e: {  	s3 =	simm.s32 @!p0 $0x1082;
	s9 =	sld [smem:$0x3FB5]  }
0x2f: {  	lr =	sadd.s32 s0, s3;
	s0 =	sld [smem:$0x3FAC]  }
0x30: {  	s3 =	sld [smem:$0x3FAF]  }
0x31: {  	[smem:$0x3FB8] =	sst s10  }
0x32: {  	s10 =	sld [smem:$0x3FB6];
	_ =	sdelay $0x3  }
0x33: {  	p0 =	seq.s32 s10, $0x1;
	s10 =	sld [smem:$0x3FB8];
	_ =	sdelay $0x3  }
0x34: {  	[smem:$0x3FB8] =	sst s10  }
0x35: {  	s10 =	sld [smem:$0x3FB7];
	_ =	sdelay $0x3  }
0x36: {  	p1 =	seq.s32 s10, $0x1;
	s10 =	sld [smem:$0x3FB8];
	_ =	sdelay $0x3  }
0x37: {  	[smem:$0x3FB8] =	sst s10  }
0x38: {  	s10 =	sld [smem:$0x3FB9]  }
0x39: {  	_ = 	snop;
	(pc) =	sbr.ind lr, $3  }
0x3a: {  	_ = 	snop  }
0x3b: {  	_ = 	snop  }
0x3c: {  	p2 =	seq.s32 s10, $0x1;
	s10 =	sld [smem:$0x3FB8]  }
0x3d: {  	_ =	shalt  }
0x3e: {  	_ =	shalt  }
0x3f: {  	_ =	shalt  }
0x40: {  	_ =	shalt  }
0x41: {  	_ =	shalt  }
0x42: {  	_ =	shalt  }
0x43: {  	_ =	shalt  }
0x44: {  	_ =	shalt  }
0x45: {  	_ =	shalt  }
0x46: {  	_ =	shalt  }
0x47: {  	_ =	shalt  }
0x48: {  	_ =	shalt  }
0x49: {  	_ =	shalt  }
0x4a: {  	_ =	shalt  }
0x4b: {  	_ =	shalt  }
0x4c: {  	_ =	shalt  }
0x4d: {  	_ =	shalt  }
0x4e: {  	_ =	shalt  }
0x4f: {  	_ =	shalt  }
0x50: {  	_ =	shalt  }
0x51: {  	_ =	shalt  }
0x52: {  	_ =	shalt  }
0x53: {  	_ =	shalt  }
0x54: {  	_ =	shalt  }
0x55: {  	_ =	shalt  }
0x56: {  	_ =	shalt  }
0x57: {  	_ =	shalt  }
0x58: {  	_ =	shalt  }
0x59: {  	_ =	shalt  }
0x5a: {  	_ =	shalt  }
0x5b: {  	_ =	shalt  }
0x5c: {  	_ =	shalt  }
0x5d: {  	_ =	shalt  }
0x5e: {  	_ =	shalt  }
0x5f: {  	_ =	shalt  }
0x60: {  	_ =	shalt  }
0x61: {  	_ =	shalt  }
0x62: {  	_ =	shalt  }
0x63: {  	_ =	shalt  }
0x64: {  	_ =	shalt  }
0x65: {  	_ =	shalt  }
0x66: {  	_ =	shalt  }
0x67: {  	_ =	shalt  }
0x68: {  	_ =	shalt  }
0x69: {  	_ =	shalt  }
0x6a: {  	_ =	shalt  }
0x6b: {  	_ =	shalt  }
0x6c: {  	_ =	shalt  }
0x6d: {  	_ =	shalt  }
0x6e: {  	_ =	shalt  }
0x6f: {  	_ =	shalt  }
0x70: {  	_ =	shalt  }
0x71: {  	_ =	shalt  }
0x72: {  	_ =	shalt  }
0x73: {  	_ =	shalt  }
0x74: {  	_ =	shalt  }
0x75: {  	_ =	shalt  }
0x76: {  	_ =	shalt  }
0x77: {  	_ =	shalt  }
0x78: {  	_ =	shalt  }
0x79: {  	_ =	shalt  }
0x7a: {  	_ =	shalt  }
0x7b: {  	_ =	shalt  }
0x7c: {  	_ =	shalt  }
0x7d: {  	_ =	shalt  }
0x7e: {  	_ =	shalt  }
0x7f: {  	_ =	shalt  }
0x80: {  	_ =	shalt  }
0x81: {  	_ =	shalt  }
0x82: {  	_ =	shalt  }
0x83: {  	_ =	shalt  }
0x84: {  	_ =	shalt  }
0x85: {  	_ =	shalt  }
0x86: {  	_ =	shalt  }
0x87: {  	_ =	shalt  }
.Lfunc_end0:
.L_simem_size_0:
called_computation.2_lowered:
.L_overlay_start_0:
0x88: {  	s2 =	sld [smem:$0x3FD9]  }
0x89: {  	s3 =	sld [smem:$0x3FFE];
	_ =	sdelay $0x1  }
0x8a: {  	s1 =	srdreg.scid  }
0x8b: {  	s0 =	sand.u32 $0x1, s1  }
0x8c: {  	s17 =	sshll.u32 s0, $0xA;
	s2 =	sadd.s32 s3, s2  }
0x8d: {  	s2 =	sadd.s32 s2, s17  }
0x8e: {  	[smem:$0x3FC4] =	sst s2  }
0x8f: {  	_ = 	snop  }
0x90: {  	s18 =	sld [smem:$0x3FD0];
	(tm) =	ssettm $0x1  }
0x91: {  	s19 =	sld [smem:$0x3FFB];
	_ =	sdelay $0x3  }
0x92: {  	_ =	strace s19  }
0x93: {  	s2 =	sld [smem:$0x3FFC];
	_ =	sdelay $0x3  }
0x94: {  	_ =	strace s2  }
0x95: {  	s2 =	sld [smem:$0x3FFD];
	_ =	sdelay $0x3  }
0x96: {  	_ =	strace s2  }
0x97: {  	_ =	strace $0x8FFFFFFF  }
0x98: {  	s20 =	sld [smem:$0x3FDB];
	_ =	sdelay $0x1  }
0x99: {  	s4 =	simm.s32 $_scs_section_size  }
0x9a: {  	s5 =	simm.s32 $_size__tile_overlayer_lowered;
	s6 =	simm.s32 $_tile_overlayer_lowered  }
0x9b: {  	s7 =	simm.s32 $0x1BFF;
	s21 =	sshll.u32 s6, $0x1;
	s4 =	sadd.s32 s4, s20  }
0x9c: {  	s22 =	simm.s32 $0x0;
	s5 =	sshll.u32 s5, $0x1;
	s6 =	sadd.s32 s21, s4  }
0x9d: {  	[timem:s22], [sflag:s7] =	dma.local [hbm:s6], s5  }
0x9e: {  	_ =	swait.ge [sflag:s7], s5  }
0x9f: {  	s5 =	ssub.s32 $0x0, s5;
	[sflag:s7] =	ssyncset.done $0x0  }
0xa0: {  	[sflag:s7] =	ssyncadd.s32 s5;
	_ =	sdelay $0x1  }
0xa1: {  	s23 =	simm.s32 $0x1B8B  }
0xa2: {  	_ =	swait.ge [sflag:s23], $0x1  }
0xa3: {  	[sflag:s23] =	ssyncset.done $0x0  }
0xa4: {  	[sflag:s23] =	ssyncadd.s32 $0xFFFFFFFF  }
0xa5: {  	s5 =	sld [smem:$0x0]  }
0xa6: {  	s6 =	sand.u32 $0xFFFFFFFE, s1  }
0xa7: {  	p0 =	sne.s32 s1, s6  }
0xa8: {  	s6 =	sshll.u32 @p0 s6, $0xE  }
0xa9: {  	s6 =	sadd.s32 @p0 $0x11B8D, s6;
	s7 =	sshll.u32 @p0 s5, $0x11  }
0xaa: {  	s6 =	sor.u32 @p0 s7, s6  }
0xab: {  	[sflag:s6] =	ssyncadd.remote.s32 @p0 $0x1;
	_ =	sdelay $0x1  }
0xac: {  	s6 =	simm.s32 @p0 $0x1B8D  }
0xad: {  	_ =	swait.eq @p0 [sflag:s6], $0x1  }
0xae: {  	[sflag:s6] =	ssyncadd.s32 @p0 $0xFFFFFFFF  }
0xaf: {  	s7 =	sshll.u32 @!p0 s1, $0xE  }
0xb0: {  	s7 =	sor.u32 @!p0 $0x4000, s7;
	s6 =	simm.s32 @!p0 $0x1B8D  }
0xb1: {  	s5 =	sshll.u32 @!p0 s5, $0x11;
	s7 =	sadd.s32 @!p0 $0x11B8D, s7;
	_ =	swait.eq @!p0 [sflag:s6], $0x1  }
0xb2: {  	s5 =	sor.u32 @!p0 s5, s7;
	[sflag:s6] =	ssyncadd.s32 @!p0 $0xFFFFFFFF  }
0xb3: {  	s25 =	simm.s32 $0x1B8E;
	s24 =	sld [smem:$0x3FFE];
	[sflag:s5] =	ssyncadd.remote.s32 @!p0 $0x1  }
0xb4: {  	s26 =	simm.s32 $execute0_lowered;
	[smem:$0x3FD2] =	sst s25  }
0xb5: {  	s6 =	sshll.u32 s26, $0x1;
	_ =	strace $0x8000004C;
	[dreg:$0x1] =	wrdreg $0xFFFFFFFF  }
0xb6: {  	s28 =	simm.s32 $_size_execute0_lowered;
	s4 =	sadd.s32 s4, s6;
	[dreg:$0x0] =	wrdreg $0x0  }
0xb7: {  	s6 =	sshll.u32 s28, $0x1;
	[dreg:$0x2] =	wrdreg s4  }
0xb8: {  	[dreg:$0x3] =	wrdreg s6  }
0xb9: {  	[dreg:$0x4] =	wrdreg $0xC0  }
0xba: {  	_ =	task [dreg:s22], $0x5FFFF  }
0xbb: {  	[dreg:$0x1] =	wrdreg $0xFFFFFFFF  }
0xbc: {  	[dreg:$0x0] =	wrdreg $0x60  }
0xbd: {  	[dreg:$0x2] =	wrdreg s24  }
0xbe: {  	[dreg:$0x3] =	wrdreg s18  }
0xbf: {  	[dreg:$0x4] =	wrdreg $0x70000  }
0xc0: {  	[dreg:$0x5] =	wrdreg $0xB  }
0xc1: {  	_ =	task.clear_ibuf [dreg:s22], $0x6FFFF;
	_ =	strace $0x9000004C  }
0xc2: {  	s29 =	simm.s32 $0xB;
	_ =	strace $0x8000004E  }
0xc3: {  	_ =	swait.ge [sflag:s29], $0x1  }
0xc4: {  	[sflag:s29] =	ssyncadd.s32 $0xFFFFFFFF  }
0xc5: {  	_ =	strace $0x9000004E  }
0xc6: {  	_ =	sfence  }
0xc7: {  	s30 =	sld [smem:$0x0];
	_ =	sdelay $0x2  }
0xc8: {  	s31 =	sshll.u32 s1, $0xD;
	s1 =	sshrl.u32 s1, $0x2  }
0xc9: {  	s4 =	sand.u32 $0x4000, s31;
	s1 =	sadd.s32 s1, s30  }
0xca: {  	s0 =	sor.u32 s4, s0;
	s1 =	sshll.u32 s1, $0x11  }
0xcb: {  	s0 =	sor.u32 s1, s0  }
0xcc: {  	s0 =	sadd.s32 $0x8F2B, s0  }
0xcd: {  	[sflag:s0] =	ssyncadd.remote.s32 $0x1  }
0xce: {  	_ =	sfence.sel $0xFFFF  }
0xcf: {  	[dreg:$0x0] =	wrdreg $0xFFFFFFFF;
	(pc) =	sbr.abs _section_cstart, $3  }
0xd0: {  	[dreg:$0x1] =	wrdreg $0xFFFFFFFF  }
0xd1: {  	_ =	task.clear_ibuf [dreg:s22], $0x2FFFF;
	_ =	strace $0x9FFFFFFF  }
0xd2: {  	(tm) =	ssettm $0x7FFFFFFF  }
0xd3: {  	_ =	shalt  }
tec
execute0_lowered:
.L_overlay_start_1:
0x0: {  	(tag) =	ssettag $0x1  }
0x1: {  	s4 =	rddreg [dreg:$0x0]  }
0x2: {  	s5 =	rddreg [dreg:$0x1]  }
0x3: {  	s1 =	rddreg [dreg:$0x2];
	s2 =	srdreg.scid  }
0x4: {  	s0 =	rddreg [dreg:$0x3];
	s3 =	simm.s32 $0x0;
	s17 =	simm.s32 $0x1  }
0x5: {  	s18 =	simm.s32 $0x50;
	s19 =	simm.s32 $0x2;
	s20 =	simm.s32 $0xE00  }
0x6: {  	s21 =	simm.s32 $0xE80;
	s22 =	simm.s32 $0x6000;
	s23 =	simm.s32 $0x0  }
0x7: {  	s9 =	sand.u32 $0x1, s2;
	[smem:$0x7FF] =	sst s3;
	s2 =	stileid.u32  }
0x8: {  	s10 =	sadd.s32 $0x26F600, s4;
	s6 =	sshll.u32 s9, $0x4;
	_ =	strace $0x8000004D  }
0x9: {  	s8 =	sshll.u32 s2, $0x9;
	s11 =	ssub.s32 $0x2, s9;
	s25 =	sshll.u32 s2, $0xC  }
0xa: {  	s14 =	sshll.u32 s2, $0x6;
	s28 =	smul.u32 $0x96000, s9;
	s29 =	sshll.u32 s9, $0xD  }
0xb: {  	s16 =	smul.u32 $0x9600, s2;
	s6 =	sor.u32 s2, s6;
	s12 =	sadd.s32 s8, s4  }
0xc: {  	s24 =	sshrl.u32 s11, $0x1;
	s5 =	sadd.s32 s5, s8;
	s13 =	smul.u32 $0x9600, s6  }
0xd: {  	s7 =	sshll.u32 s6, $0x9;
	s11 =	ssub.s32 s11, s24;
	s15 =	smul.u32 $0x4B000, s6  }
0xe: {  	s6 =	sor.u32 $0x1C03, s14;
	s12 =	sadd.s32 s29, s12;
	s30 =	sadd.s32 s28, s10  }
0xf: {  	s14 =	simm.s32 $0x3;
	s7 =	sadd.s32 s7, s4;
	s4 =	sadd.s32 s25, s1  }
0x10: {  	s11 =	smax.u32 s11, $0x1;
	s31 =	sadd.s32 s16, s30;
	s16 =	simm.s32 $0x3800  }
0x11: {  	s7 =	sadd.s32 $0x39B600, s7;
	s8 =	sadd.s32 s10, s13;
	s26 =	sshrl.u32 s15, $0x3  }
0x12: {  	s15 =	simm.s32 $0x1000;
	s13 =	sadd.s32 s10, s26;
	s10 =	sadd.s32 $0x39F600, s12  }
0x13: {  	s12 =	sadd.s32 $0xF00, s31;
	s9 =	sadd.s32 $0x500, s13;
	s13 =	sshrl.u32 s4, $0x3  }
.LBB2_1:
0x14: {  	[spmem:s13], [sflag:s6] =	dma.local [hbm:s5], $0x200  }
0x15: {  	_ =	swait.ge [sflag:s14], $0x200  }
0x16: {  	[sflag:s14] =	ssyncset.done $0x0  }
0x17: {  	[sflag:s14] =	ssyncadd.s32 $0xFFFFFE00  }
0x18: {  	[tilespmem:s3], [sflag:$0x3] =	stream.linear.gather [hbm4b:s7+s3], $0xF00, $0x38;
	[tilespmem:$0x8000] =	vst v63  }
0x19: {  	_ =	swait.ge [sflag:s14], $0xF00  }
0x1a: {  	[sflag:s14] =	ssyncset.done $0x0  }
0x1b: {  	[sflag:s14] =	ssyncadd.s32 $0xFFFFF100  }
0x1c: {  	[bflag:$0x0] =	sbarrier.arrive $0xFFFF  }
0x1d: {  	[tilespmem:s15], [sflag:$0x1] =	stream.linear.gather [hbm4b:s8+s3], $0x2800, $0x38;
	[tilespmem:$0x8000] =	vst v63  }
0x1e: {  	_ = 	snop  }
0x1f: {  	[tilespmem:s16], [sflag:$0x2] =	stream.linear.gather [hbm4b:s9+s3], $0x2800, $0x38;
	[tilespmem:$0x8000] =	vst v63  }
0x20: {  	_ =	swait.ge [sflag:s17], $0x2800  }
0x21: {  	[sflag:s17] =	ssyncset.done $0x0  }
0x22: {  	s24 =	simm.s32 $0x0;
	[sflag:s17] =	ssyncadd.s32 $0xFFFFD800  }
0x23: {  	[spmem:s1] =	stream.indirect.scatter.add.f32 [tilespmem:s15], [sflag:$0x3], $0x80, s24, s18, $0xb8;
	[tilespmem:$0x8000] =	vst v63  }
0x24: {  	_ =	swait.ge [sflag:s14], $0x2800  }
0x25: {  	[sflag:s14] =	ssyncset.done $0x0  }
0x26: {  	s30 =	sadd.s32 $0xFFFFFB00, s12;
	[sflag:s14] =	ssyncadd.s32 $0xFFFFD800  }
0x27: {  	[tilespmem:s15], [sflag:$0x1] =	stream.linear.gather [hbm4b:s30+s3], $0x2800, $0x38;
	[tilespmem:$0x8000] =	vst v63  }
0x28: {  	_ =	swait.ge [sflag:s19], $0x2800  }
0x29: {  	[sflag:s19] =	ssyncset.done $0x0  }
0x2a: {  	s31 =	simm.s32 $0x80;
	[sflag:s19] =	ssyncadd.s32 $0xFFFFD800  }
0x2b: {  	[spmem:s1] =	stream.indirect.scatter.add.f32 [tilespmem:s16], [sflag:$0x3], $0x80, s31, s18, $0xb8;
	[tilespmem:$0x8000] =	vst v63  }
0x2c: {  	_ =	swait.ge [sflag:s14], $0x2800  }
0x2d: {  	s25 =	sadd.s32 $0xA00, s12;
	[sflag:s14] =	ssyncset.done $0x0  }
0x2e: {  	s26 =	smov.u32 s12;
	s24 =	simm.s32 $0x400;
	[sflag:s14] =	ssyncadd.s32 $0xFFFFD800  }
.LBB2_2:
0x2f: {  	[tilespmem:s16], [sflag:$0x2] =	stream.linear.gather [hbm4b:s26+s3], $0x2800, $0x38;
	[tilespmem:$0x8000] =	vst v63  }
0x30: {  	s28 =	smov.u32 s24;
	s26 =	smov.u32 s25  }
0x31: {  	p0 =	sne.s32 s24, $0x3400;
	s24 =	sadd.s32 $0x400, s24;
	_ =	swait.ge [sflag:s17], $0x2800  }
0x32: {  	[sflag:s17] =	ssyncset.done $0x0  }
0x33: {  	s28 =	sshra.s32 s28, $0x2;
	[sflag:s17] =	ssyncadd.s32 $0xFFFFD800  }
0x34: {  	[spmem:s1] =	stream.indirect.scatter.add.f32 [tilespmem:s15], [sflag:$0x3], $0x80, s28, s18, $0xb8;
	[tilespmem:$0x8000] =	vst v63  }
0x35: {  	_ =	swait.ge [sflag:s14], $0x2800  }
0x36: {  	[sflag:s14] =	ssyncset.done $0x0  }
0x37: {  	s29 =	sadd.s32 $0xFFFFFB00, s25;
	[sflag:s14] =	ssyncadd.s32 $0xFFFFD800  }
0x38: {  	[tilespmem:s15], [sflag:$0x1] =	stream.linear.gather [hbm4b:s29+s3], $0x2800, $0x38;
	[tilespmem:$0x8000] =	vst v63  }
0x39: {  	_ =	swait.ge [sflag:s19], $0x2800  }
0x3a: {  	[sflag:s19] =	ssyncset.done $0x0  }
.Ltmp0:
0x3b: {  	s28 =	sadd.s32 $0x80, s28;
	[sflag:s19] =	ssyncadd.s32 $0xFFFFD800;
	(pc) =	sbr.rel @p0 .LBB2_2-.Ltmp0, $4  }
0x3c: {  	[spmem:s1] =	stream.indirect.scatter.add.f32 [tilespmem:s16], [sflag:$0x3], $0x80, s28, s18, $0xb8;
	[tilespmem:$0x8000] =	vst v63  }
0x3d: {  	_ =	swait.ge [sflag:s14], $0x2800  }
0x3e: {  	[sflag:s14] =	ssyncset.done $0x0  }
0x3f: {  	s25 =	sadd.s32 $0xA00, s25;
	[sflag:s14] =	ssyncadd.s32 $0xFFFFD800  }
0x40: {  	[tilespmem:s16], [sflag:$0x2] =	stream.linear.gather [hbm4b:s26+s3], $0x2800, $0x38;
	[tilespmem:$0x8000] =	vst v63  }
0x41: {  	_ =	swait.ge [sflag:s17], $0x2800  }
0x42: {  	[sflag:s17] =	ssyncset.done $0x0  }
0x43: {  	[sflag:s17] =	ssyncadd.s32 $0xFFFFD800  }
0x44: {  	[spmem:s1] =	stream.indirect.scatter.add.f32 [tilespmem:s15], [sflag:$0x3], $0x80, s20, s18, $0xb8;
	[tilespmem:$0x8000] =	vst v63  }
0x45: {  	_ =	swait.ge [sflag:s14], $0x2800  }
0x46: {  	[sflag:s14] =	ssyncset.done $0x0  }
0x47: {  	[sflag:s14] =	ssyncadd.s32 $0xFFFFD800  }
0x48: {  	_ =	swait.ge [sflag:s19], $0x2800  }
0x49: {  	[sflag:s19] =	ssyncset.done $0x0  }
0x4a: {  	[sflag:s19] =	ssyncadd.s32 $0xFFFFD800  }
0x4b: {  	[spmem:s1] =	stream.indirect.scatter.add.f32 [tilespmem:s16], [sflag:$0x3], $0x80, s21, s18, $0xb8;
	[tilespmem:$0x8000] =	vst v63  }
0x4c: {  	_ =	swait.ge [sflag:s14], $0x2800  }
0x4d: {  	[sflag:s14] =	ssyncset.done $0x0  }
0x4e: {  	[sflag:s14] =	ssyncadd.s32 $0xFFFFD800  }
0x4f: {  	[bflag:$0x0] =	sbarrier.arrive $0xFFFF  }
0x50: {  	[tilespmem:s22], [sflag:$0x3] =	stream.linear.gather [spmem:s4], $0x1000, $0x38;
	[tilespmem:$0x8000] =	vst v63  }
0x51: {  	s23 =	sadd.s32 $0x1, s23;
	_ =	swait.ge [sflag:s14], $0x1000  }
0x52: {  	p0 =	sne.s32 s23, s11;
	[sflag:s14] =	ssyncset.done $0x0  }
.Ltmp1:
0x53: {  	[sflag:s14] =	ssyncadd.s32 $0xFFFFF000;
	(pc) =	sbr.rel @p0 .LBB2_1-.Ltmp1, $4  }
0x54: {  	[hbm4b:s10+s3] =	stream.linear.scatter [tilespmem:s22], [sflag:$0x3], $0x1000, $0x38;
	[tilespmem:$0x8000] =	vst v63  }
0x55: {  	_ =	swait.ge [sflag:s14], $0x1000  }
0x56: {  	[sflag:s14] =	ssyncset.done $0x0  }
0x57: {  	[sflag:s14] =	ssyncadd.s32 $0xFFFFF000  }
0x58: {  	_ =	sfence.sel $0x180000  }
0x59: {  	[bflag:$0x0] =	sbarrier.arrive $0xFFFF  }
0x5a: {  	p0 =	sne.s32 s2, $0x0;
	_ =	strace $0x9000004D  }
0x5b: {  	s0 =	sadd.s32 @!p0 $0x100000, s0;
	[bflag:$0x2] =	sbarrier.arrive $0xFFFF  }
0x5c: {  	[sflag:s0] =	ssyncadd.tile.s32 @!p0 $0x1;
	_ =	shalt  }
.Lfunc_end2:
_tile_overlayer_lowered:
.L_overlay_start_2:
0x5d: {  	(tag) =	ssettag $0x2  }
0x5e: {  	s0 =	rddreg [dreg:$0x0];
	s2 =	stileid.u32  }
0x5f: {  	s1 =	rddreg [dreg:$0x1];
	p0 =	sne.s32 s2, $0x0  }
0x60: {  	s3 =	rddreg [dreg:$0x2];
	[bflag:$0x3] =	sbarrier.arrive $0xFFFF;
	s2 =	simm.s32 @!p0 $0x1C03  }
0x61: {  	[timem:s3], [sflag:s2] =	dma.local @!p0 [hbm:s0], s1  }
0x62: {  	s0 =	simm.s32 @!p0 $0x3  }
0x63: {  	_ =	swait.ge @!p0 [sflag:s0], s1  }
0x64: {  	s1 =	ssub.s32 @!p0 $0x0, s1;
	[sflag:s0] =	ssyncset.done @!p0 $0x0  }
0x65: {  	[sflag:s0] =	ssyncadd.s32 @!p0 s1  }
0x66: {  	[bflag:$0x3] =	sbarrier.arrive $0xFFFF  }
0x67: {  	_ =	shalt  }

// kernel: kernel.22.cloned.1.call-start
scs
__scs_entry_jumppad:
0x0: {  	(pc) =	sbr.rel $0x88, $3  }
0x1: {  	(tag) =	ssettag $0x0;
	lr =	simm.s32 $0x1  }
0x2: {  	[smem:$0x3F9D] =	sst lr;
	_ =	strace $0xD0000000  }
0x3: {  	_ = 	snop  }
0x4: {  	_ = 	snop  }
0x5: {  	_ = 	snop  }
0x6: {  	_ = 	snop  }
0x7: {  	_ = 	snop  }
__scs_overlays_trampoline_lowered:
0x8: {  	[smem:$0x3FAC] =	sst s0  }
0x9: {  	[smem:$0x3FAD] =	sst s1  }
0xa: {  	[smem:$0x3FAE] =	sst s2  }
0xb: {  	[smem:$0x3FAF] =	sst s3  }
0xc: {  	[smem:$0x3FB0] =	sst s4  }
0xd: {  	[smem:$0x3FB1] =	sst s5  }
0xe: {  	[smem:$0x3FB2] =	sst s6  }
0xf: {  	[smem:$0x3FB3] =	sst s7  }
0x10: {  	[smem:$0x3FB4] =	sst s8  }
0x11: {  	[smem:$0x3FB5] =	sst s9;
	s0 =	simm.s32 @!p0 $0x0  }
0x12: {  	s1 =	sld [smem:$0x3F9B];
	s0 =	simm.s32 @p0 $0x1  }
0x13: {  	[smem:$0x3FB6] =	sst s0;
	s0 =	simm.s32 @!p1 $0x0  }
0x14: {  	s2 =	sld [smem:$0x3F9A];
	s0 =	simm.s32 @p1 $0x1  }
0x15: {  	[smem:$0x3FB7] =	sst s0;
	s0 =	simm.s32 @!p2 $0x0  }
0x16: {  	s3 =	sld [smem:$0x3FDB];
	s0 =	simm.s32 @p2 $0x1  }
0x17: {  	s4 =	simm.s32 $0x1BF5;
	[smem:$0x3FB9] =	sst s0  }
0x18: {  	s0 =	sld [smem:$0x3F9C];
	_ =	swait.ge [sflag:s4], $0x0  }
0x19: {  	s7 =	sld [smem:$0x3F9D]  }
0x1a: {  	s8 =	sadd.s32 $0xFFFFE003, lr  }
0x1b: {  	s9 =	sadd.s32 $0xFFFFFEF7, lr;
	s5 =	simm.s32 $0xFFFFFFFF;
	p2 =	slt.u32 s8, $0xFFFFF086  }
0x1c: {  	p1 =	slt.u32 s9, $0xF7A;
	s5 =	simm.s32 @!p2 $0x0  }
0x1d: {  	s5 =	simm.s32 @p1 $0x1;
	p0 =	seq.s32 s7, s2  }
0x1e: {  	s7 =	smul.u32 @!p0 $0xF7A, s2;
	p2 =	seq.s32 @!p0 s5, $0x0  }
0x1f: {  	s9 =	smul.u32 $0xF7A, s1;
	s8 =	simm.s32 @!p0 $0x1BF5;
	p2 =	por !p2, p0  }
0x20: {  	[sflag:s8] =	ssyncset.s32 @!p0 $0xFFFFF086;
	s6 =	sadd.s32 @!p0 s3, s7;
	s7 =	simm.s32 @!p0 $0x108  }
0x21: {  	s3 =	sadd.s32 s3, s9;
	s6 =	sadd.s32 @!p0 $0x88, s6;
	s7 =	simm.s32 @p2 $0x1082  }
0x22: {  	[simem:s7], [sflag:s8] =	dma.local @!p0 [hbm:s6], $0xF7A  }
0x23: {  	s9 =	sor.u32 $0xD0000000, s2;
	s6 =	simm.s32 $0x108;
	_ =	swait.ge @!p0 [sflag:s8], $0x0  }
0x24: {  	s3 =	sadd.s32 $0x88, s3;
	s6 =	simm.s32 @!p1 $0x1082;
	[sflag:s4] =	ssyncset.s32 $0xFFFFF086  }
0x25: {  	[simem:s6], [sflag:s4] =	dma.local [hbm:s3], $0xF7A  }
0x26: {  	[smem:$0x3F9D] =	sst s1;
	(tag) =	ssettag s2;
	_ =	strace s9  }
0x27: {  	s1 =	sld [smem:$0x3FAD]  }
0x28: {  	s2 =	sld [smem:$0x3FAE]  }
0x29: {  	s4 =	sld [smem:$0x3FB0]  }
0x2a: {  	p0 =	seq.s32 s5, $0x0;
	s5 =	sld [smem:$0x3FB1]  }
0x2b: {  	s6 =	sld [smem:$0x3FB2]  }
0x2c: {  	s7 =	sld [smem:$0x3FB3]  }
0x2d: {  	s3 =	simm.s32 $0x108;
	s8 =	sld [smem:$0x3FB4]  }
0x2e: {  	s3 =	simm.s32 @!p0 $0x1082;
	s9 =	sld [smem:$0x3FB5]  }
0x2f: {  	lr =	sadd.s32 s0, s3;
	s0 =	sld [smem:$0x3FAC]  }
0x30: {  	s3 =	sld [smem:$0x3FAF]  }
0x31: {  	[smem:$0x3FB8] =	sst s10  }
0x32: {  	s10 =	sld [smem:$0x3FB6];
	_ =	sdelay $0x3  }
0x33: {  	p0 =	seq.s32 s10, $0x1;
	s10 =	sld [smem:$0x3FB8];
	_ =	sdelay $0x3  }
0x34: {  	[smem:$0x3FB8] =	sst s10  }
0x35: {  	s10 =	sld [smem:$0x3FB7];
	_ =	sdelay $0x3  }
0x36: {  	p1 =	seq.s32 s10, $0x1;
	s10 =	sld [smem:$0x3FB8];
	_ =	sdelay $0x3  }
0x37: {  	[smem:$0x3FB8] =	sst s10  }
0x38: {  	s10 =	sld [smem:$0x3FB9]  }
0x39: {  	_ = 	snop;
	(pc) =	sbr.ind lr, $3  }
0x3a: {  	_ = 	snop  }
0x3b: {  	_ = 	snop  }
0x3c: {  	p2 =	seq.s32 s10, $0x1;
	s10 =	sld [smem:$0x3FB8]  }
0x3d: {  	_ =	shalt  }
0x3e: {  	_ =	shalt  }
0x3f: {  	_ =	shalt  }
0x40: {  	_ =	shalt  }
0x41: {  	_ =	shalt  }
0x42: {  	_ =	shalt  }
0x43: {  	_ =	shalt  }
0x44: {  	_ =	shalt  }
0x45: {  	_ =	shalt  }
0x46: {  	_ =	shalt  }
0x47: {  	_ =	shalt  }
0x48: {  	_ =	shalt  }
0x49: {  	_ =	shalt  }
0x4a: {  	_ =	shalt  }
0x4b: {  	_ =	shalt  }
0x4c: {  	_ =	shalt  }
0x4d: {  	_ =	shalt  }
0x4e: {  	_ =	shalt  }
0x4f: {  	_ =	shalt  }
0x50: {  	_ =	shalt  }
0x51: {  	_ =	shalt  }
0x52: {  	_ =	shalt  }
0x53: {  	_ =	shalt  }
0x54: {  	_ =	shalt  }
0x55: {  	_ =	shalt  }
0x56: {  	_ =	shalt  }
0x57: {  	_ =	shalt  }
0x58: {  	_ =	shalt  }
0x59: {  	_ =	shalt  }
0x5a: {  	_ =	shalt  }
0x5b: {  	_ =	shalt  }
0x5c: {  	_ =	shalt  }
0x5d: {  	_ =	shalt  }
0x5e: {  	_ =	shalt  }
0x5f: {  	_ =	shalt  }
0x60: {  	_ =	shalt  }
0x61: {  	_ =	shalt  }
0x62: {  	_ =	shalt  }
0x63: {  	_ =	shalt  }
0x64: {  	_ =	shalt  }
0x65: {  	_ =	shalt  }
0x66: {  	_ =	shalt  }
0x67: {  	_ =	shalt  }
0x68: {  	_ =	shalt  }
0x69: {  	_ =	shalt  }
0x6a: {  	_ =	shalt  }
0x6b: {  	_ =	shalt  }
0x6c: {  	_ =	shalt  }
0x6d: {  	_ =	shalt  }
0x6e: {  	_ =	shalt  }
0x6f: {  	_ =	shalt  }
0x70: {  	_ =	shalt  }
0x71: {  	_ =	shalt  }
0x72: {  	_ =	shalt  }
0x73: {  	_ =	shalt  }
0x74: {  	_ =	shalt  }
0x75: {  	_ =	shalt  }
0x76: {  	_ =	shalt  }
0x77: {  	_ =	shalt  }
0x78: {  	_ =	shalt  }
0x79: {  	_ =	shalt  }
0x7a: {  	_ =	shalt  }
0x7b: {  	_ =	shalt  }
0x7c: {  	_ =	shalt  }
0x7d: {  	_ =	shalt  }
0x7e: {  	_ =	shalt  }
0x7f: {  	_ =	shalt  }
0x80: {  	_ =	shalt  }
0x81: {  	_ =	shalt  }
0x82: {  	_ =	shalt  }
0x83: {  	_ =	shalt  }
0x84: {  	_ =	shalt  }
0x85: {  	_ =	shalt  }
0x86: {  	_ =	shalt  }
0x87: {  	_ =	shalt  }
.Lfunc_end0:
.L_simem_size_0:
called_computation.3_lowered:
.L_overlay_start_0:
0x88: {  	s2 =	sld [smem:$0x3FD9]  }
0x89: {  	s3 =	sld [smem:$0x3FFE];
	_ =	sdelay $0x1  }
0x8a: {  	s1 =	srdreg.scid  }
0x8b: {  	s0 =	sand.u32 $0x1, s1  }
0x8c: {  	s17 =	sshll.u32 s0, $0xA;
	s2 =	sadd.s32 s3, s2  }
0x8d: {  	s2 =	sadd.s32 s2, s17  }
0x8e: {  	[smem:$0x3FC4] =	sst s2  }
0x8f: {  	_ = 	snop  }
0x90: {  	s18 =	sld [smem:$0x3FD0];
	(tm) =	ssettm $0x1  }
0x91: {  	s19 =	sld [smem:$0x3FFB];
	_ =	sdelay $0x3  }
0x92: {  	_ =	strace s19  }
0x93: {  	s2 =	sld [smem:$0x3FFC];
	_ =	sdelay $0x3  }
0x94: {  	_ =	strace s2  }
0x95: {  	s2 =	sld [smem:$0x3FFD];
	_ =	sdelay $0x3  }
0x96: {  	_ =	strace s2  }
0x97: {  	_ =	strace $0x8FFFFFFF  }
0x98: {  	s20 =	sld [smem:$0x3FDB];
	_ =	sdelay $0x1  }
0x99: {  	s4 =	simm.s32 $_scs_section_size  }
0x9a: {  	s5 =	simm.s32 $_size__tile_overlayer_lowered;
	s6 =	simm.s32 $_tile_overlayer_lowered  }
0x9b: {  	s7 =	simm.s32 $0x1BFF;
	s21 =	sshll.u32 s6, $0x1;
	s4 =	sadd.s32 s4, s20  }
0x9c: {  	s22 =	simm.s32 $0x0;
	s5 =	sshll.u32 s5, $0x1;
	s6 =	sadd.s32 s21, s4  }
0x9d: {  	[timem:s22], [sflag:s7] =	dma.local [hbm:s6], s5  }
0x9e: {  	_ =	swait.ge [sflag:s7], s5  }
0x9f: {  	s5 =	ssub.s32 $0x0, s5;
	[sflag:s7] =	ssyncset.done $0x0  }
0xa0: {  	[sflag:s7] =	ssyncadd.s32 s5;
	_ =	sdelay $0x1  }
0xa1: {  	s23 =	simm.s32 $0x1B8B  }
0xa2: {  	_ =	swait.ge [sflag:s23], $0x1  }
0xa3: {  	[sflag:s23] =	ssyncset.done $0x0  }
0xa4: {  	[sflag:s23] =	ssyncadd.s32 $0xFFFFFFFF  }
0xa5: {  	s5 =	sld [smem:$0x0]  }
0xa6: {  	s6 =	sand.u32 $0xFFFFFFFE, s1  }
0xa7: {  	p0 =	sne.s32 s1, s6  }
0xa8: {  	s6 =	sshll.u32 @p0 s6, $0xE  }
0xa9: {  	s6 =	sadd.s32 @p0 $0x11B8D, s6;
	s7 =	sshll.u32 @p0 s5, $0x11  }
0xaa: {  	s6 =	sor.u32 @p0 s7, s6  }
0xab: {  	[sflag:s6] =	ssyncadd.remote.s32 @p0 $0x1;
	_ =	sdelay $0x1  }
0xac: {  	s6 =	simm.s32 @p0 $0x1B8D  }
0xad: {  	_ =	swait.eq @p0 [sflag:s6], $0x1  }
0xae: {  	[sflag:s6] =	ssyncadd.s32 @p0 $0xFFFFFFFF  }
0xaf: {  	s7 =	sshll.u32 @!p0 s1, $0xE  }
0xb0: {  	s7 =	sor.u32 @!p0 $0x4000, s7;
	s6 =	simm.s32 @!p0 $0x1B8D  }
0xb1: {  	s5 =	sshll.u32 @!p0 s5, $0x11;
	s7 =	sadd.s32 @!p0 $0x11B8D, s7;
	_ =	swait.eq @!p0 [sflag:s6], $0x1  }
0xb2: {  	s5 =	sor.u32 @!p0 s5, s7;
	[sflag:s6] =	ssyncadd.s32 @!p0 $0xFFFFFFFF  }
0xb3: {  	s25 =	simm.s32 $0x1B8E;
	s24 =	sld [smem:$0x3FFE];
	[sflag:s5] =	ssyncadd.remote.s32 @!p0 $0x1  }
0xb4: {  	s26 =	simm.s32 $execute0_lowered;
	[smem:$0x3FD2] =	sst s25  }
0xb5: {  	s6 =	sshll.u32 s26, $0x1;
	_ =	strace $0x8000004F;
	[dreg:$0x1] =	wrdreg $0xFFFFFFFF  }
0xb6: {  	s28 =	simm.s32 $_size_execute0_lowered;
	s4 =	sadd.s32 s4, s6;
	[dreg:$0x0] =	wrdreg $0x0  }
0xb7: {  	s6 =	sshll.u32 s28, $0x1;
	[dreg:$0x2] =	wrdreg s4  }
0xb8: {  	[dreg:$0x3] =	wrdreg s6  }
0xb9: {  	[dreg:$0x4] =	wrdreg $0xC0  }
0xba: {  	_ =	task [dreg:s22], $0x5FFFF  }
0xbb: {  	[dreg:$0x1] =	wrdreg $0xFFFFFFFF  }
0xbc: {  	[dreg:$0x0] =	wrdreg $0x60  }
0xbd: {  	[dreg:$0x2] =	wrdreg s24  }
0xbe: {  	[dreg:$0x3] =	wrdreg s18  }
0xbf: {  	[dreg:$0x4] =	wrdreg $0x70000  }
0xc0: {  	[dreg:$0x5] =	wrdreg $0xC  }
0xc1: {  	_ =	task.clear_ibuf [dreg:s22], $0x6FFFF;
	_ =	strace $0x9000004F  }
0xc2: {  	s29 =	simm.s32 $0xC;
	_ =	strace $0x80000051  }
0xc3: {  	_ =	swait.ge [sflag:s29], $0x1  }
0xc4: {  	[sflag:s29] =	ssyncadd.s32 $0xFFFFFFFF  }
0xc5: {  	_ =	strace $0x90000051  }
0xc6: {  	_ =	sfence  }
0xc7: {  	s30 =	sld [smem:$0x0];
	_ =	sdelay $0x2  }
0xc8: {  	s31 =	sshll.u32 s1, $0xD;
	s1 =	sshrl.u32 s1, $0x2  }
0xc9: {  	s4 =	sand.u32 $0x4000, s31;
	s1 =	sadd.s32 s1, s30  }
0xca: {  	s0 =	sor.u32 s4, s0;
	s1 =	sshll.u32 s1, $0x11  }
0xcb: {  	s0 =	sor.u32 s1, s0  }
0xcc: {  	s0 =	sadd.s32 $0x8F2B, s0  }
0xcd: {  	[sflag:s0] =	ssyncadd.remote.s32 $0x1  }
0xce: {  	_ =	sfence.sel $0xFFFF  }
0xcf: {  	[dreg:$0x0] =	wrdreg $0xFFFFFFFF;
	(pc) =	sbr.abs _section_cstart, $3  }
0xd0: {  	[dreg:$0x1] =	wrdreg $0xFFFFFFFF  }
0xd1: {  	_ =	task.clear_ibuf [dreg:s22], $0x2FFFF;
	_ =	strace $0x9FFFFFFF  }
0xd2: {  	(tm) =	ssettm $0x7FFFFFFF  }
0xd3: {  	_ =	shalt  }
tec
execute0_lowered:
.L_overlay_start_1:
0x0: {  	(tag) =	ssettag $0x1  }
0x1: {  	s4 =	rddreg [dreg:$0x0]  }
0x2: {  	s5 =	rddreg [dreg:$0x1]  }
0x3: {  	s1 =	rddreg [dreg:$0x2];
	s2 =	srdreg.scid  }
0x4: {  	s0 =	rddreg [dreg:$0x3];
	s3 =	simm.s32 $0x0;
	s17 =	simm.s32 $0x1  }
0x5: {  	s18 =	simm.s32 $0x50;
	s19 =	simm.s32 $0x2;
	s20 =	simm.s32 $0xE00  }
0x6: {  	s21 =	simm.s32 $0xE80;
	s22 =	simm.s32 $0x6000;
	s23 =	simm.s32 $0x0  }
0x7: {  	s9 =	sand.u32 $0x1, s2;
	[smem:$0x7FF] =	sst s3;
	s2 =	stileid.u32  }
0x8: {  	s10 =	sadd.s32 $0x3A3600, s4;
	s6 =	sshll.u32 s9, $0x4;
	_ =	strace $0x80000050  }
0x9: {  	s8 =	sshll.u32 s2, $0x9;
	s11 =	ssub.s32 $0x2, s9;
	s25 =	sshll.u32 s2, $0xC  }
0xa: {  	s14 =	sshll.u32 s2, $0x6;
	s28 =	smul.u32 $0x96000, s9;
	s29 =	sshll.u32 s9, $0xD  }
0xb: {  	s16 =	smul.u32 $0x9600, s2;
	s6 =	sor.u32 s2, s6;
	s12 =	sadd.s32 s8, s4  }
0xc: {  	s24 =	sshrl.u32 s11, $0x1;
	s5 =	sadd.s32 s5, s8;
	s13 =	smul.u32 $0x9600, s6  }
0xd: {  	s7 =	sshll.u32 s6, $0x9;
	s11 =	ssub.s32 s11, s24;
	s15 =	smul.u32 $0x4B000, s6  }
0xe: {  	s6 =	sor.u32 $0x1C03, s14;
	s12 =	sadd.s32 s29, s12;
	s30 =	sadd.s32 s28, s10  }
0xf: {  	s14 =	simm.s32 $0x3;
	s7 =	sadd.s32 s7, s4;
	s4 =	sadd.s32 s25, s1  }
0x10: {  	s11 =	smax.u32 s11, $0x1;
	s31 =	sadd.s32 s16, s30;
	s16 =	simm.s32 $0x3800  }
0x11: {  	s7 =	sadd.s32 $0x2A00, s7;
	s8 =	sadd.s32 s10, s13;
	s26 =	sshrl.u32 s15, $0x3  }
0x12: {  	s15 =	simm.s32 $0x1000;
	s13 =	sadd.s32 s10, s26;
	s10 =	sadd.s32 $0x4CF600, s12  }
0x13: {  	s12 =	sadd.s32 $0xF00, s31;
	s9 =	sadd.s32 $0x500, s13;
	s13 =	sshrl.u32 s4, $0x3  }
.LBB2_1:
0x14: {  	[spmem:s13], [sflag:s6] =	dma.local [hbm:s5], $0x200  }
0x15: {  	_ =	swait.ge [sflag:s14], $0x200  }
0x16: {  	[sflag:s14] =	ssyncset.done $0x0  }
0x17: {  	[sflag:s14] =	ssyncadd.s32 $0xFFFFFE00  }
0x18: {  	[tilespmem:s3], [sflag:$0x3] =	stream.linear.gather [hbm4b:s7+s3], $0xF00, $0x38;
	[tilespmem:$0x8000] =	vst v63  }
0x19: {  	_ =	swait.ge [sflag:s14], $0xF00  }
0x1a: {  	[sflag:s14] =	ssyncset.done $0x0  }
0x1b: {  	[sflag:s14] =	ssyncadd.s32 $0xFFFFF100  }
0x1c: {  	[bflag:$0x0] =	sbarrier.arrive $0xFFFF  }
0x1d: {  	[tilespmem:s15], [sflag:$0x1] =	stream.linear.gather [hbm4b:s8+s3], $0x2800, $0x38;
	[tilespmem:$0x8000] =	vst v63  }
0x1e: {  	_ = 	snop  }
0x1f: {  	[tilespmem:s16], [sflag:$0x2] =	stream.linear.gather [hbm4b:s9+s3], $0x2800, $0x38;
	[tilespmem:$0x8000] =	vst v63  }
0x20: {  	_ =	swait.ge [sflag:s17], $0x2800  }
0x21: {  	[sflag:s17] =	ssyncset.done $0x0  }
0x22: {  	s24 =	simm.s32 $0x0;
	[sflag:s17] =	ssyncadd.s32 $0xFFFFD800  }
0x23: {  	[spmem:s1] =	stream.indirect.scatter.add.f32 [tilespmem:s15], [sflag:$0x3], $0x80, s24, s18, $0xb8;
	[tilespmem:$0x8000] =	vst v63  }
0x24: {  	_ =	swait.ge [sflag:s14], $0x2800  }
0x25: {  	[sflag:s14] =	ssyncset.done $0x0  }
0x26: {  	s30 =	sadd.s32 $0xFFFFFB00, s12;
	[sflag:s14] =	ssyncadd.s32 $0xFFFFD800  }
0x27: {  	[tilespmem:s15], [sflag:$0x1] =	stream.linear.gather [hbm4b:s30+s3], $0x2800, $0x38;
	[tilespmem:$0x8000] =	vst v63  }
0x28: {  	_ =	swait.ge [sflag:s19], $0x2800  }
0x29: {  	[sflag:s19] =	ssyncset.done $0x0  }
0x2a: {  	s31 =	simm.s32 $0x80;
	[sflag:s19] =	ssyncadd.s32 $0xFFFFD800  }
0x2b: {  	[spmem:s1] =	stream.indirect.scatter.add.f32 [tilespmem:s16], [sflag:$0x3], $0x80, s31, s18, $0xb8;
	[tilespmem:$0x8000] =	vst v63  }
0x2c: {  	_ =	swait.ge [sflag:s14], $0x2800  }
0x2d: {  	s25 =	sadd.s32 $0xA00, s12;
	[sflag:s14] =	ssyncset.done $0x0  }
0x2e: {  	s26 =	smov.u32 s12;
	s24 =	simm.s32 $0x400;
	[sflag:s14] =	ssyncadd.s32 $0xFFFFD800  }
.LBB2_2:
0x2f: {  	[tilespmem:s16], [sflag:$0x2] =	stream.linear.gather [hbm4b:s26+s3], $0x2800, $0x38;
	[tilespmem:$0x8000] =	vst v63  }
0x30: {  	s28 =	smov.u32 s24;
	s26 =	smov.u32 s25  }
0x31: {  	p0 =	sne.s32 s24, $0x3400;
	s24 =	sadd.s32 $0x400, s24;
	_ =	swait.ge [sflag:s17], $0x2800  }
0x32: {  	[sflag:s17] =	ssyncset.done $0x0  }
0x33: {  	s28 =	sshra.s32 s28, $0x2;
	[sflag:s17] =	ssyncadd.s32 $0xFFFFD800  }
0x34: {  	[spmem:s1] =	stream.indirect.scatter.add.f32 [tilespmem:s15], [sflag:$0x3], $0x80, s28, s18, $0xb8;
	[tilespmem:$0x8000] =	vst v63  }
0x35: {  	_ =	swait.ge [sflag:s14], $0x2800  }
0x36: {  	[sflag:s14] =	ssyncset.done $0x0  }
0x37: {  	s29 =	sadd.s32 $0xFFFFFB00, s25;
	[sflag:s14] =	ssyncadd.s32 $0xFFFFD800  }
0x38: {  	[tilespmem:s15], [sflag:$0x1] =	stream.linear.gather [hbm4b:s29+s3], $0x2800, $0x38;
	[tilespmem:$0x8000] =	vst v63  }
0x39: {  	_ =	swait.ge [sflag:s19], $0x2800  }
0x3a: {  	[sflag:s19] =	ssyncset.done $0x0  }
.Ltmp0:
0x3b: {  	s28 =	sadd.s32 $0x80, s28;
	[sflag:s19] =	ssyncadd.s32 $0xFFFFD800;
	(pc) =	sbr.rel @p0 .LBB2_2-.Ltmp0, $4  }
0x3c: {  	[spmem:s1] =	stream.indirect.scatter.add.f32 [tilespmem:s16], [sflag:$0x3], $0x80, s28, s18, $0xb8;
	[tilespmem:$0x8000] =	vst v63  }
0x3d: {  	_ =	swait.ge [sflag:s14], $0x2800  }
0x3e: {  	[sflag:s14] =	ssyncset.done $0x0  }
0x3f: {  	s25 =	sadd.s32 $0xA00, s25;
	[sflag:s14] =	ssyncadd.s32 $0xFFFFD800  }
0x40: {  	[tilespmem:s16], [sflag:$0x2] =	stream.linear.gather [hbm4b:s26+s3], $0x2800, $0x38;
	[tilespmem:$0x8000] =	vst v63  }
0x41: {  	_ =	swait.ge [sflag:s17], $0x2800  }
0x42: {  	[sflag:s17] =	ssyncset.done $0x0  }
0x43: {  	[sflag:s17] =	ssyncadd.s32 $0xFFFFD800  }
0x44: {  	[spmem:s1] =	stream.indirect.scatter.add.f32 [tilespmem:s15], [sflag:$0x3], $0x80, s20, s18, $0xb8;
	[tilespmem:$0x8000] =	vst v63  }
0x45: {  	_ =	swait.ge [sflag:s14], $0x2800  }
0x46: {  	[sflag:s14] =	ssyncset.done $0x0  }
0x47: {  	[sflag:s14] =	ssyncadd.s32 $0xFFFFD800  }
0x48: {  	_ =	swait.ge [sflag:s19], $0x2800  }
0x49: {  	[sflag:s19] =	ssyncset.done $0x0  }
0x4a: {  	[sflag:s19] =	ssyncadd.s32 $0xFFFFD800  }
0x4b: {  	[spmem:s1] =	stream.indirect.scatter.add.f32 [tilespmem:s16], [sflag:$0x3], $0x80, s21, s18, $0xb8;
	[tilespmem:$0x8000] =	vst v63  }
0x4c: {  	_ =	swait.ge [sflag:s14], $0x2800  }
0x4d: {  	[sflag:s14] =	ssyncset.done $0x0  }
0x4e: {  	[sflag:s14] =	ssyncadd.s32 $0xFFFFD800  }
0x4f: {  	[bflag:$0x0] =	sbarrier.arrive $0xFFFF  }
0x50: {  	[tilespmem:s22], [sflag:$0x3] =	stream.linear.gather [spmem:s4], $0x1000, $0x38;
	[tilespmem:$0x8000] =	vst v63  }
0x51: {  	s23 =	sadd.s32 $0x1, s23;
	_ =	swait.ge [sflag:s14], $0x1000  }
0x52: {  	p0 =	sne.s32 s23, s11;
	[sflag:s14] =	ssyncset.done $0x0  }
.Ltmp1:
0x53: {  	[sflag:s14] =	ssyncadd.s32 $0xFFFFF000;
	(pc) =	sbr.rel @p0 .LBB2_1-.Ltmp1, $4  }
0x54: {  	[hbm4b:s10+s3] =	stream.linear.scatter [tilespmem:s22], [sflag:$0x3], $0x1000, $0x38;
	[tilespmem:$0x8000] =	vst v63  }
0x55: {  	_ =	swait.ge [sflag:s14], $0x1000  }
0x56: {  	[sflag:s14] =	ssyncset.done $0x0  }
0x57: {  	[sflag:s14] =	ssyncadd.s32 $0xFFFFF000  }
0x58: {  	_ =	sfence.sel $0x180000  }
0x59: {  	[bflag:$0x0] =	sbarrier.arrive $0xFFFF  }
0x5a: {  	p0 =	sne.s32 s2, $0x0;
	_ =	strace $0x90000050  }
0x5b: {  	s0 =	sadd.s32 @!p0 $0x100000, s0;
	[bflag:$0x2] =	sbarrier.arrive $0xFFFF  }
0x5c: {  	[sflag:s0] =	ssyncadd.tile.s32 @!p0 $0x1;
	_ =	shalt  }
.Lfunc_end2:
_tile_overlayer_lowered:
.L_overlay_start_2:
0x5d: {  	(tag) =	ssettag $0x2  }
0x5e: {  	s0 =	rddreg [dreg:$0x0];
	s2 =	stileid.u32  }
0x5f: {  	s1 =	rddreg [dreg:$0x1];
	p0 =	sne.s32 s2, $0x0  }
0x60: {  	s3 =	rddreg [dreg:$0x2];
	[bflag:$0x3] =	sbarrier.arrive $0xFFFF;
	s2 =	simm.s32 @!p0 $0x1C03  }
0x61: {  	[timem:s3], [sflag:s2] =	dma.local @!p0 [hbm:s0], s1  }
0x62: {  	s0 =	simm.s32 @!p0 $0x3  }
0x63: {  	_ =	swait.ge @!p0 [sflag:s0], s1  }
0x64: {  	s1 =	ssub.s32 @!p0 $0x0, s1;
	[sflag:s0] =	ssyncset.done @!p0 $0x0  }
0x65: {  	[sflag:s0] =	ssyncadd.s32 @!p0 s1  }
0x66: {  	[bflag:$0x3] =	sbarrier.arrive $0xFFFF  }
0x67: {  	_ =	shalt  }

// kernel: kernel.25.cloned.1.call-start
scs
__scs_entry_jumppad:
0x0: {  	(pc) =	sbr.rel $0x88, $3  }
0x1: {  	(tag) =	ssettag $0x0;
	lr =	simm.s32 $0x1  }
0x2: {  	[smem:$0x3F9D] =	sst lr;
	_ =	strace $0xD0000000  }
0x3: {  	_ = 	snop  }
0x4: {  	_ = 	snop  }
0x5: {  	_ = 	snop  }
0x6: {  	_ = 	snop  }
0x7: {  	_ = 	snop  }
__scs_overlays_trampoline_lowered:
0x8: {  	[smem:$0x3FAC] =	sst s0  }
0x9: {  	[smem:$0x3FAD] =	sst s1  }
0xa: {  	[smem:$0x3FAE] =	sst s2  }
0xb: {  	[smem:$0x3FAF] =	sst s3  }
0xc: {  	[smem:$0x3FB0] =	sst s4  }
0xd: {  	[smem:$0x3FB1] =	sst s5  }
0xe: {  	[smem:$0x3FB2] =	sst s6  }
0xf: {  	[smem:$0x3FB3] =	sst s7  }
0x10: {  	[smem:$0x3FB4] =	sst s8  }
0x11: {  	[smem:$0x3FB5] =	sst s9;
	s0 =	simm.s32 @!p0 $0x0  }
0x12: {  	s1 =	sld [smem:$0x3F9B];
	s0 =	simm.s32 @p0 $0x1  }
0x13: {  	[smem:$0x3FB6] =	sst s0;
	s0 =	simm.s32 @!p1 $0x0  }
0x14: {  	s2 =	sld [smem:$0x3F9A];
	s0 =	simm.s32 @p1 $0x1  }
0x15: {  	[smem:$0x3FB7] =	sst s0;
	s0 =	simm.s32 @!p2 $0x0  }
0x16: {  	s3 =	sld [smem:$0x3FDB];
	s0 =	simm.s32 @p2 $0x1  }
0x17: {  	s4 =	simm.s32 $0x1BF5;
	[smem:$0x3FB9] =	sst s0  }
0x18: {  	s0 =	sld [smem:$0x3F9C];
	_ =	swait.ge [sflag:s4], $0x0  }
0x19: {  	s7 =	sld [smem:$0x3F9D]  }
0x1a: {  	s8 =	sadd.s32 $0xFFFFE003, lr  }
0x1b: {  	s9 =	sadd.s32 $0xFFFFFEF7, lr;
	s5 =	simm.s32 $0xFFFFFFFF;
	p2 =	slt.u32 s8, $0xFFFFF086  }
0x1c: {  	p1 =	slt.u32 s9, $0xF7A;
	s5 =	simm.s32 @!p2 $0x0  }
0x1d: {  	s5 =	simm.s32 @p1 $0x1;
	p0 =	seq.s32 s7, s2  }
0x1e: {  	s7 =	smul.u32 @!p0 $0xF7A, s2;
	p2 =	seq.s32 @!p0 s5, $0x0  }
0x1f: {  	s9 =	smul.u32 $0xF7A, s1;
	s8 =	simm.s32 @!p0 $0x1BF5;
	p2 =	por !p2, p0  }
0x20: {  	[sflag:s8] =	ssyncset.s32 @!p0 $0xFFFFF086;
	s6 =	sadd.s32 @!p0 s3, s7;
	s7 =	simm.s32 @!p0 $0x108  }
0x21: {  	s3 =	sadd.s32 s3, s9;
	s6 =	sadd.s32 @!p0 $0x88, s6;
	s7 =	simm.s32 @p2 $0x1082  }
0x22: {  	[simem:s7], [sflag:s8] =	dma.local @!p0 [hbm:s6], $0xF7A  }
0x23: {  	s9 =	sor.u32 $0xD0000000, s2;
	s6 =	simm.s32 $0x108;
	_ =	swait.ge @!p0 [sflag:s8], $0x0  }
0x24: {  	s3 =	sadd.s32 $0x88, s3;
	s6 =	simm.s32 @!p1 $0x1082;
	[sflag:s4] =	ssyncset.s32 $0xFFFFF086  }
0x25: {  	[simem:s6], [sflag:s4] =	dma.local [hbm:s3], $0xF7A  }
0x26: {  	[smem:$0x3F9D] =	sst s1;
	(tag) =	ssettag s2;
	_ =	strace s9  }
0x27: {  	s1 =	sld [smem:$0x3FAD]  }
0x28: {  	s2 =	sld [smem:$0x3FAE]  }
0x29: {  	s4 =	sld [smem:$0x3FB0]  }
0x2a: {  	p0 =	seq.s32 s5, $0x0;
	s5 =	sld [smem:$0x3FB1]  }
0x2b: {  	s6 =	sld [smem:$0x3FB2]  }
0x2c: {  	s7 =	sld [smem:$0x3FB3]  }
0x2d: {  	s3 =	simm.s32 $0x108;
	s8 =	sld [smem:$0x3FB4]  }
0x2e: {  	s3 =	simm.s32 @!p0 $0x1082;
	s9 =	sld [smem:$0x3FB5]  }
0x2f: {  	lr =	sadd.s32 s0, s3;
	s0 =	sld [smem:$0x3FAC]  }
0x30: {  	s3 =	sld [smem:$0x3FAF]  }
0x31: {  	[smem:$0x3FB8] =	sst s10  }
0x32: {  	s10 =	sld [smem:$0x3FB6];
	_ =	sdelay $0x3  }
0x33: {  	p0 =	seq.s32 s10, $0x1;
	s10 =	sld [smem:$0x3FB8];
	_ =	sdelay $0x3  }
0x34: {  	[smem:$0x3FB8] =	sst s10  }
0x35: {  	s10 =	sld [smem:$0x3FB7];
	_ =	sdelay $0x3  }
0x36: {  	p1 =	seq.s32 s10, $0x1;
	s10 =	sld [smem:$0x3FB8];
	_ =	sdelay $0x3  }
0x37: {  	[smem:$0x3FB8] =	sst s10  }
0x38: {  	s10 =	sld [smem:$0x3FB9]  }
0x39: {  	_ = 	snop;
	(pc) =	sbr.ind lr, $3  }
0x3a: {  	_ = 	snop  }
0x3b: {  	_ = 	snop  }
0x3c: {  	p2 =	seq.s32 s10, $0x1;
	s10 =	sld [smem:$0x3FB8]  }
0x3d: {  	_ =	shalt  }
0x3e: {  	_ =	shalt  }
0x3f: {  	_ =	shalt  }
0x40: {  	_ =	shalt  }
0x41: {  	_ =	shalt  }
0x42: {  	_ =	shalt  }
0x43: {  	_ =	shalt  }
0x44: {  	_ =	shalt  }
0x45: {  	_ =	shalt  }
0x46: {  	_ =	shalt  }
0x47: {  	_ =	shalt  }
0x48: {  	_ =	shalt  }
0x49: {  	_ =	shalt  }
0x4a: {  	_ =	shalt  }
0x4b: {  	_ =	shalt  }
0x4c: {  	_ =	shalt  }
0x4d: {  	_ =	shalt  }
0x4e: {  	_ =	shalt  }
0x4f: {  	_ =	shalt  }
0x50: {  	_ =	shalt  }
0x51: {  	_ =	shalt  }
0x52: {  	_ =	shalt  }
0x53: {  	_ =	shalt  }
0x54: {  	_ =	shalt  }
0x55: {  	_ =	shalt  }
0x56: {  	_ =	shalt  }
0x57: {  	_ =	shalt  }
0x58: {  	_ =	shalt  }
0x59: {  	_ =	shalt  }
0x5a: {  	_ =	shalt  }
0x5b: {  	_ =	shalt  }
0x5c: {  	_ =	shalt  }
0x5d: {  	_ =	shalt  }
0x5e: {  	_ =	shalt  }
0x5f: {  	_ =	shalt  }
0x60: {  	_ =	shalt  }
0x61: {  	_ =	shalt  }
0x62: {  	_ =	shalt  }
0x63: {  	_ =	shalt  }
0x64: {  	_ =	shalt  }
0x65: {  	_ =	shalt  }
0x66: {  	_ =	shalt  }
0x67: {  	_ =	shalt  }
0x68: {  	_ =	shalt  }
0x69: {  	_ =	shalt  }
0x6a: {  	_ =	shalt  }
0x6b: {  	_ =	shalt  }
0x6c: {  	_ =	shalt  }
0x6d: {  	_ =	shalt  }
0x6e: {  	_ =	shalt  }
0x6f: {  	_ =	shalt  }
0x70: {  	_ =	shalt  }
0x71: {  	_ =	shalt  }
0x72: {  	_ =	shalt  }
0x73: {  	_ =	shalt  }
0x74: {  	_ =	shalt  }
0x75: {  	_ =	shalt  }
0x76: {  	_ =	shalt  }
0x77: {  	_ =	shalt  }
0x78: {  	_ =	shalt  }
0x79: {  	_ =	shalt  }
0x7a: {  	_ =	shalt  }
0x7b: {  	_ =	shalt  }
0x7c: {  	_ =	shalt  }
0x7d: {  	_ =	shalt  }
0x7e: {  	_ =	shalt  }
0x7f: {  	_ =	shalt  }
0x80: {  	_ =	shalt  }
0x81: {  	_ =	shalt  }
0x82: {  	_ =	shalt  }
0x83: {  	_ =	shalt  }
0x84: {  	_ =	shalt  }
0x85: {  	_ =	shalt  }
0x86: {  	_ =	shalt  }
0x87: {  	_ =	shalt  }
.Lfunc_end0:
.L_simem_size_0:
called_computation.4_lowered:
.L_overlay_start_0:
0x88: {  	s2 =	sld [smem:$0x3FD9]  }
0x89: {  	s3 =	sld [smem:$0x3FFE];
	_ =	sdelay $0x1  }
0x8a: {  	s1 =	srdreg.scid  }
0x8b: {  	s0 =	sand.u32 $0x1, s1  }
0x8c: {  	s17 =	sshll.u32 s0, $0xA;
	s2 =	sadd.s32 s3, s2  }
0x8d: {  	s2 =	sadd.s32 s2, s17  }
0x8e: {  	[smem:$0x3FC4] =	sst s2  }
0x8f: {  	_ = 	snop  }
0x90: {  	s18 =	sld [smem:$0x3FD0];
	(tm) =	ssettm $0x1  }
0x91: {  	s19 =	sld [smem:$0x3FFB];
	_ =	sdelay $0x3  }
0x92: {  	_ =	strace s19  }
0x93: {  	s2 =	sld [smem:$0x3FFC];
	_ =	sdelay $0x3  }
0x94: {  	_ =	strace s2  }
0x95: {  	s2 =	sld [smem:$0x3FFD];
	_ =	sdelay $0x3  }
0x96: {  	_ =	strace s2  }
0x97: {  	_ =	strace $0x8FFFFFFF  }
0x98: {  	s20 =	sld [smem:$0x3FDB];
	_ =	sdelay $0x1  }
0x99: {  	s4 =	simm.s32 $_scs_section_size  }
0x9a: {  	s5 =	simm.s32 $_size__tile_overlayer_lowered;
	s6 =	simm.s32 $_tile_overlayer_lowered  }
0x9b: {  	s7 =	simm.s32 $0x1BFF;
	s21 =	sshll.u32 s6, $0x1;
	s4 =	sadd.s32 s4, s20  }
0x9c: {  	s22 =	simm.s32 $0x0;
	s5 =	sshll.u32 s5, $0x1;
	s6 =	sadd.s32 s21, s4  }
0x9d: {  	[timem:s22], [sflag:s7] =	dma.local [hbm:s6], s5  }
0x9e: {  	_ =	swait.ge [sflag:s7], s5  }
0x9f: {  	s5 =	ssub.s32 $0x0, s5;
	[sflag:s7] =	ssyncset.done $0x0  }
0xa0: {  	[sflag:s7] =	ssyncadd.s32 s5;
	_ =	sdelay $0x1  }
0xa1: {  	s23 =	simm.s32 $0x1B8B  }
0xa2: {  	_ =	swait.ge [sflag:s23], $0x1  }
0xa3: {  	[sflag:s23] =	ssyncset.done $0x0  }
0xa4: {  	[sflag:s23] =	ssyncadd.s32 $0xFFFFFFFF  }
0xa5: {  	s5 =	sld [smem:$0x0]  }
0xa6: {  	s6 =	sand.u32 $0xFFFFFFFE, s1  }
0xa7: {  	p0 =	sne.s32 s1, s6  }
0xa8: {  	s6 =	sshll.u32 @p0 s6, $0xE  }
0xa9: {  	s6 =	sadd.s32 @p0 $0x11B8D, s6;
	s7 =	sshll.u32 @p0 s5, $0x11  }
0xaa: {  	s6 =	sor.u32 @p0 s7, s6  }
0xab: {  	[sflag:s6] =	ssyncadd.remote.s32 @p0 $0x1;
	_ =	sdelay $0x1  }
0xac: {  	s6 =	simm.s32 @p0 $0x1B8D  }
0xad: {  	_ =	swait.eq @p0 [sflag:s6], $0x1  }
0xae: {  	[sflag:s6] =	ssyncadd.s32 @p0 $0xFFFFFFFF  }
0xaf: {  	s7 =	sshll.u32 @!p0 s1, $0xE  }
0xb0: {  	s7 =	sor.u32 @!p0 $0x4000, s7;
	s6 =	simm.s32 @!p0 $0x1B8D  }
0xb1: {  	s5 =	sshll.u32 @!p0 s5, $0x11;
	s7 =	sadd.s32 @!p0 $0x11B8D, s7;
	_ =	swait.eq @!p0 [sflag:s6], $0x1  }
0xb2: {  	s5 =	sor.u32 @!p0 s5, s7;
	[sflag:s6] =	ssyncadd.s32 @!p0 $0xFFFFFFFF  }
0xb3: {  	s25 =	simm.s32 $0x1B8E;
	s24 =	sld [smem:$0x3FFE];
	[sflag:s5] =	ssyncadd.remote.s32 @!p0 $0x1  }
0xb4: {  	s26 =	simm.s32 $execute0_lowered;
	[smem:$0x3FD2] =	sst s25  }
0xb5: {  	s6 =	sshll.u32 s26, $0x1;
	_ =	strace $0x80000052;
	[dreg:$0x1] =	wrdreg $0xFFFFFFFF  }
0xb6: {  	s28 =	simm.s32 $_size_execute0_lowered;
	s4 =	sadd.s32 s4, s6;
	[dreg:$0x0] =	wrdreg $0x0  }
0xb7: {  	s6 =	sshll.u32 s28, $0x1;
	[dreg:$0x2] =	wrdreg s4  }
0xb8: {  	[dreg:$0x3] =	wrdreg s6  }
0xb9: {  	[dreg:$0x4] =	wrdreg $0xC0  }
0xba: {  	_ =	task [dreg:s22], $0x5FFFF  }
0xbb: {  	[dreg:$0x1] =	wrdreg $0xFFFFFFFF  }
0xbc: {  	[dreg:$0x0] =	wrdreg $0x60  }
0xbd: {  	[dreg:$0x2] =	wrdreg s24  }
0xbe: {  	[dreg:$0x3] =	wrdreg s18  }
0xbf: {  	[dreg:$0x4] =	wrdreg $0x64000  }
0xc0: {  	[dreg:$0x5] =	wrdreg $0xD  }
0xc1: {  	_ =	task.clear_ibuf [dreg:s22], $0x6FFFF;
	_ =	strace $0x90000052  }
0xc2: {  	s29 =	simm.s32 $0xD;
	_ =	strace $0x80000054  }
0xc3: {  	_ =	swait.ge [sflag:s29], $0x1  }
0xc4: {  	[sflag:s29] =	ssyncadd.s32 $0xFFFFFFFF  }
0xc5: {  	_ =	strace $0x90000054  }
0xc6: {  	_ =	sfence  }
0xc7: {  	s30 =	sld [smem:$0x0];
	_ =	sdelay $0x2  }
0xc8: {  	s31 =	sshll.u32 s1, $0xD;
	s1 =	sshrl.u32 s1, $0x2  }
0xc9: {  	s4 =	sand.u32 $0x4000, s31;
	s1 =	sadd.s32 s1, s30  }
0xca: {  	s0 =	sor.u32 s4, s0;
	s1 =	sshll.u32 s1, $0x11  }
0xcb: {  	s0 =	sor.u32 s1, s0  }
0xcc: {  	s0 =	sadd.s32 $0x8F2B, s0  }
0xcd: {  	[sflag:s0] =	ssyncadd.remote.s32 $0x1  }
0xce: {  	_ =	sfence.sel $0xFFFF  }
0xcf: {  	[dreg:$0x0] =	wrdreg $0xFFFFFFFF;
	(pc) =	sbr.abs _section_cstart, $3  }
0xd0: {  	[dreg:$0x1] =	wrdreg $0xFFFFFFFF  }
0xd1: {  	_ =	task.clear_ibuf [dreg:s22], $0x2FFFF;
	_ =	strace $0x9FFFFFFF  }
0xd2: {  	(tm) =	ssettm $0x7FFFFFFF  }
0xd3: {  	_ =	shalt  }
tec
execute0_lowered:
.L_overlay_start_1:
0x0: {  	(tag) =	ssettag $0x1  }
0x1: {  	s25 =	rddreg [dreg:$0x0]  }
0x2: {  	s5 =	rddreg [dreg:$0x1]  }
0x3: {  	s1 =	rddreg [dreg:$0x2]  }
0x4: {  	s0 =	rddreg [dreg:$0x3];
	s3 =	simm.s32 $0x0  }
0x5: {  	s2 =	srdreg.scid;
	s7 =	simm.s32 $0x3;
	[smem:$0x7FF] =	sst s3  }
0x6: {  	s26 =	sand.u32 $0x1, s2;
	s2 =	stileid.u32;
	_ =	strace $0x80000053  }
0x7: {  	s4 =	sshll.u32 s26, $0x4;
	s28 =	sshll.u32 s2, $0x9;
	s24 =	sshll.u32 s2, $0xC  }
0x8: {  	s6 =	sshll.u32 s2, $0x6;
	s10 =	sor.u32 s2, s4;
	s4 =	sadd.s32 s24, s1  }
0x9: {  	s5 =	sadd.s32 s5, s28;
	s6 =	sor.u32 $0x1C03, s6;
	s8 =	sshrl.u32 s4, $0x3  }
0xa: {  	[spmem:s8], [sflag:s6] =	dma.local [hbm:s5], $0x200  }
0xb: {  	s9 =	sshll.u32 s10, $0x7;
	_ =	swait.ge [sflag:s7], $0x200  }
0xc: {  	s9 =	sadd.s32 s9, s25;
	[sflag:s7] =	ssyncset.done $0x0  }
0xd: {  	s11 =	smul.u32 $0x1900, s10;
	s9 =	sadd.s32 $0x505600, s9;
	[sflag:s7] =	ssyncadd.s32 $0xFFFFFE00  }
0xe: {  	[tilespmem:s3], [sflag:$0x3] =	stream.linear.gather [hbm4b:s9+s3], $0x280, $0x38;
	[tilespmem:$0x7400] =	vst v63  }
0xf: {  	s12 =	smul.u32 $0xC800, s10;
	_ =	swait.ge [sflag:s7], $0x280  }
0x10: {  	s13 =	sadd.s32 $0x4D3600, s25;
	[sflag:s7] =	ssyncset.done $0x0  }
0x11: {  	s10 =	sadd.s32 s13, s11;
	s29 =	sshrl.u32 s12, $0x3;
	[sflag:s7] =	ssyncadd.s32 $0xFFFFFD80  }
0x12: {  	s11 =	simm.s32 $0x400;
	s12 =	sadd.s32 s13, s29;
	[bflag:$0x0] =	sbarrier.arrive $0xFFFF  }
0x13: {  	[tilespmem:s11], [sflag:$0x1] =	stream.linear.gather [hbm4b:s10+s3], $0x2800, $0x38;
	[tilespmem:$0x7400] =	vst v63  }
0x14: {  	s14 =	simm.s32 $0x1;
	s13 =	simm.s32 $0x2C00;
	s12 =	sadd.s32 $0x500, s12  }
0x15: {  	[tilespmem:s13], [sflag:$0x2] =	stream.linear.gather [hbm4b:s12+s3], $0x2800, $0x38;
	[tilespmem:$0x7400] =	vst v63  }
0x16: {  	_ =	swait.ge [sflag:s14], $0x2800  }
0x17: {  	[sflag:s14] =	ssyncset.done $0x0  }
0x18: {  	s15 =	simm.s32 $0x50;
	[sflag:s14] =	ssyncadd.s32 $0xFFFFD800  }
0x19: {  	[spmem:s1] =	stream.indirect.scatter.add.f32 [tilespmem:s11], [sflag:$0x3], $0x80, s3, s15, $0xb8;
	[tilespmem:$0x7400] =	vst v63  }
0x1a: {  	_ =	swait.ge [sflag:s7], $0x2800  }
0x1b: {  	[sflag:s7] =	ssyncset.done $0x0  }
0x1c: {  	s17 =	simm.s32 $0x2;
	s16 =	sadd.s32 $0xA00, s10;
	[sflag:s7] =	ssyncadd.s32 $0xFFFFD800  }
0x1d: {  	[tilespmem:s11], [sflag:$0x1] =	stream.linear.gather [hbm4b:s16+s3], $0x2800, $0x38;
	[tilespmem:$0x7400] =	vst v63  }
0x1e: {  	_ =	swait.ge [sflag:s17], $0x2800  }
0x1f: {  	[sflag:s17] =	ssyncset.done $0x0  }
0x20: {  	s18 =	simm.s32 $0x80;
	[sflag:s17] =	ssyncadd.s32 $0xFFFFD800  }
0x21: {  	[spmem:s1] =	stream.indirect.scatter.add.f32 [tilespmem:s13], [sflag:$0x3], $0x80, s18, s15, $0xb8;
	[tilespmem:$0x7400] =	vst v63  }
0x22: {  	_ =	swait.ge [sflag:s7], $0x2800  }
0x23: {  	[sflag:s7] =	ssyncset.done $0x0  }
0x24: {  	s19 =	sadd.s32 $0xF00, s10;
	[sflag:s7] =	ssyncadd.s32 $0xFFFFD800  }
0x25: {  	[tilespmem:s13], [sflag:$0x2] =	stream.linear.gather [hbm4b:s19+s3], $0x2800, $0x38;
	[tilespmem:$0x7400] =	vst v63  }
0x26: {  	_ =	swait.ge [sflag:s14], $0x2800  }
0x27: {  	[sflag:s14] =	ssyncset.done $0x0  }
0x28: {  	s20 =	simm.s32 $0x100;
	[sflag:s14] =	ssyncadd.s32 $0xFFFFD800  }
0x29: {  	[spmem:s1] =	stream.indirect.scatter.add.f32 [tilespmem:s11], [sflag:$0x3], $0x80, s20, s15, $0xb8;
	[tilespmem:$0x7400] =	vst v63  }
0x2a: {  	_ =	swait.ge [sflag:s7], $0x2800  }
0x2b: {  	[sflag:s7] =	ssyncset.done $0x0  }
0x2c: {  	s21 =	sadd.s32 $0x1400, s10;
	[sflag:s7] =	ssyncadd.s32 $0xFFFFD800  }
0x2d: {  	[tilespmem:s11], [sflag:$0x1] =	stream.linear.gather [hbm4b:s21+s3], $0x2800, $0x38;
	[tilespmem:$0x7400] =	vst v63  }
0x2e: {  	_ =	swait.ge [sflag:s17], $0x2800  }
0x2f: {  	[sflag:s17] =	ssyncset.done $0x0  }
0x30: {  	s22 =	simm.s32 $0x180;
	[sflag:s17] =	ssyncadd.s32 $0xFFFFD800  }
0x31: {  	[spmem:s1] =	stream.indirect.scatter.add.f32 [tilespmem:s13], [sflag:$0x3], $0x80, s22, s15, $0xb8;
	[tilespmem:$0x7400] =	vst v63  }
0x32: {  	_ =	swait.ge [sflag:s7], $0x2800  }
0x33: {  	[sflag:s7] =	ssyncset.done $0x0  }
0x34: {  	[sflag:s7] =	ssyncadd.s32 $0xFFFFD800  }
0x35: {  	_ =	swait.ge [sflag:s14], $0x2800  }
0x36: {  	[sflag:s14] =	ssyncset.done $0x0  }
0x37: {  	s23 =	simm.s32 $0x200;
	[sflag:s14] =	ssyncadd.s32 $0xFFFFD800  }
0x38: {  	[spmem:s1] =	stream.indirect.scatter.add.f32 [tilespmem:s11], [sflag:$0x3], $0x80, s23, s15, $0xb8;
	[tilespmem:$0x7400] =	vst v63  }
0x39: {  	s30 =	ssub.s32 $0x2, s26;
	_ =	swait.ge [sflag:s7], $0x2800  }
0x3a: {  	s29 =	sshrl.u32 s30, $0x1;
	[sflag:s7] =	ssyncset.done $0x0  }
0x3b: {  	s25 =	sadd.s32 s28, s25;
	s28 =	ssub.s32 s30, s29;
	[sflag:s7] =	ssyncadd.s32 $0xFFFFD800  }
0x3c: {  	s24 =	simm.s32 $0x5400;
	s31 =	smax.u32 s28, $0x1;
	[bflag:$0x0] =	sbarrier.arrive $0xFFFF  }
0x3d: {  	[tilespmem:s24], [sflag:$0x3] =	stream.linear.gather [spmem:s4], $0x1000, $0x38;
	[tilespmem:$0x7400] =	vst v63  }
0x3e: {  	s26 =	sshll.u32 s26, $0xD;
	p0 =	sne.s32 s31, $0x1;
	_ =	swait.ge [sflag:s7], $0x1000  }
.Ltmp0:
0x3f: {  	s25 =	sadd.s32 s26, s25;
	[sflag:s7] =	ssyncset.done $0x0;
	(pc) =	sbr.rel @!p0 .LBB2_2-.Ltmp0, $4  }
0x40: {  	s25 =	sadd.s32 $0x506600, s25;
	[sflag:s7] =	ssyncadd.s32 $0xFFFFF000  }
0x41: {  	[hbm4b:s25+s3] =	stream.linear.scatter [tilespmem:s24], [sflag:$0x3], $0x1000, $0x38;
	[tilespmem:$0x7400] =	vst v63  }
0x42: {  	_ =	swait.ge [sflag:s7], $0x1000  }
0x43: {  	s26 =	sadd.s32 $0xFFFFFFFF, s31;
	[sflag:s7] =	ssyncset.done $0x0  }
.LBB2_1:
0x44: {  	p0 =	sne.s32 s26, $0x1;
	s26 =	sadd.s32 $0xFFFFFFFF, s26;
	[sflag:s7] =	ssyncadd.s32 $0xFFFFF000  }
0x45: {  	[spmem:s8], [sflag:s6] =	dma.local [hbm:s5], $0x200  }
0x46: {  	_ =	swait.ge [sflag:s7], $0x200  }
0x47: {  	[sflag:s7] =	ssyncset.done $0x0  }
0x48: {  	[sflag:s7] =	ssyncadd.s32 $0xFFFFFE00  }
0x49: {  	[tilespmem:s3], [sflag:$0x3] =	stream.linear.gather [hbm4b:s9+s3], $0x280, $0x38;
	[tilespmem:$0x7400] =	vst v63  }
0x4a: {  	_ =	swait.ge [sflag:s7], $0x280  }
0x4b: {  	[sflag:s7] =	ssyncset.done $0x0  }
0x4c: {  	[sflag:s7] =	ssyncadd.s32 $0xFFFFFD80  }
0x4d: {  	[bflag:$0x0] =	sbarrier.arrive $0xFFFF  }
0x4e: {  	[tilespmem:s11], [sflag:$0x1] =	stream.linear.gather [hbm4b:s10+s3], $0x2800, $0x38;
	[tilespmem:$0x7400] =	vst v63  }
0x4f: {  	_ = 	snop  }
0x50: {  	[tilespmem:s13], [sflag:$0x2] =	stream.linear.gather [hbm4b:s12+s3], $0x2800, $0x38;
	[tilespmem:$0x7400] =	vst v63  }
0x51: {  	_ =	swait.ge [sflag:s14], $0x2800  }
0x52: {  	[sflag:s14] =	ssyncset.done $0x0  }
0x53: {  	[sflag:s14] =	ssyncadd.s32 $0xFFFFD800  }
0x54: {  	[spmem:s1] =	stream.indirect.scatter.add.f32 [tilespmem:s11], [sflag:$0x3], $0x80, s3, s15, $0xb8;
	[tilespmem:$0x7400] =	vst v63  }
0x55: {  	_ =	swait.ge [sflag:s7], $0x2800  }
0x56: {  	[sflag:s7] =	ssyncset.done $0x0  }
0x57: {  	[sflag:s7] =	ssyncadd.s32 $0xFFFFD800  }
0x58: {  	[tilespmem:s11], [sflag:$0x1] =	stream.linear.gather [hbm4b:s16+s3], $0x2800, $0x38;
	[tilespmem:$0x7400] =	vst v63  }
0x59: {  	_ =	swait.ge [sflag:s17], $0x2800  }
0x5a: {  	[sflag:s17] =	ssyncset.done $0x0  }
0x5b: {  	[sflag:s17] =	ssyncadd.s32 $0xFFFFD800  }
0x5c: {  	[spmem:s1] =	stream.indirect.scatter.add.f32 [tilespmem:s13], [sflag:$0x3], $0x80, s18, s15, $0xb8;
	[tilespmem:$0x7400] =	vst v63  }
0x5d: {  	_ =	swait.ge [sflag:s7], $0x2800  }
0x5e: {  	[sflag:s7] =	ssyncset.done $0x0  }
0x5f: {  	[sflag:s7] =	ssyncadd.s32 $0xFFFFD800  }
0x60: {  	[tilespmem:s13], [sflag:$0x2] =	stream.linear.gather [hbm4b:s19+s3], $0x2800, $0x38;
	[tilespmem:$0x7400] =	vst v63  }
0x61: {  	_ =	swait.ge [sflag:s14], $0x2800  }
0x62: {  	[sflag:s14] =	ssyncset.done $0x0  }
0x63: {  	[sflag:s14] =	ssyncadd.s32 $0xFFFFD800  }
0x64: {  	[spmem:s1] =	stream.indirect.scatter.add.f32 [tilespmem:s11], [sflag:$0x3], $0x80, s20, s15, $0xb8;
	[tilespmem:$0x7400] =	vst v63  }
0x65: {  	_ =	swait.ge [sflag:s7], $0x2800  }
0x66: {  	[sflag:s7] =	ssyncset.done $0x0  }
0x67: {  	[sflag:s7] =	ssyncadd.s32 $0xFFFFD800  }
0x68: {  	[tilespmem:s11], [sflag:$0x1] =	stream.linear.gather [hbm4b:s21+s3], $0x2800, $0x38;
	[tilespmem:$0x7400] =	vst v63  }
0x69: {  	_ =	swait.ge [sflag:s17], $0x2800  }
0x6a: {  	[sflag:s17] =	ssyncset.done $0x0  }
0x6b: {  	[sflag:s17] =	ssyncadd.s32 $0xFFFFD800  }
0x6c: {  	[spmem:s1] =	stream.indirect.scatter.add.f32 [tilespmem:s13], [sflag:$0x3], $0x80, s22, s15, $0xb8;
	[tilespmem:$0x7400] =	vst v63  }
0x6d: {  	_ =	swait.ge [sflag:s7], $0x2800  }
0x6e: {  	[sflag:s7] =	ssyncset.done $0x0  }
0x6f: {  	[sflag:s7] =	ssyncadd.s32 $0xFFFFD800  }
0x70: {  	_ =	swait.ge [sflag:s14], $0x2800  }
0x71: {  	[sflag:s14] =	ssyncset.done $0x0  }
0x72: {  	[sflag:s14] =	ssyncadd.s32 $0xFFFFD800  }
0x73: {  	[spmem:s1] =	stream.indirect.scatter.add.f32 [tilespmem:s11], [sflag:$0x3], $0x80, s23, s15, $0xb8;
	[tilespmem:$0x7400] =	vst v63  }
0x74: {  	_ =	swait.ge [sflag:s7], $0x2800  }
0x75: {  	[sflag:s7] =	ssyncset.done $0x0  }
0x76: {  	[sflag:s7] =	ssyncadd.s32 $0xFFFFD800  }
0x77: {  	[bflag:$0x0] =	sbarrier.arrive $0xFFFF  }
0x78: {  	[tilespmem:s24], [sflag:$0x3] =	stream.linear.gather [spmem:s4], $0x1000, $0x38;
	[tilespmem:$0x7400] =	vst v63  }
0x79: {  	_ =	swait.ge [sflag:s7], $0x1000  }
.Ltmp1:
0x7a: {  	[sflag:s7] =	ssyncset.done $0x0;
	(pc) =	sbr.rel @p0 .LBB2_1-.Ltmp1, $4  }
0x7b: {  	[sflag:s7] =	ssyncadd.s32 $0xFFFFF000  }
0x7c: {  	[hbm4b:s25+s3] =	stream.linear.scatter [tilespmem:s24], [sflag:$0x3], $0x1000, $0x38;
	[tilespmem:$0x7400] =	vst v63  }
0x7d: {  	_ =	swait.ge [sflag:s7], $0x1000  }
0x7e: {  	[sflag:s7] =	ssyncset.done $0x0  }
.LBB2_2:
0x7f: {  	[sflag:s7] =	ssyncadd.s32 $0xFFFFF000  }
0x80: {  	_ =	sfence.sel $0x180000  }
0x81: {  	[bflag:$0x0] =	sbarrier.arrive $0xFFFF  }
0x82: {  	p0 =	sne.s32 s2, $0x0;
	_ =	strace $0x90000053  }
0x83: {  	s0 =	sadd.s32 @!p0 $0x100000, s0;
	[bflag:$0x2] =	sbarrier.arrive $0xFFFF  }
0x84: {  	[sflag:s0] =	ssyncadd.tile.s32 @!p0 $0x1;
	_ =	shalt  }
.Lfunc_end2:
_tile_overlayer_lowered:
.L_overlay_start_2:
0x85: {  	(tag) =	ssettag $0x2  }
0x86: {  	s0 =	rddreg [dreg:$0x0];
	s2 =	stileid.u32  }
0x87: {  	s1 =	rddreg [dreg:$0x1];
	p0 =	sne.s32 s2, $0x0  }
0x88: {  	s3 =	rddreg [dreg:$0x2];
	[bflag:$0x3] =	sbarrier.arrive $0xFFFF;
	s2 =	simm.s32 @!p0 $0x1C03  }
0x89: {  	[timem:s3], [sflag:s2] =	dma.local @!p0 [hbm:s0], s1  }
0x8a: {  	s0 =	simm.s32 @!p0 $0x3  }
0x8b: {  	_ =	swait.ge @!p0 [sflag:s0], s1  }
0x8c: {  	s1 =	ssub.s32 @!p0 $0x0, s1;
	[sflag:s0] =	ssyncset.done @!p0 $0x0  }
0x8d: {  	[sflag:s0] =	ssyncadd.s32 @!p0 s1  }
0x8e: {  	[bflag:$0x3] =	sbarrier.arrive $0xFFFF  }
0x8f: {  	_ =	shalt  }

</sc_bundles>
